<compile_context>
chip_gen: v7x
topology: tpu7x:2x2x1
jax: 0.10.2.dev20260603
libtpu: 0.0.44.dev20260713+nightly
codegen_flags: <defaults>
</compile_context>

<pallas_src>
import jax
import jax.numpy as jnp
from jax import lax
from jax.experimental import pallas as pl
from jax.experimental.pallas import tpu as pltpu
from jax.experimental.pallas import tpu_sc as plsc

NC = 2
NS = 16
NW = NC * NS
L = 16

R = 128
C = 100000
N = 16384
ROWS_PER_W = R // NW
SRC_CHUNK = 4096
NSC = N // SRC_CHUNK
SUNROLL = 8


def _scatter_body(x_hbm, idx_hbm, src_hbm, out_hbm, idx_v, row_v,
                  sv0, sv1, ssems, isem):
    svs = [sv0, sv1]
    wid = lax.axis_index("s") * NC + lax.axis_index("c")
    idx_h = pltpu.async_copy(idx_hbm, idx_v, isem)
    idx_waited = [False]
    for rr in range(ROWS_PER_W):
        r = wid * ROWS_PER_W + rr
        src_h = [None] * NSC
        src_h[0] = pltpu.async_copy(
            src_hbm.at[r, pl.ds(0, SRC_CHUNK)], svs[0], ssems.at[0])
        pltpu.sync_copy(x_hbm.at[r], row_v)
        if not idx_waited[0]:
            idx_h.wait()
            idx_waited[0] = True
        for ch in range(NSC):
            sb = ch % 2
            src_h[ch].wait()
            if ch + 1 < NSC:
                src_h[ch + 1] = pltpu.async_copy(
                    src_hbm.at[r, pl.ds((ch + 1) * SRC_CHUNK, SRC_CHUNK)],
                    svs[1 - sb], ssems.at[1 - sb])

            def sbody(i, _, sb=sb, ch=ch):
                for u in range(SUNROLL):
                    g = i * SUNROLL + u
                    idxs = idx_v[pl.ds(ch * SRC_CHUNK + g * L, L)]
                    vals = svs[sb][pl.ds(g * L, L)]
                    plsc.addupdate_scatter(row_v, [idxs], vals)
                return 0

            lax.fori_loop(0, SRC_CHUNK // L // SUNROLL, sbody, 0)
        pltpu.sync_copy(row_v, out_hbm.at[r])


def kernel(x, indices, src):
    idx32 = indices.astype(jnp.int32)
    mesh = plsc.VectorSubcoreMesh(core_axis_name="c", subcore_axis_name="s")
    f = pl.kernel(
        _scatter_body,
        out_type=jax.ShapeDtypeStruct((R, C), jnp.float32),
        mesh=mesh,
        scratch_types=[
            pltpu.VMEM((N,), jnp.int32),
            pltpu.VMEM((C,), jnp.float32),
            pltpu.VMEM((SRC_CHUNK,), jnp.float32),
            pltpu.VMEM((SRC_CHUNK,), jnp.float32),
            pltpu.SemaphoreType.DMA((2,)),
            pltpu.SemaphoreType.DMA,
        ],
        compiler_params=pltpu.CompilerParams(needs_layout_passes=False),
    )
    return f(x, idx32, src)

# --- scband reference (transcript-rebuilt; emitter-appended) ---
"""Pipeline reference for scband-index-add-op-15994458210800 (READ-ONLY COPY).

The authoritative reference and input builder live on the scoring server;
editing this copy changes nothing except your own understanding.
"""

import jax, jax.numpy as jnp
import numpy as np


def setup_inputs(seed: int = 0) -> dict:
    key = jax.random.key(seed)
    k1, k2, k3 = jax.random.split(key, 3)
    x = jax.random.normal(k1, (128, 100000), dtype=jnp.float32)
    indices = jax.random.randint(k2, (16384,), 0, 100000, dtype=jnp.int64)
    src = jax.random.normal(k3, (128, 16384), dtype=jnp.float32)
    return {"x": x, "indices": indices, "src": src}


def reference(x, indices, src):
    # torch: x.index_add(1, indices, src)
    # scatter-add along axis 1; duplicate indices accumulate.
    return x.at[:, indices].add(src)

if __name__ == "__main__":
    import jax
    _d = setup_inputs()
    print(jax.jit(kernel)(*tuple(_d.values())))

</pallas_src>

<mosaic_0001>
#map = affine_map<(d0, d1) -> (0, 0)>
#map1 = affine_map<(d0, d1) -> (0)>
module attributes {stable_mosaic.version = 14 : i64} {
  func.func @_scatter_body(%arg0: i32, %arg1: i32, %arg2: memref<128x100000xf32, #tpu.memory_space<hbm>>, %arg3: memref<16384xi32, #tpu.memory_space<hbm>>, %arg4: memref<128x16384xf32, #tpu.memory_space<hbm>>, %arg5: memref<128x100000xf32, #tpu.memory_space<hbm>>, %arg6: memref<16384xi32, #tpu.memory_space<vmem>>, %arg7: memref<100000xf32, #tpu.memory_space<vmem>>, %arg8: memref<4096xf32, #tpu.memory_space<vmem>>, %arg9: memref<4096xf32, #tpu.memory_space<vmem>>, %arg10: memref<2x!tpu.dma_semaphore, #tpu.memory_space<semaphore_mem>>, %arg11: memref<!tpu.dma_semaphore, #tpu.memory_space<semaphore_mem>>) attributes {dimension_semantics = [#tpu.dimension_semantics<core_parallel>, #tpu.dimension_semantics<subcore_parallel>], iteration_bounds = array<i64: 2, 16>, scalar_prefetch = 0 : i64, scratch_operands = 6 : i64, tpu.core_type = #tpu.core_type<sc_vector_subcore>, window_params = [{transform_indices = #map}, {transform_indices = #map1}, {transform_indices = #map}, {transform_indices = #map}]} {
    %mul3A = arith.constant 2 : i32
    %mul3A_0 = arith.muli %arg1, %mul3A : i32
    %add3A = arith.addi %mul3A_0, %arg0 : i32
    tpu.enqueue_dma source(%arg3 : memref<16384xi32, #tpu.memory_space<hbm>>) target(%arg6 : memref<16384xi32, #tpu.memory_space<vmem>>) target_semaphore(%arg11 : memref<!tpu.dma_semaphore, #tpu.memory_space<semaphore_mem>>)
    %mul3A_1 = arith.constant 4 : i32
    %mul3A_2 = arith.muli %add3A, %mul3A_1 : i32
    %add3A_3 = arith.constant 0 : i32
    %add3A_4 = arith.addi %mul3A_2, %add3A_3 : i32
    %dma_start3A = arith.constant 0 : i32
    %dma_start3A_5 = arith.constant 0 : i32
    %dma_start3A_6 = tpu.memref_slice %arg4[%add3A_4, %dma_start3A_5] : memref<128x16384xf32, #tpu.memory_space<hbm>> -> memref<1x4096xf32, #tpu.memory_space<hbm>>
    %dma_start3A_7 = tpu.memref_squeeze %dma_start3A_6 : memref<1x4096xf32, #tpu.memory_space<hbm>> -> memref<4096xf32, #tpu.memory_space<hbm>>
    %dma_start3A_8 = tpu.memref_slice %arg10[%dma_start3A] : memref<2x!tpu.dma_semaphore, #tpu.memory_space<semaphore_mem>> -> memref<1x!tpu.dma_semaphore, #tpu.memory_space<semaphore_mem>>
    %dma_start3A_9 = tpu.memref_squeeze %dma_start3A_8 : memref<1x!tpu.dma_semaphore, #tpu.memory_space<semaphore_mem>> -> memref<!tpu.dma_semaphore, #tpu.memory_space<semaphore_mem>>
    %dma_start3A_10 = arith.constant 0 : i32
    %dma_start3A_11 = tpu.memref_slice %arg4[%add3A_4, %dma_start3A_10] : memref<128x16384xf32, #tpu.memory_space<hbm>> -> memref<1x4096xf32, #tpu.memory_space<hbm>>
    %dma_start3A_12 = tpu.memref_squeeze %dma_start3A_11 : memref<1x4096xf32, #tpu.memory_space<hbm>> -> memref<4096xf32, #tpu.memory_space<hbm>>
    tpu.enqueue_dma source(%dma_start3A_12 : memref<4096xf32, #tpu.memory_space<hbm>>) target(%arg8 : memref<4096xf32, #tpu.memory_space<vmem>>) target_semaphore(%dma_start3A_9 : memref<!tpu.dma_semaphore, #tpu.memory_space<semaphore_mem>>)
    "tpu.region"() ({
      %run_scoped3A = tpu.sem_alloc : memref<!tpu.dma_semaphore, #tpu.memory_space<semaphore_mem>>
      %dma_start3A_414 = arith.constant 0 : i32
      %dma_start3A_415 = tpu.memref_slice %arg2[%add3A_4, %dma_start3A_414] : memref<128x100000xf32, #tpu.memory_space<hbm>> -> memref<1x100000xf32, #tpu.memory_space<hbm>>
      %dma_start3A_416 = tpu.memref_squeeze %dma_start3A_415 : memref<1x100000xf32, #tpu.memory_space<hbm>> -> memref<100000xf32, #tpu.memory_space<hbm>>
      %dma_start3A_417 = arith.constant 0 : i32
      %dma_start3A_418 = tpu.memref_slice %arg2[%add3A_4, %dma_start3A_417] : memref<128x100000xf32, #tpu.memory_space<hbm>> -> memref<1x100000xf32, #tpu.memory_space<hbm>>
      %dma_start3A_419 = tpu.memref_squeeze %dma_start3A_418 : memref<1x100000xf32, #tpu.memory_space<hbm>> -> memref<100000xf32, #tpu.memory_space<hbm>>
      tpu.enqueue_dma source(%dma_start3A_419 : memref<100000xf32, #tpu.memory_space<hbm>>) target(%arg7 : memref<100000xf32, #tpu.memory_space<vmem>>) target_semaphore(%run_scoped3A : memref<!tpu.dma_semaphore, #tpu.memory_space<semaphore_mem>>)
      %dma_wait3A_420 = arith.constant 0 : i32
      %dma_wait3A_421 = tpu.memref_slice %arg2[%add3A_4, %dma_wait3A_420] : memref<128x100000xf32, #tpu.memory_space<hbm>> -> memref<1x100000xf32, #tpu.memory_space<hbm>>
      %dma_wait3A_422 = tpu.memref_squeeze %dma_wait3A_421 : memref<1x100000xf32, #tpu.memory_space<hbm>> -> memref<100000xf32, #tpu.memory_space<hbm>>
      %dma_wait3A_423 = arith.constant 0 : i32
      %dma_wait3A_424 = tpu.memref_slice %arg2[%add3A_4, %dma_wait3A_423] : memref<128x100000xf32, #tpu.memory_space<hbm>> -> memref<1x100000xf32, #tpu.memory_space<hbm>>
      %dma_wait3A_425 = tpu.memref_squeeze %dma_wait3A_424 : memref<1x100000xf32, #tpu.memory_space<hbm>> -> memref<100000xf32, #tpu.memory_space<hbm>>
      tpu.wait_dma2 semaphore(%run_scoped3A : memref<!tpu.dma_semaphore, #tpu.memory_space<semaphore_mem>>) src(%dma_wait3A_425 : memref<100000xf32, #tpu.memory_space<hbm>>) dst(%arg7 : memref<100000xf32, #tpu.memory_space<vmem>>)
      tpu.yield
    }) : () -> ()
    tpu.wait_dma2 semaphore(%arg11 : memref<!tpu.dma_semaphore, #tpu.memory_space<semaphore_mem>>) src(%arg3 : memref<16384xi32, #tpu.memory_space<hbm>>) dst(%arg6 : memref<16384xi32, #tpu.memory_space<vmem>>)
    %dma_wait3A = arith.constant 0 : i32
    %dma_wait3A_13 = arith.constant 0 : i32
    %dma_wait3A_14 = tpu.memref_slice %arg4[%add3A_4, %dma_wait3A_13] : memref<128x16384xf32, #tpu.memory_space<hbm>> -> memref<1x4096xf32, #tpu.memory_space<hbm>>
    %dma_wait3A_15 = tpu.memref_squeeze %dma_wait3A_14 : memref<1x4096xf32, #tpu.memory_space<hbm>> -> memref<4096xf32, #tpu.memory_space<hbm>>
    %dma_wait3A_16 = tpu.memref_slice %arg10[%dma_wait3A] : memref<2x!tpu.dma_semaphore, #tpu.memory_space<semaphore_mem>> -> memref<1x!tpu.dma_semaphore, #tpu.memory_space<semaphore_mem>>
    %dma_wait3A_17 = tpu.memref_squeeze %dma_wait3A_16 : memref<1x!tpu.dma_semaphore, #tpu.memory_space<semaphore_mem>> -> memref<!tpu.dma_semaphore, #tpu.memory_space<semaphore_mem>>
    %dma_wait3A_18 = arith.constant 0 : i32
    %dma_wait3A_19 = tpu.memref_slice %arg4[%add3A_4, %dma_wait3A_18] : memref<128x16384xf32, #tpu.memory_space<hbm>> -> memref<1x4096xf32, #tpu.memory_space<hbm>>
    %dma_wait3A_20 = tpu.memref_squeeze %dma_wait3A_19 : memref<1x4096xf32, #tpu.memory_space<hbm>> -> memref<4096xf32, #tpu.memory_space<hbm>>
    tpu.wait_dma2 semaphore(%dma_wait3A_17 : memref<!tpu.dma_semaphore, #tpu.memory_space<semaphore_mem>>) src(%dma_wait3A_20 : memref<4096xf32, #tpu.memory_space<hbm>>) dst(%arg8 : memref<4096xf32, #tpu.memory_space<vmem>>)
    %dma_start3A_21 = arith.constant 1 : i32
    %dma_start3A_22 = arith.constant 4096 : i32
    %dma_start3A_23 = tpu.memref_slice %arg4[%add3A_4, %dma_start3A_22] : memref<128x16384xf32, #tpu.memory_space<hbm>> -> memref<1x4096xf32, #tpu.memory_space<hbm>>
    %dma_start3A_24 = tpu.memref_squeeze %dma_start3A_23 : memref<1x4096xf32, #tpu.memory_space<hbm>> -> memref<4096xf32, #tpu.memory_space<hbm>>
    %dma_start3A_25 = tpu.memref_slice %arg10[%dma_start3A_21] : memref<2x!tpu.dma_semaphore, #tpu.memory_space<semaphore_mem>> -> memref<1x!tpu.dma_semaphore, #tpu.memory_space<semaphore_mem>>
    %dma_start3A_26 = tpu.memref_squeeze %dma_start3A_25 : memref<1x!tpu.dma_semaphore, #tpu.memory_space<semaphore_mem>> -> memref<!tpu.dma_semaphore, #tpu.memory_space<semaphore_mem>>
    %dma_start3A_27 = arith.constant 4096 : i32
    %dma_start3A_28 = tpu.memref_slice %arg4[%add3A_4, %dma_start3A_27] : memref<128x16384xf32, #tpu.memory_space<hbm>> -> memref<1x4096xf32, #tpu.memory_space<hbm>>
    %dma_start3A_29 = tpu.memref_squeeze %dma_start3A_28 : memref<1x4096xf32, #tpu.memory_space<hbm>> -> memref<4096xf32, #tpu.memory_space<hbm>>
    tpu.enqueue_dma source(%dma_start3A_29 : memref<4096xf32, #tpu.memory_space<hbm>>) target(%arg9 : memref<4096xf32, #tpu.memory_space<vmem>>) target_semaphore(%dma_start3A_26 : memref<!tpu.dma_semaphore, #tpu.memory_space<semaphore_mem>>)
    %scan3A = arith.constant 0 : i32
    %scan3A_30 = arith.constant 0 : i32
    %scan3A_31 = arith.constant 32 : i32
    %scan3A_32 = arith.addi %scan3A_30, %scan3A_31 : i32
    %scan3A_33 = arith.constant 1 : i32
    %scan3A_34 = scf.for %scan3A_414 = %scan3A_30 to %scan3A_32 step %scan3A_33 iter_args(%scan3A_415 = %scan3A) -> (i32)  : i32 {
      %mul3A_416 = arith.constant 8 : i32
      %mul3A_417 = arith.muli %scan3A_414, %mul3A_416 : i32
      %add3A_418 = arith.constant 0 : i32
      %add3A_419 = arith.addi %mul3A_417, %add3A_418 : i32
      %mul3A_420 = arith.constant 16 : i32
      %mul3A_421 = arith.muli %add3A_419, %mul3A_420 : i32
      %add3A_422 = arith.constant 0 : i32
      %add3A_423 = arith.addi %add3A_422, %mul3A_421 : i32
      %get3A = arith.index_cast %add3A_423 : i32 to index
      %get3A_424 = tpu.vector_load %arg6[%get3A] {strides = array<i32>} : memref<16384xi32, #tpu.memory_space<vmem>>, vector<16xi32>,
      %mul3A_425 = arith.constant 16 : i32
      %mul3A_426 = arith.muli %add3A_419, %mul3A_425 : i32
      %get3A_427 = arith.index_cast %mul3A_426 : i32 to index
      %get3A_428 = tpu.vector_load %arg8[%get3A_427] {strides = array<i32>} : memref<4096xf32, #tpu.memory_space<vmem>>, vector<16xf32>,
      tpu.vector_store_idx %arg7[%get3A_424], %get3A_428 {add = true} : memref<100000xf32, #tpu.memory_space<vmem>>[vector<16xi32>], vector<16xf32>,
      %mul3A_429 = arith.constant 8 : i32
      %mul3A_430 = arith.muli %scan3A_414, %mul3A_429 : i32
      %add3A_431 = arith.constant 1 : i32
      %add3A_432 = arith.addi %mul3A_430, %add3A_431 : i32
      %mul3A_433 = arith.constant 16 : i32
      %mul3A_434 = arith.muli %add3A_432, %mul3A_433 : i32
      %add3A_435 = arith.constant 0 : i32
      %add3A_436 = arith.addi %add3A_435, %mul3A_434 : i32
      %get3A_437 = arith.index_cast %add3A_436 : i32 to index
      %get3A_438 = tpu.vector_load %arg6[%get3A_437] {strides = array<i32>} : memref<16384xi32, #tpu.memory_space<vmem>>, vector<16xi32>,
      %mul3A_439 = arith.constant 16 : i32
      %mul3A_440 = arith.muli %add3A_432, %mul3A_439 : i32
      %get3A_441 = arith.index_cast %mul3A_440 : i32 to index
      %get3A_442 = tpu.vector_load %arg8[%get3A_441] {strides = array<i32>} : memref<4096xf32, #tpu.memory_space<vmem>>, vector<16xf32>,
      tpu.vector_store_idx %arg7[%get3A_438], %get3A_442 {add = true} : memref<100000xf32, #tpu.memory_space<vmem>>[vector<16xi32>], vector<16xf32>,
      %mul3A_443 = arith.constant 8 : i32
      %mul3A_444 = arith.muli %scan3A_414, %mul3A_443 : i32
      %add3A_445 = arith.constant 2 : i32
      %add3A_446 = arith.addi %mul3A_444, %add3A_445 : i32
      %mul3A_447 = arith.constant 16 : i32
      %mul3A_448 = arith.muli %add3A_446, %mul3A_447 : i32
      %add3A_449 = arith.constant 0 : i32
      %add3A_450 = arith.addi %add3A_449, %mul3A_448 : i32
      %get3A_451 = arith.index_cast %add3A_450 : i32 to index
      %get3A_452 = tpu.vector_load %arg6[%get3A_451] {strides = array<i32>} : memref<16384xi32, #tpu.memory_space<vmem>>, vector<16xi32>,
      %mul3A_453 = arith.constant 16 : i32
      %mul3A_454 = arith.muli %add3A_446, %mul3A_453 : i32
      %get3A_455 = arith.index_cast %mul3A_454 : i32 to index
      %get3A_456 = tpu.vector_load %arg8[%get3A_455] {strides = array<i32>} : memref<4096xf32, #tpu.memory_space<vmem>>, vector<16xf32>,
      tpu.vector_store_idx %arg7[%get3A_452], %get3A_456 {add = true} : memref<100000xf32, #tpu.memory_space<vmem>>[vector<16xi32>], vector<16xf32>,
      %mul3A_457 = arith.constant 8 : i32
      %mul3A_458 = arith.muli %scan3A_414, %mul3A_457 : i32
      %add3A_459 = arith.constant 3 : i32
      %add3A_460 = arith.addi %mul3A_458, %add3A_459 : i32
      %mul3A_461 = arith.constant 16 : i32
      %mul3A_462 = arith.muli %add3A_460, %mul3A_461 : i32
      %add3A_463 = arith.constant 0 : i32
      %add3A_464 = arith.addi %add3A_463, %mul3A_462 : i32
      %get3A_465 = arith.index_cast %add3A_464 : i32 to index
      %get3A_466 = tpu.vector_load %arg6[%get3A_465] {strides = array<i32>} : memref<16384xi32, #tpu.memory_space<vmem>>, vector<16xi32>,
      %mul3A_467 = arith.constant 16 : i32
      %mul3A_468 = arith.muli %add3A_460, %mul3A_467 : i32
      %get3A_469 = arith.index_cast %mul3A_468 : i32 to index
      %get3A_470 = tpu.vector_load %arg8[%get3A_469] {strides = array<i32>} : memref<4096xf32, #tpu.memory_space<vmem>>, vector<16xf32>,
      tpu.vector_store_idx %arg7[%get3A_466], %get3A_470 {add = true} : memref<100000xf32, #tpu.memory_space<vmem>>[vector<16xi32>], vector<16xf32>,
      %mul3A_471 = arith.constant 8 : i32
      %mul3A_472 = arith.muli %scan3A_414, %mul3A_471 : i32
      %add3A_473 = arith.constant 4 : i32
      %add3A_474 = arith.addi %mul3A_472, %add3A_473 : i32
      %mul3A_475 = arith.constant 16 : i32
      %mul3A_476 = arith.muli %add3A_474, %mul3A_475 : i32
      %add3A_477 = arith.constant 0 : i32
      %add3A_478 = arith.addi %add3A_477, %mul3A_476 : i32
      %get3A_479 = arith.index_cast %add3A_478 : i32 to index
      %get3A_480 = tpu.vector_load %arg6[%get3A_479] {strides = array<i32>} : memref<16384xi32, #tpu.memory_space<vmem>>, vector<16xi32>,
      %mul3A_481 = arith.constant 16 : i32
      %mul3A_482 = arith.muli %add3A_474, %mul3A_481 : i32
      %get3A_483 = arith.index_cast %mul3A_482 : i32 to index
      %get3A_484 = tpu.vector_load %arg8[%get3A_483] {strides = array<i32>} : memref<4096xf32, #tpu.memory_space<vmem>>, vector<16xf32>,
      tpu.vector_store_idx %arg7[%get3A_480], %get3A_484 {add = true} : memref<100000xf32, #tpu.memory_space<vmem>>[vector<16xi32>], vector<16xf32>,
      %mul3A_485 = arith.constant 8 : i32
      %mul3A_486 = arith.muli %scan3A_414, %mul3A_485 : i32
      %add3A_487 = arith.constant 5 : i32
      %add3A_488 = arith.addi %mul3A_486, %add3A_487 : i32
      %mul3A_489 = arith.constant 16 : i32
      %mul3A_490 = arith.muli %add3A_488, %mul3A_489 : i32
      %add3A_491 = arith.constant 0 : i32
      %add3A_492 = arith.addi %add3A_491, %mul3A_490 : i32
      %get3A_493 = arith.index_cast %add3A_492 : i32 to index
      %get3A_494 = tpu.vector_load %arg6[%get3A_493] {strides = array<i32>} : memref<16384xi32, #tpu.memory_space<vmem>>, vector<16xi32>,
      %mul3A_495 = arith.constant 16 : i32
      %mul3A_496 = arith.muli %add3A_488, %mul3A_495 : i32
      %get3A_497 = arith.index_cast %mul3A_496 : i32 to index
      %get3A_498 = tpu.vector_load %arg8[%get3A_497] {strides = array<i32>} : memref<4096xf32, #tpu.memory_space<vmem>>, vector<16xf32>,
      tpu.vector_store_idx %arg7[%get3A_494], %get3A_498 {add = true} : memref<100000xf32, #tpu.memory_space<vmem>>[vector<16xi32>], vector<16xf32>,
      %mul3A_499 = arith.constant 8 : i32
      %mul3A_500 = arith.muli %scan3A_414, %mul3A_499 : i32
      %add3A_501 = arith.constant 6 : i32
      %add3A_502 = arith.addi %mul3A_500, %add3A_501 : i32
      %mul3A_503 = arith.constant 16 : i32
      %mul3A_504 = arith.muli %add3A_502, %mul3A_503 : i32
      %add3A_505 = arith.constant 0 : i32
      %add3A_506 = arith.addi %add3A_505, %mul3A_504 : i32
      %get3A_507 = arith.index_cast %add3A_506 : i32 to index
      %get3A_508 = tpu.vector_load %arg6[%get3A_507] {strides = array<i32>} : memref<16384xi32, #tpu.memory_space<vmem>>, vector<16xi32>,
      %mul3A_509 = arith.constant 16 : i32
      %mul3A_510 = arith.muli %add3A_502, %mul3A_509 : i32
      %get3A_511 = arith.index_cast %mul3A_510 : i32 to index
      %get3A_512 = tpu.vector_load %arg8[%get3A_511] {strides = array<i32>} : memref<4096xf32, #tpu.memory_space<vmem>>, vector<16xf32>,
      tpu.vector_store_idx %arg7[%get3A_508], %get3A_512 {add = true} : memref<100000xf32, #tpu.memory_space<vmem>>[vector<16xi32>], vector<16xf32>,
      %mul3A_513 = arith.constant 8 : i32
      %mul3A_514 = arith.muli %scan3A_414, %mul3A_513 : i32
      %add3A_515 = arith.constant 7 : i32
      %add3A_516 = arith.addi %mul3A_514, %add3A_515 : i32
      %mul3A_517 = arith.constant 16 : i32
      %mul3A_518 = arith.muli %add3A_516, %mul3A_517 : i32
      %add3A_519 = arith.constant 0 : i32
      %add3A_520 = arith.addi %add3A_519, %mul3A_518 : i32
      %get3A_521 = arith.index_cast %add3A_520 : i32 to index
      %get3A_522 = tpu.vector_load %arg6[%get3A_521] {strides = array<i32>} : memref<16384xi32, #tpu.memory_space<vmem>>, vector<16xi32>,
      %mul3A_523 = arith.constant 16 : i32
      %mul3A_524 = arith.muli %add3A_516, %mul3A_523 : i32
      %get3A_525 = arith.index_cast %mul3A_524 : i32 to index
      %get3A_526 = tpu.vector_load %arg8[%get3A_525] {strides = array<i32>} : memref<4096xf32, #tpu.memory_space<vmem>>, vector<16xf32>,
      tpu.vector_store_idx %arg7[%get3A_522], %get3A_526 {add = true} : memref<100000xf32, #tpu.memory_space<vmem>>[vector<16xi32>], vector<16xf32>,
      %scan3A_527 = arith.constant 0 : i32
      scf.yield %scan3A_527 : i32
    }
    %scan3A_35 = arith.constant 32 : i32
    %dma_wait3A_36 = arith.constant 1 : i32
    %dma_wait3A_37 = arith.constant 4096 : i32
    %dma_wait3A_38 = tpu.memref_slice %arg4[%add3A_4, %dma_wait3A_37] : memref<128x16384xf32, #tpu.memory_space<hbm>> -> memref<1x4096xf32, #tpu.memory_space<hbm>>
    %dma_wait3A_39 = tpu.memref_squeeze %dma_wait3A_38 : memref<1x4096xf32, #tpu.memory_space<hbm>> -> memref<4096xf32, #tpu.memory_space<hbm>>
    %dma_wait3A_40 = tpu.memref_slice %arg10[%dma_wait3A_36] : memref<2x!tpu.dma_semaphore, #tpu.memory_space<semaphore_mem>> -> memref<1x!tpu.dma_semaphore, #tpu.memory_space<semaphore_mem>>
    %dma_wait3A_41 = tpu.memref_squeeze %dma_wait3A_40 : memref<1x!tpu.dma_semaphore, #tpu.memory_space<semaphore_mem>> -> memref<!tpu.dma_semaphore, #tpu.memory_space<semaphore_mem>>
    %dma_wait3A_42 = arith.constant 4096 : i32
    %dma_wait3A_43 = tpu.memref_slice %arg4[%add3A_4, %dma_wait3A_42] : memref<128x16384xf32, #tpu.memory_space<hbm>> -> memref<1x4096xf32, #tpu.memory_space<hbm>>
    %dma_wait3A_44 = tpu.memref_squeeze %dma_wait3A_43 : memref<1x4096xf32, #tpu.memory_space<hbm>> -> memref<4096xf32, #tpu.memory_space<hbm>>
    tpu.wait_dma2 semaphore(%dma_wait3A_41 : memref<!tpu.dma_semaphore, #tpu.memory_space<semaphore_mem>>) src(%dma_wait3A_44 : memref<4096xf32, #tpu.memory_space<hbm>>) dst(%arg9 : memref<4096xf32, #tpu.memory_space<vmem>>)
    %dma_start3A_45 = arith.constant 0 : i32
    %dma_start3A_46 = arith.constant 8192 : i32
    %dma_start3A_47 = tpu.memref_slice %arg4[%add3A_4, %dma_start3A_46] : memref<128x16384xf32, #tpu.memory_space<hbm>> -> memref<1x4096xf32, #tpu.memory_space<hbm>>
    %dma_start3A_48 = tpu.memref_squeeze %dma_start3A_47 : memref<1x4096xf32, #tpu.memory_space<hbm>> -> memref<4096xf32, #tpu.memory_space<hbm>>
    %dma_start3A_49 = tpu.memref_slice %arg10[%dma_start3A_45] : memref<2x!tpu.dma_semaphore, #tpu.memory_space<semaphore_mem>> -> memref<1x!tpu.dma_semaphore, #tpu.memory_space<semaphore_mem>>
    %dma_start3A_50 = tpu.memref_squeeze %dma_start3A_49 : memref<1x!tpu.dma_semaphore, #tpu.memory_space<semaphore_mem>> -> memref<!tpu.dma_semaphore, #tpu.memory_space<semaphore_mem>>
    %dma_start3A_51 = arith.constant 8192 : i32
    %dma_start3A_52 = tpu.memref_slice %arg4[%add3A_4, %dma_start3A_51] : memref<128x16384xf32, #tpu.memory_space<hbm>> -> memref<1x4096xf32, #tpu.memory_space<hbm>>
    %dma_start3A_53 = tpu.memref_squeeze %dma_start3A_52 : memref<1x4096xf32, #tpu.memory_space<hbm>> -> memref<4096xf32, #tpu.memory_space<hbm>>
    tpu.enqueue_dma source(%dma_start3A_53 : memref<4096xf32, #tpu.memory_space<hbm>>) target(%arg8 : memref<4096xf32, #tpu.memory_space<vmem>>) target_semaphore(%dma_start3A_50 : memref<!tpu.dma_semaphore, #tpu.memory_space<semaphore_mem>>)
    %scan3A_54 = arith.constant 0 : i32
    %scan3A_55 = arith.constant 0 : i32
    %scan3A_56 = arith.constant 32 : i32
    %scan3A_57 = arith.addi %scan3A_55, %scan3A_56 : i32
    %scan3A_58 = arith.constant 1 : i32
    %scan3A_59 = scf.for %scan3A_414 = %scan3A_55 to %scan3A_57 step %scan3A_58 iter_args(%scan3A_415 = %scan3A_54) -> (i32)  : i32 {
      %mul3A_416 = arith.constant 8 : i32
      %mul3A_417 = arith.muli %scan3A_414, %mul3A_416 : i32
      %add3A_418 = arith.constant 0 : i32
      %add3A_419 = arith.addi %mul3A_417, %add3A_418 : i32
      %mul3A_420 = arith.constant 16 : i32
      %mul3A_421 = arith.muli %add3A_419, %mul3A_420 : i32
      %add3A_422 = arith.constant 4096 : i32
      %add3A_423 = arith.addi %add3A_422, %mul3A_421 : i32
      %get3A = arith.index_cast %add3A_423 : i32 to index
      %get3A_424 = tpu.vector_load %arg6[%get3A] {strides = array<i32>} : memref<16384xi32, #tpu.memory_space<vmem>>, vector<16xi32>,
      %mul3A_425 = arith.constant 16 : i32
      %mul3A_426 = arith.muli %add3A_419, %mul3A_425 : i32
      %get3A_427 = arith.index_cast %mul3A_426 : i32 to index
      %get3A_428 = tpu.vector_load %arg9[%get3A_427] {strides = array<i32>} : memref<4096xf32, #tpu.memory_space<vmem>>, vector<16xf32>,
      tpu.vector_store_idx %arg7[%get3A_424], %get3A_428 {add = true} : memref<100000xf32, #tpu.memory_space<vmem>>[vector<16xi32>], vector<16xf32>,
      %mul3A_429 = arith.constant 8 : i32
      %mul3A_430 = arith.muli %scan3A_414, %mul3A_429 : i32
      %add3A_431 = arith.constant 1 : i32
      %add3A_432 = arith.addi %mul3A_430, %add3A_431 : i32
      %mul3A_433 = arith.constant 16 : i32
      %mul3A_434 = arith.muli %add3A_432, %mul3A_433 : i32
      %add3A_435 = arith.constant 4096 : i32
      %add3A_436 = arith.addi %add3A_435, %mul3A_434 : i32
      %get3A_437 = arith.index_cast %add3A_436 : i32 to index
      %get3A_438 = tpu.vector_load %arg6[%get3A_437] {strides = array<i32>} : memref<16384xi32, #tpu.memory_space<vmem>>, vector<16xi32>,
      %mul3A_439 = arith.constant 16 : i32
      %mul3A_440 = arith.muli %add3A_432, %mul3A_439 : i32
      %get3A_441 = arith.index_cast %mul3A_440 : i32 to index
      %get3A_442 = tpu.vector_load %arg9[%get3A_441] {strides = array<i32>} : memref<4096xf32, #tpu.memory_space<vmem>>, vector<16xf32>,
      tpu.vector_store_idx %arg7[%get3A_438], %get3A_442 {add = true} : memref<100000xf32, #tpu.memory_space<vmem>>[vector<16xi32>], vector<16xf32>,
      %mul3A_443 = arith.constant 8 : i32
      %mul3A_444 = arith.muli %scan3A_414, %mul3A_443 : i32
      %add3A_445 = arith.constant 2 : i32
      %add3A_446 = arith.addi %mul3A_444, %add3A_445 : i32
      %mul3A_447 = arith.constant 16 : i32
      %mul3A_448 = arith.muli %add3A_446, %mul3A_447 : i32
      %add3A_449 = arith.constant 4096 : i32
      %add3A_450 = arith.addi %add3A_449, %mul3A_448 : i32
      %get3A_451 = arith.index_cast %add3A_450 : i32 to index
      %get3A_452 = tpu.vector_load %arg6[%get3A_451] {strides = array<i32>} : memref<16384xi32, #tpu.memory_space<vmem>>, vector<16xi32>,
      %mul3A_453 = arith.constant 16 : i32
      %mul3A_454 = arith.muli %add3A_446, %mul3A_453 : i32
      %get3A_455 = arith.index_cast %mul3A_454 : i32 to index
      %get3A_456 = tpu.vector_load %arg9[%get3A_455] {strides = array<i32>} : memref<4096xf32, #tpu.memory_space<vmem>>, vector<16xf32>,
      tpu.vector_store_idx %arg7[%get3A_452], %get3A_456 {add = true} : memref<100000xf32, #tpu.memory_space<vmem>>[vector<16xi32>], vector<16xf32>,
      %mul3A_457 = arith.constant 8 : i32
      %mul3A_458 = arith.muli %scan3A_414, %mul3A_457 : i32
      %add3A_459 = arith.constant 3 : i32
      %add3A_460 = arith.addi %mul3A_458, %add3A_459 : i32
      %mul3A_461 = arith.constant 16 : i32
      %mul3A_462 = arith.muli %add3A_460, %mul3A_461 : i32
      %add3A_463 = arith.constant 4096 : i32
      %add3A_464 = arith.addi %add3A_463, %mul3A_462 : i32
      %get3A_465 = arith.index_cast %add3A_464 : i32 to index
      %get3A_466 = tpu.vector_load %arg6[%get3A_465] {strides = array<i32>} : memref<16384xi32, #tpu.memory_space<vmem>>, vector<16xi32>,
      %mul3A_467 = arith.constant 16 : i32
      %mul3A_468 = arith.muli %add3A_460, %mul3A_467 : i32
      %get3A_469 = arith.index_cast %mul3A_468 : i32 to index
      %get3A_470 = tpu.vector_load %arg9[%get3A_469] {strides = array<i32>} : memref<4096xf32, #tpu.memory_space<vmem>>, vector<16xf32>,
      tpu.vector_store_idx %arg7[%get3A_466], %get3A_470 {add = true} : memref<100000xf32, #tpu.memory_space<vmem>>[vector<16xi32>], vector<16xf32>,
      %mul3A_471 = arith.constant 8 : i32
      %mul3A_472 = arith.muli %scan3A_414, %mul3A_471 : i32
      %add3A_473 = arith.constant 4 : i32
      %add3A_474 = arith.addi %mul3A_472, %add3A_473 : i32
      %mul3A_475 = arith.constant 16 : i32
      %mul3A_476 = arith.muli %add3A_474, %mul3A_475 : i32
      %add3A_477 = arith.constant 4096 : i32
      %add3A_478 = arith.addi %add3A_477, %mul3A_476 : i32
      %get3A_479 = arith.index_cast %add3A_478 : i32 to index
      %get3A_480 = tpu.vector_load %arg6[%get3A_479] {strides = array<i32>} : memref<16384xi32, #tpu.memory_space<vmem>>, vector<16xi32>,
      %mul3A_481 = arith.constant 16 : i32
      %mul3A_482 = arith.muli %add3A_474, %mul3A_481 : i32
      %get3A_483 = arith.index_cast %mul3A_482 : i32 to index
      %get3A_484 = tpu.vector_load %arg9[%get3A_483] {strides = array<i32>} : memref<4096xf32, #tpu.memory_space<vmem>>, vector<16xf32>,
      tpu.vector_store_idx %arg7[%get3A_480], %get3A_484 {add = true} : memref<100000xf32, #tpu.memory_space<vmem>>[vector<16xi32>], vector<16xf32>,
      %mul3A_485 = arith.constant 8 : i32
      %mul3A_486 = arith.muli %scan3A_414, %mul3A_485 : i32
      %add3A_487 = arith.constant 5 : i32
      %add3A_488 = arith.addi %mul3A_486, %add3A_487 : i32
      %mul3A_489 = arith.constant 16 : i32
      %mul3A_490 = arith.muli %add3A_488, %mul3A_489 : i32
      %add3A_491 = arith.constant 4096 : i32
      %add3A_492 = arith.addi %add3A_491, %mul3A_490 : i32
      %get3A_493 = arith.index_cast %add3A_492 : i32 to index
      %get3A_494 = tpu.vector_load %arg6[%get3A_493] {strides = array<i32>} : memref<16384xi32, #tpu.memory_space<vmem>>, vector<16xi32>,
      %mul3A_495 = arith.constant 16 : i32
      %mul3A_496 = arith.muli %add3A_488, %mul3A_495 : i32
      %get3A_497 = arith.index_cast %mul3A_496 : i32 to index
      %get3A_498 = tpu.vector_load %arg9[%get3A_497] {strides = array<i32>} : memref<4096xf32, #tpu.memory_space<vmem>>, vector<16xf32>,
      tpu.vector_store_idx %arg7[%get3A_494], %get3A_498 {add = true} : memref<100000xf32, #tpu.memory_space<vmem>>[vector<16xi32>], vector<16xf32>,
      %mul3A_499 = arith.constant 8 : i32
      %mul3A_500 = arith.muli %scan3A_414, %mul3A_499 : i32
      %add3A_501 = arith.constant 6 : i32
      %add3A_502 = arith.addi %mul3A_500, %add3A_501 : i32
      %mul3A_503 = arith.constant 16 : i32
      %mul3A_504 = arith.muli %add3A_502, %mul3A_503 : i32
      %add3A_505 = arith.constant 4096 : i32
      %add3A_506 = arith.addi %add3A_505, %mul3A_504 : i32
      %get3A_507 = arith.index_cast %add3A_506 : i32 to index
      %get3A_508 = tpu.vector_load %arg6[%get3A_507] {strides = array<i32>} : memref<16384xi32, #tpu.memory_space<vmem>>, vector<16xi32>,
      %mul3A_509 = arith.constant 16 : i32
      %mul3A_510 = arith.muli %add3A_502, %mul3A_509 : i32
      %get3A_511 = arith.index_cast %mul3A_510 : i32 to index
      %get3A_512 = tpu.vector_load %arg9[%get3A_511] {strides = array<i32>} : memref<4096xf32, #tpu.memory_space<vmem>>, vector<16xf32>,
      tpu.vector_store_idx %arg7[%get3A_508], %get3A_512 {add = true} : memref<100000xf32, #tpu.memory_space<vmem>>[vector<16xi32>], vector<16xf32>,
      %mul3A_513 = arith.constant 8 : i32
      %mul3A_514 = arith.muli %scan3A_414, %mul3A_513 : i32
      %add3A_515 = arith.constant 7 : i32
      %add3A_516 = arith.addi %mul3A_514, %add3A_515 : i32
      %mul3A_517 = arith.constant 16 : i32
      %mul3A_518 = arith.muli %add3A_516, %mul3A_517 : i32
      %add3A_519 = arith.constant 4096 : i32
      %add3A_520 = arith.addi %add3A_519, %mul3A_518 : i32
      %get3A_521 = arith.index_cast %add3A_520 : i32 to index
      %get3A_522 = tpu.vector_load %arg6[%get3A_521] {strides = array<i32>} : memref<16384xi32, #tpu.memory_space<vmem>>, vector<16xi32>,
      %mul3A_523 = arith.constant 16 : i32
      %mul3A_524 = arith.muli %add3A_516, %mul3A_523 : i32
      %get3A_525 = arith.index_cast %mul3A_524 : i32 to index
      %get3A_526 = tpu.vector_load %arg9[%get3A_525] {strides = array<i32>} : memref<4096xf32, #tpu.memory_space<vmem>>, vector<16xf32>,
      tpu.vector_store_idx %arg7[%get3A_522], %get3A_526 {add = true} : memref<100000xf32, #tpu.memory_space<vmem>>[vector<16xi32>], vector<16xf32>,
      %scan3A_527 = arith.constant 0 : i32
      scf.yield %scan3A_527 : i32
    }
    %scan3A_60 = arith.constant 32 : i32
    %dma_wait3A_61 = arith.constant 0 : i32
    %dma_wait3A_62 = arith.constant 8192 : i32
    %dma_wait3A_63 = tpu.memref_slice %arg4[%add3A_4, %dma_wait3A_62] : memref<128x16384xf32, #tpu.memory_space<hbm>> -> memref<1x4096xf32, #tpu.memory_space<hbm>>
    %dma_wait3A_64 = tpu.memref_squeeze %dma_wait3A_63 : memref<1x4096xf32, #tpu.memory_space<hbm>> -> memref<4096xf32, #tpu.memory_space<hbm>>
    %dma_wait3A_65 = tpu.memref_slice %arg10[%dma_wait3A_61] : memref<2x!tpu.dma_semaphore, #tpu.memory_space<semaphore_mem>> -> memref<1x!tpu.dma_semaphore, #tpu.memory_space<semaphore_mem>>
    %dma_wait3A_66 = tpu.memref_squeeze %dma_wait3A_65 : memref<1x!tpu.dma_semaphore, #tpu.memory_space<semaphore_mem>> -> memref<!tpu.dma_semaphore, #tpu.memory_space<semaphore_mem>>
    %dma_wait3A_67 = arith.constant 8192 : i32
    %dma_wait3A_68 = tpu.memref_slice %arg4[%add3A_4, %dma_wait3A_67] : memref<128x16384xf32, #tpu.memory_space<hbm>> -> memref<1x4096xf32, #tpu.memory_space<hbm>>
    %dma_wait3A_69 = tpu.memref_squeeze %dma_wait3A_68 : memref<1x4096xf32, #tpu.memory_space<hbm>> -> memref<4096xf32, #tpu.memory_space<hbm>>
    tpu.wait_dma2 semaphore(%dma_wait3A_66 : memref<!tpu.dma_semaphore, #tpu.memory_space<semaphore_mem>>) src(%dma_wait3A_69 : memref<4096xf32, #tpu.memory_space<hbm>>) dst(%arg8 : memref<4096xf32, #tpu.memory_space<vmem>>)
    %dma_start3A_70 = arith.constant 1 : i32
    %dma_start3A_71 = arith.constant 12288 : i32
    %dma_start3A_72 = tpu.memref_slice %arg4[%add3A_4, %dma_start3A_71] : memref<128x16384xf32, #tpu.memory_space<hbm>> -> memref<1x4096xf32, #tpu.memory_space<hbm>>
    %dma_start3A_73 = tpu.memref_squeeze %dma_start3A_72 : memref<1x4096xf32, #tpu.memory_space<hbm>> -> memref<4096xf32, #tpu.memory_space<hbm>>
    %dma_start3A_74 = tpu.memref_slice %arg10[%dma_start3A_70] : memref<2x!tpu.dma_semaphore, #tpu.memory_space<semaphore_mem>> -> memref<1x!tpu.dma_semaphore, #tpu.memory_space<semaphore_mem>>
    %dma_start3A_75 = tpu.memref_squeeze %dma_start3A_74 : memref<1x!tpu.dma_semaphore, #tpu.memory_space<semaphore_mem>> -> memref<!tpu.dma_semaphore, #tpu.memory_space<semaphore_mem>>
    %dma_start3A_76 = arith.constant 12288 : i32
    %dma_start3A_77 = tpu.memref_slice %arg4[%add3A_4, %dma_start3A_76] : memref<128x16384xf32, #tpu.memory_space<hbm>> -> memref<1x4096xf32, #tpu.memory_space<hbm>>
    %dma_start3A_78 = tpu.memref_squeeze %dma_start3A_77 : memref<1x4096xf32, #tpu.memory_space<hbm>> -> memref<4096xf32, #tpu.memory_space<hbm>>
    tpu.enqueue_dma source(%dma_start3A_78 : memref<4096xf32, #tpu.memory_space<hbm>>) target(%arg9 : memref<4096xf32, #tpu.memory_space<vmem>>) target_semaphore(%dma_start3A_75 : memref<!tpu.dma_semaphore, #tpu.memory_space<semaphore_mem>>)
    %scan3A_79 = arith.constant 0 : i32
    %scan3A_80 = arith.constant 0 : i32
    %scan3A_81 = arith.constant 32 : i32
    %scan3A_82 = arith.addi %scan3A_80, %scan3A_81 : i32
    %scan3A_83 = arith.constant 1 : i32
    %scan3A_84 = scf.for %scan3A_414 = %scan3A_80 to %scan3A_82 step %scan3A_83 iter_args(%scan3A_415 = %scan3A_79) -> (i32)  : i32 {
      %mul3A_416 = arith.constant 8 : i32
      %mul3A_417 = arith.muli %scan3A_414, %mul3A_416 : i32
      %add3A_418 = arith.constant 0 : i32
      %add3A_419 = arith.addi %mul3A_417, %add3A_418 : i32
      %mul3A_420 = arith.constant 16 : i32
      %mul3A_421 = arith.muli %add3A_419, %mul3A_420 : i32
      %add3A_422 = arith.constant 8192 : i32
      %add3A_423 = arith.addi %add3A_422, %mul3A_421 : i32
      %get3A = arith.index_cast %add3A_423 : i32 to index
      %get3A_424 = tpu.vector_load %arg6[%get3A] {strides = array<i32>} : memref<16384xi32, #tpu.memory_space<vmem>>, vector<16xi32>,
      %mul3A_425 = arith.constant 16 : i32
      %mul3A_426 = arith.muli %add3A_419, %mul3A_425 : i32
      %get3A_427 = arith.index_cast %mul3A_426 : i32 to index
      %get3A_428 = tpu.vector_load %arg8[%get3A_427] {strides = array<i32>} : memref<4096xf32, #tpu.memory_space<vmem>>, vector<16xf32>,
      tpu.vector_store_idx %arg7[%get3A_424], %get3A_428 {add = true} : memref<100000xf32, #tpu.memory_space<vmem>>[vector<16xi32>], vector<16xf32>,
      %mul3A_429 = arith.constant 8 : i32
      %mul3A_430 = arith.muli %scan3A_414, %mul3A_429 : i32
      %add3A_431 = arith.constant 1 : i32
      %add3A_432 = arith.addi %mul3A_430, %add3A_431 : i32
      %mul3A_433 = arith.constant 16 : i32
      %mul3A_434 = arith.muli %add3A_432, %mul3A_433 : i32
      %add3A_435 = arith.constant 8192 : i32
      %add3A_436 = arith.addi %add3A_435, %mul3A_434 : i32
      %get3A_437 = arith.index_cast %add3A_436 : i32 to index
      %get3A_438 = tpu.vector_load %arg6[%get3A_437] {strides = array<i32>} : memref<16384xi32, #tpu.memory_space<vmem>>, vector<16xi32>,
      %mul3A_439 = arith.constant 16 : i32
      %mul3A_440 = arith.muli %add3A_432, %mul3A_439 : i32
      %get3A_441 = arith.index_cast %mul3A_440 : i32 to index
      %get3A_442 = tpu.vector_load %arg8[%get3A_441] {strides = array<i32>} : memref<4096xf32, #tpu.memory_space<vmem>>, vector<16xf32>,
      tpu.vector_store_idx %arg7[%get3A_438], %get3A_442 {add = true} : memref<100000xf32, #tpu.memory_space<vmem>>[vector<16xi32>], vector<16xf32>,
      %mul3A_443 = arith.constant 8 : i32
      %mul3A_444 = arith.muli %scan3A_414, %mul3A_443 : i32
      %add3A_445 = arith.constant 2 : i32
      %add3A_446 = arith.addi %mul3A_444, %add3A_445 : i32
      %mul3A_447 = arith.constant 16 : i32
      %mul3A_448 = arith.muli %add3A_446, %mul3A_447 : i32
      %add3A_449 = arith.constant 8192 : i32
      %add3A_450 = arith.addi %add3A_449, %mul3A_448 : i32
      %get3A_451 = arith.index_cast %add3A_450 : i32 to index
      %get3A_452 = tpu.vector_load %arg6[%get3A_451] {strides = array<i32>} : memref<16384xi32, #tpu.memory_space<vmem>>, vector<16xi32>,
      %mul3A_453 = arith.constant 16 : i32
      %mul3A_454 = arith.muli %add3A_446, %mul3A_453 : i32
      %get3A_455 = arith.index_cast %mul3A_454 : i32 to index
      %get3A_456 = tpu.vector_load %arg8[%get3A_455] {strides = array<i32>} : memref<4096xf32, #tpu.memory_space<vmem>>, vector<16xf32>,
      tpu.vector_store_idx %arg7[%get3A_452], %get3A_456 {add = true} : memref<100000xf32, #tpu.memory_space<vmem>>[vector<16xi32>], vector<16xf32>,
      %mul3A_457 = arith.constant 8 : i32
      %mul3A_458 = arith.muli %scan3A_414, %mul3A_457 : i32
      %add3A_459 = arith.constant 3 : i32
      %add3A_460 = arith.addi %mul3A_458, %add3A_459 : i32
      %mul3A_461 = arith.constant 16 : i32
      %mul3A_462 = arith.muli %add3A_460, %mul3A_461 : i32
      %add3A_463 = arith.constant 8192 : i32
      %add3A_464 = arith.addi %add3A_463, %mul3A_462 : i32
      %get3A_465 = arith.index_cast %add3A_464 : i32 to index
      %get3A_466 = tpu.vector_load %arg6[%get3A_465] {strides = array<i32>} : memref<16384xi32, #tpu.memory_space<vmem>>, vector<16xi32>,
      %mul3A_467 = arith.constant 16 : i32
      %mul3A_468 = arith.muli %add3A_460, %mul3A_467 : i32
      %get3A_469 = arith.index_cast %mul3A_468 : i32 to index
      %get3A_470 = tpu.vector_load %arg8[%get3A_469] {strides = array<i32>} : memref<4096xf32, #tpu.memory_space<vmem>>, vector<16xf32>,
      tpu.vector_store_idx %arg7[%get3A_466], %get3A_470 {add = true} : memref<100000xf32, #tpu.memory_space<vmem>>[vector<16xi32>], vector<16xf32>,
      %mul3A_471 = arith.constant 8 : i32
      %mul3A_472 = arith.muli %scan3A_414, %mul3A_471 : i32
      %add3A_473 = arith.constant 4 : i32
      %add3A_474 = arith.addi %mul3A_472, %add3A_473 : i32
      %mul3A_475 = arith.constant 16 : i32
      %mul3A_476 = arith.muli %add3A_474, %mul3A_475 : i32
      %add3A_477 = arith.constant 8192 : i32
      %add3A_478 = arith.addi %add3A_477, %mul3A_476 : i32
      %get3A_479 = arith.index_cast %add3A_478 : i32 to index
      %get3A_480 = tpu.vector_load %arg6[%get3A_479] {strides = array<i32>} : memref<16384xi32, #tpu.memory_space<vmem>>, vector<16xi32>,
      %mul3A_481 = arith.constant 16 : i32
      %mul3A_482 = arith.muli %add3A_474, %mul3A_481 : i32
      %get3A_483 = arith.index_cast %mul3A_482 : i32 to index
      %get3A_484 = tpu.vector_load %arg8[%get3A_483] {strides = array<i32>} : memref<4096xf32, #tpu.memory_space<vmem>>, vector<16xf32>,
      tpu.vector_store_idx %arg7[%get3A_480], %get3A_484 {add = true} : memref<100000xf32, #tpu.memory_space<vmem>>[vector<16xi32>], vector<16xf32>,
      %mul3A_485 = arith.constant 8 : i32
      %mul3A_486 = arith.muli %scan3A_414, %mul3A_485 : i32
      %add3A_487 = arith.constant 5 : i32
      %add3A_488 = arith.addi %mul3A_486, %add3A_487 : i32
      %mul3A_489 = arith.constant 16 : i32
      %mul3A_490 = arith.muli %add3A_488, %mul3A_489 : i32
      %add3A_491 = arith.constant 8192 : i32
      %add3A_492 = arith.addi %add3A_491, %mul3A_490 : i32
      %get3A_493 = arith.index_cast %add3A_492 : i32 to index
      %get3A_494 = tpu.vector_load %arg6[%get3A_493] {strides = array<i32>} : memref<16384xi32, #tpu.memory_space<vmem>>, vector<16xi32>,
      %mul3A_495 = arith.constant 16 : i32
      %mul3A_496 = arith.muli %add3A_488, %mul3A_495 : i32
      %get3A_497 = arith.index_cast %mul3A_496 : i32 to index
      %get3A_498 = tpu.vector_load %arg8[%get3A_497] {strides = array<i32>} : memref<4096xf32, #tpu.memory_space<vmem>>, vector<16xf32>,
      tpu.vector_store_idx %arg7[%get3A_494], %get3A_498 {add = true} : memref<100000xf32, #tpu.memory_space<vmem>>[vector<16xi32>], vector<16xf32>,
      %mul3A_499 = arith.constant 8 : i32
      %mul3A_500 = arith.muli %scan3A_414, %mul3A_499 : i32
      %add3A_501 = arith.constant 6 : i32
      %add3A_502 = arith.addi %mul3A_500, %add3A_501 : i32
      %mul3A_503 = arith.constant 16 : i32
      %mul3A_504 = arith.muli %add3A_502, %mul3A_503 : i32
      %add3A_505 = arith.constant 8192 : i32
      %add3A_506 = arith.addi %add3A_505, %mul3A_504 : i32
      %get3A_507 = arith.index_cast %add3A_506 : i32 to index
      %get3A_508 = tpu.vector_load %arg6[%get3A_507] {strides = array<i32>} : memref<16384xi32, #tpu.memory_space<vmem>>, vector<16xi32>,
      %mul3A_509 = arith.constant 16 : i32
      %mul3A_510 = arith.muli %add3A_502, %mul3A_509 : i32
      %get3A_511 = arith.index_cast %mul3A_510 : i32 to index
      %get3A_512 = tpu.vector_load %arg8[%get3A_511] {strides = array<i32>} : memref<4096xf32, #tpu.memory_space<vmem>>, vector<16xf32>,
      tpu.vector_store_idx %arg7[%get3A_508], %get3A_512 {add = true} : memref<100000xf32, #tpu.memory_space<vmem>>[vector<16xi32>], vector<16xf32>,
      %mul3A_513 = arith.constant 8 : i32
      %mul3A_514 = arith.muli %scan3A_414, %mul3A_513 : i32
      %add3A_515 = arith.constant 7 : i32
      %add3A_516 = arith.addi %mul3A_514, %add3A_515 : i32
      %mul3A_517 = arith.constant 16 : i32
      %mul3A_518 = arith.muli %add3A_516, %mul3A_517 : i32
      %add3A_519 = arith.constant 8192 : i32
      %add3A_520 = arith.addi %add3A_519, %mul3A_518 : i32
      %get3A_521 = arith.index_cast %add3A_520 : i32 to index
      %get3A_522 = tpu.vector_load %arg6[%get3A_521] {strides = array<i32>} : memref<16384xi32, #tpu.memory_space<vmem>>, vector<16xi32>,
      %mul3A_523 = arith.constant 16 : i32
      %mul3A_524 = arith.muli %add3A_516, %mul3A_523 : i32
      %get3A_525 = arith.index_cast %mul3A_524 : i32 to index
      %get3A_526 = tpu.vector_load %arg8[%get3A_525] {strides = array<i32>} : memref<4096xf32, #tpu.memory_space<vmem>>, vector<16xf32>,
      tpu.vector_store_idx %arg7[%get3A_522], %get3A_526 {add = true} : memref<100000xf32, #tpu.memory_space<vmem>>[vector<16xi32>], vector<16xf32>,
      %scan3A_527 = arith.constant 0 : i32
      scf.yield %scan3A_527 : i32
    }
    %scan3A_85 = arith.constant 32 : i32
    %dma_wait3A_86 = arith.constant 1 : i32
    %dma_wait3A_87 = arith.constant 12288 : i32
    %dma_wait3A_88 = tpu.memref_slice %arg4[%add3A_4, %dma_wait3A_87] : memref<128x16384xf32, #tpu.memory_space<hbm>> -> memref<1x4096xf32, #tpu.memory_space<hbm>>
    %dma_wait3A_89 = tpu.memref_squeeze %dma_wait3A_88 : memref<1x4096xf32, #tpu.memory_space<hbm>> -> memref<4096xf32, #tpu.memory_space<hbm>>
    %dma_wait3A_90 = tpu.memref_slice %arg10[%dma_wait3A_86] : memref<2x!tpu.dma_semaphore, #tpu.memory_space<semaphore_mem>> -> memref<1x!tpu.dma_semaphore, #tpu.memory_space<semaphore_mem>>
    %dma_wait3A_91 = tpu.memref_squeeze %dma_wait3A_90 : memref<1x!tpu.dma_semaphore, #tpu.memory_space<semaphore_mem>> -> memref<!tpu.dma_semaphore, #tpu.memory_space<semaphore_mem>>
    %dma_wait3A_92 = arith.constant 12288 : i32
    %dma_wait3A_93 = tpu.memref_slice %arg4[%add3A_4, %dma_wait3A_92] : memref<128x16384xf32, #tpu.memory_space<hbm>> -> memref<1x4096xf32, #tpu.memory_space<hbm>>
    %dma_wait3A_94 = tpu.memref_squeeze %dma_wait3A_93 : memref<1x4096xf32, #tpu.memory_space<hbm>> -> memref<4096xf32, #tpu.memory_space<hbm>>
    tpu.wait_dma2 semaphore(%dma_wait3A_91 : memref<!tpu.dma_semaphore, #tpu.memory_space<semaphore_mem>>) src(%dma_wait3A_94 : memref<4096xf32, #tpu.memory_space<hbm>>) dst(%arg9 : memref<4096xf32, #tpu.memory_space<vmem>>)
    %scan3A_95 = arith.constant 0 : i32
    %scan3A_96 = arith.constant 0 : i32
    %scan3A_97 = arith.constant 32 : i32
    %scan3A_98 = arith.addi %scan3A_96, %scan3A_97 : i32
    %scan3A_99 = arith.constant 1 : i32
    %scan3A_100 = scf.for %scan3A_414 = %scan3A_96 to %scan3A_98 step %scan3A_99 iter_args(%scan3A_415 = %scan3A_95) -> (i32)  : i32 {
      %mul3A_416 = arith.constant 8 : i32
      %mul3A_417 = arith.muli %scan3A_414, %mul3A_416 : i32
      %add3A_418 = arith.constant 0 : i32
      %add3A_419 = arith.addi %mul3A_417, %add3A_418 : i32
      %mul3A_420 = arith.constant 16 : i32
      %mul3A_421 = arith.muli %add3A_419, %mul3A_420 : i32
      %add3A_422 = arith.constant 12288 : i32
      %add3A_423 = arith.addi %add3A_422, %mul3A_421 : i32
      %get3A = arith.index_cast %add3A_423 : i32 to index
      %get3A_424 = tpu.vector_load %arg6[%get3A] {strides = array<i32>} : memref<16384xi32, #tpu.memory_space<vmem>>, vector<16xi32>,
      %mul3A_425 = arith.constant 16 : i32
      %mul3A_426 = arith.muli %add3A_419, %mul3A_425 : i32
      %get3A_427 = arith.index_cast %mul3A_426 : i32 to index
      %get3A_428 = tpu.vector_load %arg9[%get3A_427] {strides = array<i32>} : memref<4096xf32, #tpu.memory_space<vmem>>, vector<16xf32>,
      tpu.vector_store_idx %arg7[%get3A_424], %get3A_428 {add = true} : memref<100000xf32, #tpu.memory_space<vmem>>[vector<16xi32>], vector<16xf32>,
      %mul3A_429 = arith.constant 8 : i32
      %mul3A_430 = arith.muli %scan3A_414, %mul3A_429 : i32
      %add3A_431 = arith.constant 1 : i32
      %add3A_432 = arith.addi %mul3A_430, %add3A_431 : i32
      %mul3A_433 = arith.constant 16 : i32
      %mul3A_434 = arith.muli %add3A_432, %mul3A_433 : i32
      %add3A_435 = arith.constant 12288 : i32
      %add3A_436 = arith.addi %add3A_435, %mul3A_434 : i32
      %get3A_437 = arith.index_cast %add3A_436 : i32 to index
      %get3A_438 = tpu.vector_load %arg6[%get3A_437] {strides = array<i32>} : memref<16384xi32, #tpu.memory_space<vmem>>, vector<16xi32>,
      %mul3A_439 = arith.constant 16 : i32
      %mul3A_440 = arith.muli %add3A_432, %mul3A_439 : i32
      %get3A_441 = arith.index_cast %mul3A_440 : i32 to index
      %get3A_442 = tpu.vector_load %arg9[%get3A_441] {strides = array<i32>} : memref<4096xf32, #tpu.memory_space<vmem>>, vector<16xf32>,
      tpu.vector_store_idx %arg7[%get3A_438], %get3A_442 {add = true} : memref<100000xf32, #tpu.memory_space<vmem>>[vector<16xi32>], vector<16xf32>,
      %mul3A_443 = arith.constant 8 : i32
      %mul3A_444 = arith.muli %scan3A_414, %mul3A_443 : i32
      %add3A_445 = arith.constant 2 : i32
      %add3A_446 = arith.addi %mul3A_444, %add3A_445 : i32
      %mul3A_447 = arith.constant 16 : i32
      %mul3A_448 = arith.muli %add3A_446, %mul3A_447 : i32
      %add3A_449 = arith.constant 12288 : i32
      %add3A_450 = arith.addi %add3A_449, %mul3A_448 : i32
      %get3A_451 = arith.index_cast %add3A_450 : i32 to index
      %get3A_452 = tpu.vector_load %arg6[%get3A_451] {strides = array<i32>} : memref<16384xi32, #tpu.memory_space<vmem>>, vector<16xi32>,
      %mul3A_453 = arith.constant 16 : i32
      %mul3A_454 = arith.muli %add3A_446, %mul3A_453 : i32
      %get3A_455 = arith.index_cast %mul3A_454 : i32 to index
      %get3A_456 = tpu.vector_load %arg9[%get3A_455] {strides = array<i32>} : memref<4096xf32, #tpu.memory_space<vmem>>, vector<16xf32>,
      tpu.vector_store_idx %arg7[%get3A_452], %get3A_456 {add = true} : memref<100000xf32, #tpu.memory_space<vmem>>[vector<16xi32>], vector<16xf32>,
      %mul3A_457 = arith.constant 8 : i32
      %mul3A_458 = arith.muli %scan3A_414, %mul3A_457 : i32
      %add3A_459 = arith.constant 3 : i32
      %add3A_460 = arith.addi %mul3A_458, %add3A_459 : i32
      %mul3A_461 = arith.constant 16 : i32
      %mul3A_462 = arith.muli %add3A_460, %mul3A_461 : i32
      %add3A_463 = arith.constant 12288 : i32
      %add3A_464 = arith.addi %add3A_463, %mul3A_462 : i32
      %get3A_465 = arith.index_cast %add3A_464 : i32 to index
      %get3A_466 = tpu.vector_load %arg6[%get3A_465] {strides = array<i32>} : memref<16384xi32, #tpu.memory_space<vmem>>, vector<16xi32>,
      %mul3A_467 = arith.constant 16 : i32
      %mul3A_468 = arith.muli %add3A_460, %mul3A_467 : i32
      %get3A_469 = arith.index_cast %mul3A_468 : i32 to index
      %get3A_470 = tpu.vector_load %arg9[%get3A_469] {strides = array<i32>} : memref<4096xf32, #tpu.memory_space<vmem>>, vector<16xf32>,
      tpu.vector_store_idx %arg7[%get3A_466], %get3A_470 {add = true} : memref<100000xf32, #tpu.memory_space<vmem>>[vector<16xi32>], vector<16xf32>,
      %mul3A_471 = arith.constant 8 : i32
      %mul3A_472 = arith.muli %scan3A_414, %mul3A_471 : i32
      %add3A_473 = arith.constant 4 : i32
      %add3A_474 = arith.addi %mul3A_472, %add3A_473 : i32
      %mul3A_475 = arith.constant 16 : i32
      %mul3A_476 = arith.muli %add3A_474, %mul3A_475 : i32
      %add3A_477 = arith.constant 12288 : i32
      %add3A_478 = arith.addi %add3A_477, %mul3A_476 : i32
      %get3A_479 = arith.index_cast %add3A_478 : i32 to index
      %get3A_480 = tpu.vector_load %arg6[%get3A_479] {strides = array<i32>} : memref<16384xi32, #tpu.memory_space<vmem>>, vector<16xi32>,
      %mul3A_481 = arith.constant 16 : i32
      %mul3A_482 = arith.muli %add3A_474, %mul3A_481 : i32
      %get3A_483 = arith.index_cast %mul3A_482 : i32 to index
      %get3A_484 = tpu.vector_load %arg9[%get3A_483] {strides = array<i32>} : memref<4096xf32, #tpu.memory_space<vmem>>, vector<16xf32>,
      tpu.vector_store_idx %arg7[%get3A_480], %get3A_484 {add = true} : memref<100000xf32, #tpu.memory_space<vmem>>[vector<16xi32>], vector<16xf32>,
      %mul3A_485 = arith.constant 8 : i32
      %mul3A_486 = arith.muli %scan3A_414, %mul3A_485 : i32
      %add3A_487 = arith.constant 5 : i32
      %add3A_488 = arith.addi %mul3A_486, %add3A_487 : i32
      %mul3A_489 = arith.constant 16 : i32
      %mul3A_490 = arith.muli %add3A_488, %mul3A_489 : i32
      %add3A_491 = arith.constant 12288 : i32
      %add3A_492 = arith.addi %add3A_491, %mul3A_490 : i32
      %get3A_493 = arith.index_cast %add3A_492 : i32 to index
      %get3A_494 = tpu.vector_load %arg6[%get3A_493] {strides = array<i32>} : memref<16384xi32, #tpu.memory_space<vmem>>, vector<16xi32>,
      %mul3A_495 = arith.constant 16 : i32
      %mul3A_496 = arith.muli %add3A_488, %mul3A_495 : i32
      %get3A_497 = arith.index_cast %mul3A_496 : i32 to index
      %get3A_498 = tpu.vector_load %arg9[%get3A_497] {strides = array<i32>} : memref<4096xf32, #tpu.memory_space<vmem>>, vector<16xf32>,
      tpu.vector_store_idx %arg7[%get3A_494], %get3A_498 {add = true} : memref<100000xf32, #tpu.memory_space<vmem>>[vector<16xi32>], vector<16xf32>,
      %mul3A_499 = arith.constant 8 : i32
      %mul3A_500 = arith.muli %scan3A_414, %mul3A_499 : i32
      %add3A_501 = arith.constant 6 : i32
      %add3A_502 = arith.addi %mul3A_500, %add3A_501 : i32
      %mul3A_503 = arith.constant 16 : i32
      %mul3A_504 = arith.muli %add3A_502, %mul3A_503 : i32
      %add3A_505 = arith.constant 12288 : i32
      %add3A_506 = arith.addi %add3A_505, %mul3A_504 : i32
      %get3A_507 = arith.index_cast %add3A_506 : i32 to index
      %get3A_508 = tpu.vector_load %arg6[%get3A_507] {strides = array<i32>} : memref<16384xi32, #tpu.memory_space<vmem>>, vector<16xi32>,
      %mul3A_509 = arith.constant 16 : i32
      %mul3A_510 = arith.muli %add3A_502, %mul3A_509 : i32
      %get3A_511 = arith.index_cast %mul3A_510 : i32 to index
      %get3A_512 = tpu.vector_load %arg9[%get3A_511] {strides = array<i32>} : memref<4096xf32, #tpu.memory_space<vmem>>, vector<16xf32>,
      tpu.vector_store_idx %arg7[%get3A_508], %get3A_512 {add = true} : memref<100000xf32, #tpu.memory_space<vmem>>[vector<16xi32>], vector<16xf32>,
      %mul3A_513 = arith.constant 8 : i32
      %mul3A_514 = arith.muli %scan3A_414, %mul3A_513 : i32
      %add3A_515 = arith.constant 7 : i32
      %add3A_516 = arith.addi %mul3A_514, %add3A_515 : i32
      %mul3A_517 = arith.constant 16 : i32
      %mul3A_518 = arith.muli %add3A_516, %mul3A_517 : i32
      %add3A_519 = arith.constant 12288 : i32
      %add3A_520 = arith.addi %add3A_519, %mul3A_518 : i32
      %get3A_521 = arith.index_cast %add3A_520 : i32 to index
      %get3A_522 = tpu.vector_load %arg6[%get3A_521] {strides = array<i32>} : memref<16384xi32, #tpu.memory_space<vmem>>, vector<16xi32>,
      %mul3A_523 = arith.constant 16 : i32
      %mul3A_524 = arith.muli %add3A_516, %mul3A_523 : i32
      %get3A_525 = arith.index_cast %mul3A_524 : i32 to index
      %get3A_526 = tpu.vector_load %arg9[%get3A_525] {strides = array<i32>} : memref<4096xf32, #tpu.memory_space<vmem>>, vector<16xf32>,
      tpu.vector_store_idx %arg7[%get3A_522], %get3A_526 {add = true} : memref<100000xf32, #tpu.memory_space<vmem>>[vector<16xi32>], vector<16xf32>,
      %scan3A_527 = arith.constant 0 : i32
      scf.yield %scan3A_527 : i32
    }
    %scan3A_101 = arith.constant 32 : i32
    "tpu.region"() ({
      %run_scoped3A = tpu.sem_alloc : memref<!tpu.dma_semaphore, #tpu.memory_space<semaphore_mem>>
      %dma_start3A_414 = arith.constant 0 : i32
      %dma_start3A_415 = tpu.memref_slice %arg5[%add3A_4, %dma_start3A_414] : memref<128x100000xf32, #tpu.memory_space<hbm>> -> memref<1x100000xf32, #tpu.memory_space<hbm>>
      %dma_start3A_416 = tpu.memref_squeeze %dma_start3A_415 : memref<1x100000xf32, #tpu.memory_space<hbm>> -> memref<100000xf32, #tpu.memory_space<hbm>>
      %dma_start3A_417 = arith.constant 0 : i32
      %dma_start3A_418 = tpu.memref_slice %arg5[%add3A_4, %dma_start3A_417] : memref<128x100000xf32, #tpu.memory_space<hbm>> -> memref<1x100000xf32, #tpu.memory_space<hbm>>
      %dma_start3A_419 = tpu.memref_squeeze %dma_start3A_418 : memref<1x100000xf32, #tpu.memory_space<hbm>> -> memref<100000xf32, #tpu.memory_space<hbm>>
      tpu.enqueue_dma source(%arg7 : memref<100000xf32, #tpu.memory_space<vmem>>) target(%dma_start3A_419 : memref<100000xf32, #tpu.memory_space<hbm>>) target_semaphore(%run_scoped3A : memref<!tpu.dma_semaphore, #tpu.memory_space<semaphore_mem>>)
      %dma_wait3A_420 = arith.constant 0 : i32
      %dma_wait3A_421 = tpu.memref_slice %arg5[%add3A_4, %dma_wait3A_420] : memref<128x100000xf32, #tpu.memory_space<hbm>> -> memref<1x100000xf32, #tpu.memory_space<hbm>>
      %dma_wait3A_422 = tpu.memref_squeeze %dma_wait3A_421 : memref<1x100000xf32, #tpu.memory_space<hbm>> -> memref<100000xf32, #tpu.memory_space<hbm>>
      %dma_wait3A_423 = arith.constant 0 : i32
      %dma_wait3A_424 = tpu.memref_slice %arg5[%add3A_4, %dma_wait3A_423] : memref<128x100000xf32, #tpu.memory_space<hbm>> -> memref<1x100000xf32, #tpu.memory_space<hbm>>
      %dma_wait3A_425 = tpu.memref_squeeze %dma_wait3A_424 : memref<1x100000xf32, #tpu.memory_space<hbm>> -> memref<100000xf32, #tpu.memory_space<hbm>>
      tpu.wait_dma2 semaphore(%run_scoped3A : memref<!tpu.dma_semaphore, #tpu.memory_space<semaphore_mem>>) src(%arg7 : memref<100000xf32, #tpu.memory_space<vmem>>) dst(%dma_wait3A_425 : memref<100000xf32, #tpu.memory_space<hbm>>)
      tpu.yield
    }) : () -> ()
    %mul3A_102 = arith.constant 4 : i32
    %mul3A_103 = arith.muli %add3A, %mul3A_102 : i32
    %add3A_104 = arith.constant 1 : i32
    %add3A_105 = arith.addi %mul3A_103, %add3A_104 : i32
    %dma_start3A_106 = arith.constant 0 : i32
    %dma_start3A_107 = arith.constant 0 : i32
    %dma_start3A_108 = tpu.memref_slice %arg4[%add3A_105, %dma_start3A_107] : memref<128x16384xf32, #tpu.memory_space<hbm>> -> memref<1x4096xf32, #tpu.memory_space<hbm>>
    %dma_start3A_109 = tpu.memref_squeeze %dma_start3A_108 : memref<1x4096xf32, #tpu.memory_space<hbm>> -> memref<4096xf32, #tpu.memory_space<hbm>>
    %dma_start3A_110 = tpu.memref_slice %arg10[%dma_start3A_106] : memref<2x!tpu.dma_semaphore, #tpu.memory_space<semaphore_mem>> -> memref<1x!tpu.dma_semaphore, #tpu.memory_space<semaphore_mem>>
    %dma_start3A_111 = tpu.memref_squeeze %dma_start3A_110 : memref<1x!tpu.dma_semaphore, #tpu.memory_space<semaphore_mem>> -> memref<!tpu.dma_semaphore, #tpu.memory_space<semaphore_mem>>
    %dma_start3A_112 = arith.constant 0 : i32
    %dma_start3A_113 = tpu.memref_slice %arg4[%add3A_105, %dma_start3A_112] : memref<128x16384xf32, #tpu.memory_space<hbm>> -> memref<1x4096xf32, #tpu.memory_space<hbm>>
    %dma_start3A_114 = tpu.memref_squeeze %dma_start3A_113 : memref<1x4096xf32, #tpu.memory_space<hbm>> -> memref<4096xf32, #tpu.memory_space<hbm>>
    tpu.enqueue_dma source(%dma_start3A_114 : memref<4096xf32, #tpu.memory_space<hbm>>) target(%arg8 : memref<4096xf32, #tpu.memory_space<vmem>>) target_semaphore(%dma_start3A_111 : memref<!tpu.dma_semaphore, #tpu.memory_space<semaphore_mem>>)
    "tpu.region"() ({
      %run_scoped3A = tpu.sem_alloc : memref<!tpu.dma_semaphore, #tpu.memory_space<semaphore_mem>>
      %dma_start3A_414 = arith.constant 0 : i32
      %dma_start3A_415 = tpu.memref_slice %arg2[%add3A_105, %dma_start3A_414] : memref<128x100000xf32, #tpu.memory_space<hbm>> -> memref<1x100000xf32, #tpu.memory_space<hbm>>
      %dma_start3A_416 = tpu.memref_squeeze %dma_start3A_415 : memref<1x100000xf32, #tpu.memory_space<hbm>> -> memref<100000xf32, #tpu.memory_space<hbm>>
      %dma_start3A_417 = arith.constant 0 : i32
      %dma_start3A_418 = tpu.memref_slice %arg2[%add3A_105, %dma_start3A_417] : memref<128x100000xf32, #tpu.memory_space<hbm>> -> memref<1x100000xf32, #tpu.memory_space<hbm>>
      %dma_start3A_419 = tpu.memref_squeeze %dma_start3A_418 : memref<1x100000xf32, #tpu.memory_space<hbm>> -> memref<100000xf32, #tpu.memory_space<hbm>>
      tpu.enqueue_dma source(%dma_start3A_419 : memref<100000xf32, #tpu.memory_space<hbm>>) target(%arg7 : memref<100000xf32, #tpu.memory_space<vmem>>) target_semaphore(%run_scoped3A : memref<!tpu.dma_semaphore, #tpu.memory_space<semaphore_mem>>)
      %dma_wait3A_420 = arith.constant 0 : i32
      %dma_wait3A_421 = tpu.memref_slice %arg2[%add3A_105, %dma_wait3A_420] : memref<128x100000xf32, #tpu.memory_space<hbm>> -> memref<1x100000xf32, #tpu.memory_space<hbm>>
      %dma_wait3A_422 = tpu.memref_squeeze %dma_wait3A_421 : memref<1x100000xf32, #tpu.memory_space<hbm>> -> memref<100000xf32, #tpu.memory_space<hbm>>
      %dma_wait3A_423 = arith.constant 0 : i32
      %dma_wait3A_424 = tpu.memref_slice %arg2[%add3A_105, %dma_wait3A_423] : memref<128x100000xf32, #tpu.memory_space<hbm>> -> memref<1x100000xf32, #tpu.memory_space<hbm>>
      %dma_wait3A_425 = tpu.memref_squeeze %dma_wait3A_424 : memref<1x100000xf32, #tpu.memory_space<hbm>> -> memref<100000xf32, #tpu.memory_space<hbm>>
      tpu.wait_dma2 semaphore(%run_scoped3A : memref<!tpu.dma_semaphore, #tpu.memory_space<semaphore_mem>>) src(%dma_wait3A_425 : memref<100000xf32, #tpu.memory_space<hbm>>) dst(%arg7 : memref<100000xf32, #tpu.memory_space<vmem>>)
      tpu.yield
    }) : () -> ()
    %dma_wait3A_115 = arith.constant 0 : i32
    %dma_wait3A_116 = arith.constant 0 : i32
    %dma_wait3A_117 = tpu.memref_slice %arg4[%add3A_105, %dma_wait3A_116] : memref<128x16384xf32, #tpu.memory_space<hbm>> -> memref<1x4096xf32, #tpu.memory_space<hbm>>
    %dma_wait3A_118 = tpu.memref_squeeze %dma_wait3A_117 : memref<1x4096xf32, #tpu.memory_space<hbm>> -> memref<4096xf32, #tpu.memory_space<hbm>>
    %dma_wait3A_119 = tpu.memref_slice %arg10[%dma_wait3A_115] : memref<2x!tpu.dma_semaphore, #tpu.memory_space<semaphore_mem>> -> memref<1x!tpu.dma_semaphore, #tpu.memory_space<semaphore_mem>>
    %dma_wait3A_120 = tpu.memref_squeeze %dma_wait3A_119 : memref<1x!tpu.dma_semaphore, #tpu.memory_space<semaphore_mem>> -> memref<!tpu.dma_semaphore, #tpu.memory_space<semaphore_mem>>
    %dma_wait3A_121 = arith.constant 0 : i32
    %dma_wait3A_122 = tpu.memref_slice %arg4[%add3A_105, %dma_wait3A_121] : memref<128x16384xf32, #tpu.memory_space<hbm>> -> memref<1x4096xf32, #tpu.memory_space<hbm>>
    %dma_wait3A_123 = tpu.memref_squeeze %dma_wait3A_122 : memref<1x4096xf32, #tpu.memory_space<hbm>> -> memref<4096xf32, #tpu.memory_space<hbm>>
    tpu.wait_dma2 semaphore(%dma_wait3A_120 : memref<!tpu.dma_semaphore, #tpu.memory_space<semaphore_mem>>) src(%dma_wait3A_123 : memref<4096xf32, #tpu.memory_space<hbm>>) dst(%arg8 : memref<4096xf32, #tpu.memory_space<vmem>>)
    %dma_start3A_124 = arith.constant 1 : i32
    %dma_start3A_125 = arith.constant 4096 : i32
    %dma_start3A_126 = tpu.memref_slice %arg4[%add3A_105, %dma_start3A_125] : memref<128x16384xf32, #tpu.memory_space<hbm>> -> memref<1x4096xf32, #tpu.memory_space<hbm>>
    %dma_start3A_127 = tpu.memref_squeeze %dma_start3A_126 : memref<1x4096xf32, #tpu.memory_space<hbm>> -> memref<4096xf32, #tpu.memory_space<hbm>>
    %dma_start3A_128 = tpu.memref_slice %arg10[%dma_start3A_124] : memref<2x!tpu.dma_semaphore, #tpu.memory_space<semaphore_mem>> -> memref<1x!tpu.dma_semaphore, #tpu.memory_space<semaphore_mem>>
    %dma_start3A_129 = tpu.memref_squeeze %dma_start3A_128 : memref<1x!tpu.dma_semaphore, #tpu.memory_space<semaphore_mem>> -> memref<!tpu.dma_semaphore, #tpu.memory_space<semaphore_mem>>
    %dma_start3A_130 = arith.constant 4096 : i32
    %dma_start3A_131 = tpu.memref_slice %arg4[%add3A_105, %dma_start3A_130] : memref<128x16384xf32, #tpu.memory_space<hbm>> -> memref<1x4096xf32, #tpu.memory_space<hbm>>
    %dma_start3A_132 = tpu.memref_squeeze %dma_start3A_131 : memref<1x4096xf32, #tpu.memory_space<hbm>> -> memref<4096xf32, #tpu.memory_space<hbm>>
    tpu.enqueue_dma source(%dma_start3A_132 : memref<4096xf32, #tpu.memory_space<hbm>>) target(%arg9 : memref<4096xf32, #tpu.memory_space<vmem>>) target_semaphore(%dma_start3A_129 : memref<!tpu.dma_semaphore, #tpu.memory_space<semaphore_mem>>)
    %scan3A_133 = arith.constant 0 : i32
    %scan3A_134 = arith.constant 0 : i32
    %scan3A_135 = arith.constant 32 : i32
    %scan3A_136 = arith.addi %scan3A_134, %scan3A_135 : i32
    %scan3A_137 = arith.constant 1 : i32
    %scan3A_138 = scf.for %scan3A_414 = %scan3A_134 to %scan3A_136 step %scan3A_137 iter_args(%scan3A_415 = %scan3A_133) -> (i32)  : i32 {
      %mul3A_416 = arith.constant 8 : i32
      %mul3A_417 = arith.muli %scan3A_414, %mul3A_416 : i32
      %add3A_418 = arith.constant 0 : i32
      %add3A_419 = arith.addi %mul3A_417, %add3A_418 : i32
      %mul3A_420 = arith.constant 16 : i32
      %mul3A_421 = arith.muli %add3A_419, %mul3A_420 : i32
      %add3A_422 = arith.constant 0 : i32
      %add3A_423 = arith.addi %add3A_422, %mul3A_421 : i32
      %get3A = arith.index_cast %add3A_423 : i32 to index
      %get3A_424 = tpu.vector_load %arg6[%get3A] {strides = array<i32>} : memref<16384xi32, #tpu.memory_space<vmem>>, vector<16xi32>,
      %mul3A_425 = arith.constant 16 : i32
      %mul3A_426 = arith.muli %add3A_419, %mul3A_425 : i32
      %get3A_427 = arith.index_cast %mul3A_426 : i32 to index
      %get3A_428 = tpu.vector_load %arg8[%get3A_427] {strides = array<i32>} : memref<4096xf32, #tpu.memory_space<vmem>>, vector<16xf32>,
      tpu.vector_store_idx %arg7[%get3A_424], %get3A_428 {add = true} : memref<100000xf32, #tpu.memory_space<vmem>>[vector<16xi32>], vector<16xf32>,
      %mul3A_429 = arith.constant 8 : i32
      %mul3A_430 = arith.muli %scan3A_414, %mul3A_429 : i32
      %add3A_431 = arith.constant 1 : i32
      %add3A_432 = arith.addi %mul3A_430, %add3A_431 : i32
      %mul3A_433 = arith.constant 16 : i32
      %mul3A_434 = arith.muli %add3A_432, %mul3A_433 : i32
      %add3A_435 = arith.constant 0 : i32
      %add3A_436 = arith.addi %add3A_435, %mul3A_434 : i32
      %get3A_437 = arith.index_cast %add3A_436 : i32 to index
      %get3A_438 = tpu.vector_load %arg6[%get3A_437] {strides = array<i32>} : memref<16384xi32, #tpu.memory_space<vmem>>, vector<16xi32>,
      %mul3A_439 = arith.constant 16 : i32
      %mul3A_440 = arith.muli %add3A_432, %mul3A_439 : i32
      %get3A_441 = arith.index_cast %mul3A_440 : i32 to index
      %get3A_442 = tpu.vector_load %arg8[%get3A_441] {strides = array<i32>} : memref<4096xf32, #tpu.memory_space<vmem>>, vector<16xf32>,
      tpu.vector_store_idx %arg7[%get3A_438], %get3A_442 {add = true} : memref<100000xf32, #tpu.memory_space<vmem>>[vector<16xi32>], vector<16xf32>,
      %mul3A_443 = arith.constant 8 : i32
      %mul3A_444 = arith.muli %scan3A_414, %mul3A_443 : i32
      %add3A_445 = arith.constant 2 : i32
      %add3A_446 = arith.addi %mul3A_444, %add3A_445 : i32
      %mul3A_447 = arith.constant 16 : i32
      %mul3A_448 = arith.muli %add3A_446, %mul3A_447 : i32
      %add3A_449 = arith.constant 0 : i32
      %add3A_450 = arith.addi %add3A_449, %mul3A_448 : i32
      %get3A_451 = arith.index_cast %add3A_450 : i32 to index
      %get3A_452 = tpu.vector_load %arg6[%get3A_451] {strides = array<i32>} : memref<16384xi32, #tpu.memory_space<vmem>>, vector<16xi32>,
      %mul3A_453 = arith.constant 16 : i32
      %mul3A_454 = arith.muli %add3A_446, %mul3A_453 : i32
      %get3A_455 = arith.index_cast %mul3A_454 : i32 to index
      %get3A_456 = tpu.vector_load %arg8[%get3A_455] {strides = array<i32>} : memref<4096xf32, #tpu.memory_space<vmem>>, vector<16xf32>,
      tpu.vector_store_idx %arg7[%get3A_452], %get3A_456 {add = true} : memref<100000xf32, #tpu.memory_space<vmem>>[vector<16xi32>], vector<16xf32>,
      %mul3A_457 = arith.constant 8 : i32
      %mul3A_458 = arith.muli %scan3A_414, %mul3A_457 : i32
      %add3A_459 = arith.constant 3 : i32
      %add3A_460 = arith.addi %mul3A_458, %add3A_459 : i32
      %mul3A_461 = arith.constant 16 : i32
      %mul3A_462 = arith.muli %add3A_460, %mul3A_461 : i32
      %add3A_463 = arith.constant 0 : i32
      %add3A_464 = arith.addi %add3A_463, %mul3A_462 : i32
      %get3A_465 = arith.index_cast %add3A_464 : i32 to index
      %get3A_466 = tpu.vector_load %arg6[%get3A_465] {strides = array<i32>} : memref<16384xi32, #tpu.memory_space<vmem>>, vector<16xi32>,
      %mul3A_467 = arith.constant 16 : i32
      %mul3A_468 = arith.muli %add3A_460, %mul3A_467 : i32
      %get3A_469 = arith.index_cast %mul3A_468 : i32 to index
      %get3A_470 = tpu.vector_load %arg8[%get3A_469] {strides = array<i32>} : memref<4096xf32, #tpu.memory_space<vmem>>, vector<16xf32>,
      tpu.vector_store_idx %arg7[%get3A_466], %get3A_470 {add = true} : memref<100000xf32, #tpu.memory_space<vmem>>[vector<16xi32>], vector<16xf32>,
      %mul3A_471 = arith.constant 8 : i32
      %mul3A_472 = arith.muli %scan3A_414, %mul3A_471 : i32
      %add3A_473 = arith.constant 4 : i32
      %add3A_474 = arith.addi %mul3A_472, %add3A_473 : i32
      %mul3A_475 = arith.constant 16 : i32
      %mul3A_476 = arith.muli %add3A_474, %mul3A_475 : i32
      %add3A_477 = arith.constant 0 : i32
      %add3A_478 = arith.addi %add3A_477, %mul3A_476 : i32
      %get3A_479 = arith.index_cast %add3A_478 : i32 to index
      %get3A_480 = tpu.vector_load %arg6[%get3A_479] {strides = array<i32>} : memref<16384xi32, #tpu.memory_space<vmem>>, vector<16xi32>,
      %mul3A_481 = arith.constant 16 : i32
      %mul3A_482 = arith.muli %add3A_474, %mul3A_481 : i32
      %get3A_483 = arith.index_cast %mul3A_482 : i32 to index
      %get3A_484 = tpu.vector_load %arg8[%get3A_483] {strides = array<i32>} : memref<4096xf32, #tpu.memory_space<vmem>>, vector<16xf32>,
      tpu.vector_store_idx %arg7[%get3A_480], %get3A_484 {add = true} : memref<100000xf32, #tpu.memory_space<vmem>>[vector<16xi32>], vector<16xf32>,
      %mul3A_485 = arith.constant 8 : i32
      %mul3A_486 = arith.muli %scan3A_414, %mul3A_485 : i32
      %add3A_487 = arith.constant 5 : i32
      %add3A_488 = arith.addi %mul3A_486, %add3A_487 : i32
      %mul3A_489 = arith.constant 16 : i32
      %mul3A_490 = arith.muli %add3A_488, %mul3A_489 : i32
      %add3A_491 = arith.constant 0 : i32
      %add3A_492 = arith.addi %add3A_491, %mul3A_490 : i32
      %get3A_493 = arith.index_cast %add3A_492 : i32 to index
      %get3A_494 = tpu.vector_load %arg6[%get3A_493] {strides = array<i32>} : memref<16384xi32, #tpu.memory_space<vmem>>, vector<16xi32>,
      %mul3A_495 = arith.constant 16 : i32
      %mul3A_496 = arith.muli %add3A_488, %mul3A_495 : i32
      %get3A_497 = arith.index_cast %mul3A_496 : i32 to index
      %get3A_498 = tpu.vector_load %arg8[%get3A_497] {strides = array<i32>} : memref<4096xf32, #tpu.memory_space<vmem>>, vector<16xf32>,
      tpu.vector_store_idx %arg7[%get3A_494], %get3A_498 {add = true} : memref<100000xf32, #tpu.memory_space<vmem>>[vector<16xi32>], vector<16xf32>,
      %mul3A_499 = arith.constant 8 : i32
      %mul3A_500 = arith.muli %scan3A_414, %mul3A_499 : i32
      %add3A_501 = arith.constant 6 : i32
      %add3A_502 = arith.addi %mul3A_500, %add3A_501 : i32
      %mul3A_503 = arith.constant 16 : i32
      %mul3A_504 = arith.muli %add3A_502, %mul3A_503 : i32
      %add3A_505 = arith.constant 0 : i32
      %add3A_506 = arith.addi %add3A_505, %mul3A_504 : i32
      %get3A_507 = arith.index_cast %add3A_506 : i32 to index
      %get3A_508 = tpu.vector_load %arg6[%get3A_507] {strides = array<i32>} : memref<16384xi32, #tpu.memory_space<vmem>>, vector<16xi32>,
      %mul3A_509 = arith.constant 16 : i32
      %mul3A_510 = arith.muli %add3A_502, %mul3A_509 : i32
      %get3A_511 = arith.index_cast %mul3A_510 : i32 to index
      %get3A_512 = tpu.vector_load %arg8[%get3A_511] {strides = array<i32>} : memref<4096xf32, #tpu.memory_space<vmem>>, vector<16xf32>,
      tpu.vector_store_idx %arg7[%get3A_508], %get3A_512 {add = true} : memref<100000xf32, #tpu.memory_space<vmem>>[vector<16xi32>], vector<16xf32>,
      %mul3A_513 = arith.constant 8 : i32
      %mul3A_514 = arith.muli %scan3A_414, %mul3A_513 : i32
      %add3A_515 = arith.constant 7 : i32
      %add3A_516 = arith.addi %mul3A_514, %add3A_515 : i32
      %mul3A_517 = arith.constant 16 : i32
      %mul3A_518 = arith.muli %add3A_516, %mul3A_517 : i32
      %add3A_519 = arith.constant 0 : i32
      %add3A_520 = arith.addi %add3A_519, %mul3A_518 : i32
      %get3A_521 = arith.index_cast %add3A_520 : i32 to index
      %get3A_522 = tpu.vector_load %arg6[%get3A_521] {strides = array<i32>} : memref<16384xi32, #tpu.memory_space<vmem>>, vector<16xi32>,
      %mul3A_523 = arith.constant 16 : i32
      %mul3A_524 = arith.muli %add3A_516, %mul3A_523 : i32
      %get3A_525 = arith.index_cast %mul3A_524 : i32 to index
      %get3A_526 = tpu.vector_load %arg8[%get3A_525] {strides = array<i32>} : memref<4096xf32, #tpu.memory_space<vmem>>, vector<16xf32>,
      tpu.vector_store_idx %arg7[%get3A_522], %get3A_526 {add = true} : memref<100000xf32, #tpu.memory_space<vmem>>[vector<16xi32>], vector<16xf32>,
      %scan3A_527 = arith.constant 0 : i32
      scf.yield %scan3A_527 : i32
    }
    %scan3A_139 = arith.constant 32 : i32
    %dma_wait3A_140 = arith.constant 1 : i32
    %dma_wait3A_141 = arith.constant 4096 : i32
    %dma_wait3A_142 = tpu.memref_slice %arg4[%add3A_105, %dma_wait3A_141] : memref<128x16384xf32, #tpu.memory_space<hbm>> -> memref<1x4096xf32, #tpu.memory_space<hbm>>
    %dma_wait3A_143 = tpu.memref_squeeze %dma_wait3A_142 : memref<1x4096xf32, #tpu.memory_space<hbm>> -> memref<4096xf32, #tpu.memory_space<hbm>>
    %dma_wait3A_144 = tpu.memref_slice %arg10[%dma_wait3A_140] : memref<2x!tpu.dma_semaphore, #tpu.memory_space<semaphore_mem>> -> memref<1x!tpu.dma_semaphore, #tpu.memory_space<semaphore_mem>>
    %dma_wait3A_145 = tpu.memref_squeeze %dma_wait3A_144 : memref<1x!tpu.dma_semaphore, #tpu.memory_space<semaphore_mem>> -> memref<!tpu.dma_semaphore, #tpu.memory_space<semaphore_mem>>
    %dma_wait3A_146 = arith.constant 4096 : i32
    %dma_wait3A_147 = tpu.memref_slice %arg4[%add3A_105, %dma_wait3A_146] : memref<128x16384xf32, #tpu.memory_space<hbm>> -> memref<1x4096xf32, #tpu.memory_space<hbm>>
    %dma_wait3A_148 = tpu.memref_squeeze %dma_wait3A_147 : memref<1x4096xf32, #tpu.memory_space<hbm>> -> memref<4096xf32, #tpu.memory_space<hbm>>
    tpu.wait_dma2 semaphore(%dma_wait3A_145 : memref<!tpu.dma_semaphore, #tpu.memory_space<semaphore_mem>>) src(%dma_wait3A_148 : memref<4096xf32, #tpu.memory_space<hbm>>) dst(%arg9 : memref<4096xf32, #tpu.memory_space<vmem>>)
    %dma_start3A_149 = arith.constant 0 : i32
    %dma_start3A_150 = arith.constant 8192 : i32
    %dma_start3A_151 = tpu.memref_slice %arg4[%add3A_105, %dma_start3A_150] : memref<128x16384xf32, #tpu.memory_space<hbm>> -> memref<1x4096xf32, #tpu.memory_space<hbm>>
    %dma_start3A_152 = tpu.memref_squeeze %dma_start3A_151 : memref<1x4096xf32, #tpu.memory_space<hbm>> -> memref<4096xf32, #tpu.memory_space<hbm>>
    %dma_start3A_153 = tpu.memref_slice %arg10[%dma_start3A_149] : memref<2x!tpu.dma_semaphore, #tpu.memory_space<semaphore_mem>> -> memref<1x!tpu.dma_semaphore, #tpu.memory_space<semaphore_mem>>
    %dma_start3A_154 = tpu.memref_squeeze %dma_start3A_153 : memref<1x!tpu.dma_semaphore, #tpu.memory_space<semaphore_mem>> -> memref<!tpu.dma_semaphore, #tpu.memory_space<semaphore_mem>>
    %dma_start3A_155 = arith.constant 8192 : i32
    %dma_start3A_156 = tpu.memref_slice %arg4[%add3A_105, %dma_start3A_155] : memref<128x16384xf32, #tpu.memory_space<hbm>> -> memref<1x4096xf32, #tpu.memory_space<hbm>>
    %dma_start3A_157 = tpu.memref_squeeze %dma_start3A_156 : memref<1x4096xf32, #tpu.memory_space<hbm>> -> memref<4096xf32, #tpu.memory_space<hbm>>
    tpu.enqueue_dma source(%dma_start3A_157 : memref<4096xf32, #tpu.memory_space<hbm>>) target(%arg8 : memref<4096xf32, #tpu.memory_space<vmem>>) target_semaphore(%dma_start3A_154 : memref<!tpu.dma_semaphore, #tpu.memory_space<semaphore_mem>>)
    %scan3A_158 = arith.constant 0 : i32
    %scan3A_159 = arith.constant 0 : i32
    %scan3A_160 = arith.constant 32 : i32
    %scan3A_161 = arith.addi %scan3A_159, %scan3A_160 : i32
    %scan3A_162 = arith.constant 1 : i32
    %scan3A_163 = scf.for %scan3A_414 = %scan3A_159 to %scan3A_161 step %scan3A_162 iter_args(%scan3A_415 = %scan3A_158) -> (i32)  : i32 {
      %mul3A_416 = arith.constant 8 : i32
      %mul3A_417 = arith.muli %scan3A_414, %mul3A_416 : i32
      %add3A_418 = arith.constant 0 : i32
      %add3A_419 = arith.addi %mul3A_417, %add3A_418 : i32
      %mul3A_420 = arith.constant 16 : i32
      %mul3A_421 = arith.muli %add3A_419, %mul3A_420 : i32
      %add3A_422 = arith.constant 4096 : i32
      %add3A_423 = arith.addi %add3A_422, %mul3A_421 : i32
      %get3A = arith.index_cast %add3A_423 : i32 to index
      %get3A_424 = tpu.vector_load %arg6[%get3A] {strides = array<i32>} : memref<16384xi32, #tpu.memory_space<vmem>>, vector<16xi32>,
      %mul3A_425 = arith.constant 16 : i32
      %mul3A_426 = arith.muli %add3A_419, %mul3A_425 : i32
      %get3A_427 = arith.index_cast %mul3A_426 : i32 to index
      %get3A_428 = tpu.vector_load %arg9[%get3A_427] {strides = array<i32>} : memref<4096xf32, #tpu.memory_space<vmem>>, vector<16xf32>,
      tpu.vector_store_idx %arg7[%get3A_424], %get3A_428 {add = true} : memref<100000xf32, #tpu.memory_space<vmem>>[vector<16xi32>], vector<16xf32>,
      %mul3A_429 = arith.constant 8 : i32
      %mul3A_430 = arith.muli %scan3A_414, %mul3A_429 : i32
      %add3A_431 = arith.constant 1 : i32
      %add3A_432 = arith.addi %mul3A_430, %add3A_431 : i32
      %mul3A_433 = arith.constant 16 : i32
      %mul3A_434 = arith.muli %add3A_432, %mul3A_433 : i32
      %add3A_435 = arith.constant 4096 : i32
      %add3A_436 = arith.addi %add3A_435, %mul3A_434 : i32
      %get3A_437 = arith.index_cast %add3A_436 : i32 to index
      %get3A_438 = tpu.vector_load %arg6[%get3A_437] {strides = array<i32>} : memref<16384xi32, #tpu.memory_space<vmem>>, vector<16xi32>,
      %mul3A_439 = arith.constant 16 : i32
      %mul3A_440 = arith.muli %add3A_432, %mul3A_439 : i32
      %get3A_441 = arith.index_cast %mul3A_440 : i32 to index
      %get3A_442 = tpu.vector_load %arg9[%get3A_441] {strides = array<i32>} : memref<4096xf32, #tpu.memory_space<vmem>>, vector<16xf32>,
      tpu.vector_store_idx %arg7[%get3A_438], %get3A_442 {add = true} : memref<100000xf32, #tpu.memory_space<vmem>>[vector<16xi32>], vector<16xf32>,
      %mul3A_443 = arith.constant 8 : i32
      %mul3A_444 = arith.muli %scan3A_414, %mul3A_443 : i32
      %add3A_445 = arith.constant 2 : i32
      %add3A_446 = arith.addi %mul3A_444, %add3A_445 : i32
      %mul3A_447 = arith.constant 16 : i32
      %mul3A_448 = arith.muli %add3A_446, %mul3A_447 : i32
      %add3A_449 = arith.constant 4096 : i32
      %add3A_450 = arith.addi %add3A_449, %mul3A_448 : i32
      %get3A_451 = arith.index_cast %add3A_450 : i32 to index
      %get3A_452 = tpu.vector_load %arg6[%get3A_451] {strides = array<i32>} : memref<16384xi32, #tpu.memory_space<vmem>>, vector<16xi32>,
      %mul3A_453 = arith.constant 16 : i32
      %mul3A_454 = arith.muli %add3A_446, %mul3A_453 : i32
      %get3A_455 = arith.index_cast %mul3A_454 : i32 to index
      %get3A_456 = tpu.vector_load %arg9[%get3A_455] {strides = array<i32>} : memref<4096xf32, #tpu.memory_space<vmem>>, vector<16xf32>,
      tpu.vector_store_idx %arg7[%get3A_452], %get3A_456 {add = true} : memref<100000xf32, #tpu.memory_space<vmem>>[vector<16xi32>], vector<16xf32>,
      %mul3A_457 = arith.constant 8 : i32
      %mul3A_458 = arith.muli %scan3A_414, %mul3A_457 : i32
      %add3A_459 = arith.constant 3 : i32
      %add3A_460 = arith.addi %mul3A_458, %add3A_459 : i32
      %mul3A_461 = arith.constant 16 : i32
      %mul3A_462 = arith.muli %add3A_460, %mul3A_461 : i32
      %add3A_463 = arith.constant 4096 : i32
      %add3A_464 = arith.addi %add3A_463, %mul3A_462 : i32
      %get3A_465 = arith.index_cast %add3A_464 : i32 to index
      %get3A_466 = tpu.vector_load %arg6[%get3A_465] {strides = array<i32>} : memref<16384xi32, #tpu.memory_space<vmem>>, vector<16xi32>,
      %mul3A_467 = arith.constant 16 : i32
      %mul3A_468 = arith.muli %add3A_460, %mul3A_467 : i32
      %get3A_469 = arith.index_cast %mul3A_468 : i32 to index
      %get3A_470 = tpu.vector_load %arg9[%get3A_469] {strides = array<i32>} : memref<4096xf32, #tpu.memory_space<vmem>>, vector<16xf32>,
      tpu.vector_store_idx %arg7[%get3A_466], %get3A_470 {add = true} : memref<100000xf32, #tpu.memory_space<vmem>>[vector<16xi32>], vector<16xf32>,
      %mul3A_471 = arith.constant 8 : i32
      %mul3A_472 = arith.muli %scan3A_414, %mul3A_471 : i32
      %add3A_473 = arith.constant 4 : i32
      %add3A_474 = arith.addi %mul3A_472, %add3A_473 : i32
      %mul3A_475 = arith.constant 16 : i32
      %mul3A_476 = arith.muli %add3A_474, %mul3A_475 : i32
      %add3A_477 = arith.constant 4096 : i32
      %add3A_478 = arith.addi %add3A_477, %mul3A_476 : i32
      %get3A_479 = arith.index_cast %add3A_478 : i32 to index
      %get3A_480 = tpu.vector_load %arg6[%get3A_479] {strides = array<i32>} : memref<16384xi32, #tpu.memory_space<vmem>>, vector<16xi32>,
      %mul3A_481 = arith.constant 16 : i32
      %mul3A_482 = arith.muli %add3A_474, %mul3A_481 : i32
      %get3A_483 = arith.index_cast %mul3A_482 : i32 to index
      %get3A_484 = tpu.vector_load %arg9[%get3A_483] {strides = array<i32>} : memref<4096xf32, #tpu.memory_space<vmem>>, vector<16xf32>,
      tpu.vector_store_idx %arg7[%get3A_480], %get3A_484 {add = true} : memref<100000xf32, #tpu.memory_space<vmem>>[vector<16xi32>], vector<16xf32>,
      %mul3A_485 = arith.constant 8 : i32
      %mul3A_486 = arith.muli %scan3A_414, %mul3A_485 : i32
      %add3A_487 = arith.constant 5 : i32
      %add3A_488 = arith.addi %mul3A_486, %add3A_487 : i32
      %mul3A_489 = arith.constant 16 : i32
      %mul3A_490 = arith.muli %add3A_488, %mul3A_489 : i32
      %add3A_491 = arith.constant 4096 : i32
      %add3A_492 = arith.addi %add3A_491, %mul3A_490 : i32
      %get3A_493 = arith.index_cast %add3A_492 : i32 to index
      %get3A_494 = tpu.vector_load %arg6[%get3A_493] {strides = array<i32>} : memref<16384xi32, #tpu.memory_space<vmem>>, vector<16xi32>,
      %mul3A_495 = arith.constant 16 : i32
      %mul3A_496 = arith.muli %add3A_488, %mul3A_495 : i32
      %get3A_497 = arith.index_cast %mul3A_496 : i32 to index
      %get3A_498 = tpu.vector_load %arg9[%get3A_497] {strides = array<i32>} : memref<4096xf32, #tpu.memory_space<vmem>>, vector<16xf32>,
      tpu.vector_store_idx %arg7[%get3A_494], %get3A_498 {add = true} : memref<100000xf32, #tpu.memory_space<vmem>>[vector<16xi32>], vector<16xf32>,
      %mul3A_499 = arith.constant 8 : i32
      %mul3A_500 = arith.muli %scan3A_414, %mul3A_499 : i32
      %add3A_501 = arith.constant 6 : i32
      %add3A_502 = arith.addi %mul3A_500, %add3A_501 : i32
      %mul3A_503 = arith.constant 16 : i32
      %mul3A_504 = arith.muli %add3A_502, %mul3A_503 : i32
      %add3A_505 = arith.constant 4096 : i32
      %add3A_506 = arith.addi %add3A_505, %mul3A_504 : i32
      %get3A_507 = arith.index_cast %add3A_506 : i32 to index
      %get3A_508 = tpu.vector_load %arg6[%get3A_507] {strides = array<i32>} : memref<16384xi32, #tpu.memory_space<vmem>>, vector<16xi32>,
      %mul3A_509 = arith.constant 16 : i32
      %mul3A_510 = arith.muli %add3A_502, %mul3A_509 : i32
      %get3A_511 = arith.index_cast %mul3A_510 : i32 to index
      %get3A_512 = tpu.vector_load %arg9[%get3A_511] {strides = array<i32>} : memref<4096xf32, #tpu.memory_space<vmem>>, vector<16xf32>,
      tpu.vector_store_idx %arg7[%get3A_508], %get3A_512 {add = true} : memref<100000xf32, #tpu.memory_space<vmem>>[vector<16xi32>], vector<16xf32>,
      %mul3A_513 = arith.constant 8 : i32
      %mul3A_514 = arith.muli %scan3A_414, %mul3A_513 : i32
      %add3A_515 = arith.constant 7 : i32
      %add3A_516 = arith.addi %mul3A_514, %add3A_515 : i32
      %mul3A_517 = arith.constant 16 : i32
      %mul3A_518 = arith.muli %add3A_516, %mul3A_517 : i32
      %add3A_519 = arith.constant 4096 : i32
      %add3A_520 = arith.addi %add3A_519, %mul3A_518 : i32
      %get3A_521 = arith.index_cast %add3A_520 : i32 to index
      %get3A_522 = tpu.vector_load %arg6[%get3A_521] {strides = array<i32>} : memref<16384xi32, #tpu.memory_space<vmem>>, vector<16xi32>,
      %mul3A_523 = arith.constant 16 : i32
      %mul3A_524 = arith.muli %add3A_516, %mul3A_523 : i32
      %get3A_525 = arith.index_cast %mul3A_524 : i32 to index
      %get3A_526 = tpu.vector_load %arg9[%get3A_525] {strides = array<i32>} : memref<4096xf32, #tpu.memory_space<vmem>>, vector<16xf32>,
      tpu.vector_store_idx %arg7[%get3A_522], %get3A_526 {add = true} : memref<100000xf32, #tpu.memory_space<vmem>>[vector<16xi32>], vector<16xf32>,
      %scan3A_527 = arith.constant 0 : i32
      scf.yield %scan3A_527 : i32
    }
    %scan3A_164 = arith.constant 32 : i32
    %dma_wait3A_165 = arith.constant 0 : i32
    %dma_wait3A_166 = arith.constant 8192 : i32
    %dma_wait3A_167 = tpu.memref_slice %arg4[%add3A_105, %dma_wait3A_166] : memref<128x16384xf32, #tpu.memory_space<hbm>> -> memref<1x4096xf32, #tpu.memory_space<hbm>>
    %dma_wait3A_168 = tpu.memref_squeeze %dma_wait3A_167 : memref<1x4096xf32, #tpu.memory_space<hbm>> -> memref<4096xf32, #tpu.memory_space<hbm>>
    %dma_wait3A_169 = tpu.memref_slice %arg10[%dma_wait3A_165] : memref<2x!tpu.dma_semaphore, #tpu.memory_space<semaphore_mem>> -> memref<1x!tpu.dma_semaphore, #tpu.memory_space<semaphore_mem>>
    %dma_wait3A_170 = tpu.memref_squeeze %dma_wait3A_169 : memref<1x!tpu.dma_semaphore, #tpu.memory_space<semaphore_mem>> -> memref<!tpu.dma_semaphore, #tpu.memory_space<semaphore_mem>>
    %dma_wait3A_171 = arith.constant 8192 : i32
    %dma_wait3A_172 = tpu.memref_slice %arg4[%add3A_105, %dma_wait3A_171] : memref<128x16384xf32, #tpu.memory_space<hbm>> -> memref<1x4096xf32, #tpu.memory_space<hbm>>
    %dma_wait3A_173 = tpu.memref_squeeze %dma_wait3A_172 : memref<1x4096xf32, #tpu.memory_space<hbm>> -> memref<4096xf32, #tpu.memory_space<hbm>>
    tpu.wait_dma2 semaphore(%dma_wait3A_170 : memref<!tpu.dma_semaphore, #tpu.memory_space<semaphore_mem>>) src(%dma_wait3A_173 : memref<4096xf32, #tpu.memory_space<hbm>>) dst(%arg8 : memref<4096xf32, #tpu.memory_space<vmem>>)
    %dma_start3A_174 = arith.constant 1 : i32
    %dma_start3A_175 = arith.constant 12288 : i32
    %dma_start3A_176 = tpu.memref_slice %arg4[%add3A_105, %dma_start3A_175] : memref<128x16384xf32, #tpu.memory_space<hbm>> -> memref<1x4096xf32, #tpu.memory_space<hbm>>
    %dma_start3A_177 = tpu.memref_squeeze %dma_start3A_176 : memref<1x4096xf32, #tpu.memory_space<hbm>> -> memref<4096xf32, #tpu.memory_space<hbm>>
    %dma_start3A_178 = tpu.memref_slice %arg10[%dma_start3A_174] : memref<2x!tpu.dma_semaphore, #tpu.memory_space<semaphore_mem>> -> memref<1x!tpu.dma_semaphore, #tpu.memory_space<semaphore_mem>>
    %dma_start3A_179 = tpu.memref_squeeze %dma_start3A_178 : memref<1x!tpu.dma_semaphore, #tpu.memory_space<semaphore_mem>> -> memref<!tpu.dma_semaphore, #tpu.memory_space<semaphore_mem>>
    %dma_start3A_180 = arith.constant 12288 : i32
    %dma_start3A_181 = tpu.memref_slice %arg4[%add3A_105, %dma_start3A_180] : memref<128x16384xf32, #tpu.memory_space<hbm>> -> memref<1x4096xf32, #tpu.memory_space<hbm>>
    %dma_start3A_182 = tpu.memref_squeeze %dma_start3A_181 : memref<1x4096xf32, #tpu.memory_space<hbm>> -> memref<4096xf32, #tpu.memory_space<hbm>>
    tpu.enqueue_dma source(%dma_start3A_182 : memref<4096xf32, #tpu.memory_space<hbm>>) target(%arg9 : memref<4096xf32, #tpu.memory_space<vmem>>) target_semaphore(%dma_start3A_179 : memref<!tpu.dma_semaphore, #tpu.memory_space<semaphore_mem>>)
    %scan3A_183 = arith.constant 0 : i32
    %scan3A_184 = arith.constant 0 : i32
    %scan3A_185 = arith.constant 32 : i32
    %scan3A_186 = arith.addi %scan3A_184, %scan3A_185 : i32
    %scan3A_187 = arith.constant 1 : i32
    %scan3A_188 = scf.for %scan3A_414 = %scan3A_184 to %scan3A_186 step %scan3A_187 iter_args(%scan3A_415 = %scan3A_183) -> (i32)  : i32 {
      %mul3A_416 = arith.constant 8 : i32
      %mul3A_417 = arith.muli %scan3A_414, %mul3A_416 : i32
      %add3A_418 = arith.constant 0 : i32
      %add3A_419 = arith.addi %mul3A_417, %add3A_418 : i32
      %mul3A_420 = arith.constant 16 : i32
      %mul3A_421 = arith.muli %add3A_419, %mul3A_420 : i32
      %add3A_422 = arith.constant 8192 : i32
      %add3A_423 = arith.addi %add3A_422, %mul3A_421 : i32
      %get3A = arith.index_cast %add3A_423 : i32 to index
      %get3A_424 = tpu.vector_load %arg6[%get3A] {strides = array<i32>} : memref<16384xi32, #tpu.memory_space<vmem>>, vector<16xi32>,
      %mul3A_425 = arith.constant 16 : i32
      %mul3A_426 = arith.muli %add3A_419, %mul3A_425 : i32
      %get3A_427 = arith.index_cast %mul3A_426 : i32 to index
      %get3A_428 = tpu.vector_load %arg8[%get3A_427] {strides = array<i32>} : memref<4096xf32, #tpu.memory_space<vmem>>, vector<16xf32>,
      tpu.vector_store_idx %arg7[%get3A_424], %get3A_428 {add = true} : memref<100000xf32, #tpu.memory_space<vmem>>[vector<16xi32>], vector<16xf32>,
      %mul3A_429 = arith.constant 8 : i32
      %mul3A_430 = arith.muli %scan3A_414, %mul3A_429 : i32
      %add3A_431 = arith.constant 1 : i32
      %add3A_432 = arith.addi %mul3A_430, %add3A_431 : i32
      %mul3A_433 = arith.constant 16 : i32
      %mul3A_434 = arith.muli %add3A_432, %mul3A_433 : i32
      %add3A_435 = arith.constant 8192 : i32
      %add3A_436 = arith.addi %add3A_435, %mul3A_434 : i32
      %get3A_437 = arith.index_cast %add3A_436 : i32 to index
      %get3A_438 = tpu.vector_load %arg6[%get3A_437] {strides = array<i32>} : memref<16384xi32, #tpu.memory_space<vmem>>, vector<16xi32>,
      %mul3A_439 = arith.constant 16 : i32
      %mul3A_440 = arith.muli %add3A_432, %mul3A_439 : i32
      %get3A_441 = arith.index_cast %mul3A_440 : i32 to index
      %get3A_442 = tpu.vector_load %arg8[%get3A_441] {strides = array<i32>} : memref<4096xf32, #tpu.memory_space<vmem>>, vector<16xf32>,
      tpu.vector_store_idx %arg7[%get3A_438], %get3A_442 {add = true} : memref<100000xf32, #tpu.memory_space<vmem>>[vector<16xi32>], vector<16xf32>,
      %mul3A_443 = arith.constant 8 : i32
      %mul3A_444 = arith.muli %scan3A_414, %mul3A_443 : i32
      %add3A_445 = arith.constant 2 : i32
      %add3A_446 = arith.addi %mul3A_444, %add3A_445 : i32
      %mul3A_447 = arith.constant 16 : i32
      %mul3A_448 = arith.muli %add3A_446, %mul3A_447 : i32
      %add3A_449 = arith.constant 8192 : i32
      %add3A_450 = arith.addi %add3A_449, %mul3A_448 : i32
      %get3A_451 = arith.index_cast %add3A_450 : i32 to index
      %get3A_452 = tpu.vector_load %arg6[%get3A_451] {strides = array<i32>} : memref<16384xi32, #tpu.memory_space<vmem>>, vector<16xi32>,
      %mul3A_453 = arith.constant 16 : i32
      %mul3A_454 = arith.muli %add3A_446, %mul3A_453 : i32
      %get3A_455 = arith.index_cast %mul3A_454 : i32 to index
      %get3A_456 = tpu.vector_load %arg8[%get3A_455] {strides = array<i32>} : memref<4096xf32, #tpu.memory_space<vmem>>, vector<16xf32>,
      tpu.vector_store_idx %arg7[%get3A_452], %get3A_456 {add = true} : memref<100000xf32, #tpu.memory_space<vmem>>[vector<16xi32>], vector<16xf32>,
      %mul3A_457 = arith.constant 8 : i32
      %mul3A_458 = arith.muli %scan3A_414, %mul3A_457 : i32
      %add3A_459 = arith.constant 3 : i32
      %add3A_460 = arith.addi %mul3A_458, %add3A_459 : i32
      %mul3A_461 = arith.constant 16 : i32
      %mul3A_462 = arith.muli %add3A_460, %mul3A_461 : i32
      %add3A_463 = arith.constant 8192 : i32
      %add3A_464 = arith.addi %add3A_463, %mul3A_462 : i32
      %get3A_465 = arith.index_cast %add3A_464 : i32 to index
      %get3A_466 = tpu.vector_load %arg6[%get3A_465] {strides = array<i32>} : memref<16384xi32, #tpu.memory_space<vmem>>, vector<16xi32>,
      %mul3A_467 = arith.constant 16 : i32
      %mul3A_468 = arith.muli %add3A_460, %mul3A_467 : i32
      %get3A_469 = arith.index_cast %mul3A_468 : i32 to index
      %get3A_470 = tpu.vector_load %arg8[%get3A_469] {strides = array<i32>} : memref<4096xf32, #tpu.memory_space<vmem>>, vector<16xf32>,
      tpu.vector_store_idx %arg7[%get3A_466], %get3A_470 {add = true} : memref<100000xf32, #tpu.memory_space<vmem>>[vector<16xi32>], vector<16xf32>,
      %mul3A_471 = arith.constant 8 : i32
      %mul3A_472 = arith.muli %scan3A_414, %mul3A_471 : i32
      %add3A_473 = arith.constant 4 : i32
      %add3A_474 = arith.addi %mul3A_472, %add3A_473 : i32
      %mul3A_475 = arith.constant 16 : i32
      %mul3A_476 = arith.muli %add3A_474, %mul3A_475 : i32
      %add3A_477 = arith.constant 8192 : i32
      %add3A_478 = arith.addi %add3A_477, %mul3A_476 : i32
      %get3A_479 = arith.index_cast %add3A_478 : i32 to index
      %get3A_480 = tpu.vector_load %arg6[%get3A_479] {strides = array<i32>} : memref<16384xi32, #tpu.memory_space<vmem>>, vector<16xi32>,
      %mul3A_481 = arith.constant 16 : i32
      %mul3A_482 = arith.muli %add3A_474, %mul3A_481 : i32
      %get3A_483 = arith.index_cast %mul3A_482 : i32 to index
      %get3A_484 = tpu.vector_load %arg8[%get3A_483] {strides = array<i32>} : memref<4096xf32, #tpu.memory_space<vmem>>, vector<16xf32>,
      tpu.vector_store_idx %arg7[%get3A_480], %get3A_484 {add = true} : memref<100000xf32, #tpu.memory_space<vmem>>[vector<16xi32>], vector<16xf32>,
      %mul3A_485 = arith.constant 8 : i32
      %mul3A_486 = arith.muli %scan3A_414, %mul3A_485 : i32
      %add3A_487 = arith.constant 5 : i32
      %add3A_488 = arith.addi %mul3A_486, %add3A_487 : i32
      %mul3A_489 = arith.constant 16 : i32
      %mul3A_490 = arith.muli %add3A_488, %mul3A_489 : i32
      %add3A_491 = arith.constant 8192 : i32
      %add3A_492 = arith.addi %add3A_491, %mul3A_490 : i32
      %get3A_493 = arith.index_cast %add3A_492 : i32 to index
      %get3A_494 = tpu.vector_load %arg6[%get3A_493] {strides = array<i32>} : memref<16384xi32, #tpu.memory_space<vmem>>, vector<16xi32>,
      %mul3A_495 = arith.constant 16 : i32
      %mul3A_496 = arith.muli %add3A_488, %mul3A_495 : i32
      %get3A_497 = arith.index_cast %mul3A_496 : i32 to index
      %get3A_498 = tpu.vector_load %arg8[%get3A_497] {strides = array<i32>} : memref<4096xf32, #tpu.memory_space<vmem>>, vector<16xf32>,
      tpu.vector_store_idx %arg7[%get3A_494], %get3A_498 {add = true} : memref<100000xf32, #tpu.memory_space<vmem>>[vector<16xi32>], vector<16xf32>,
      %mul3A_499 = arith.constant 8 : i32
      %mul3A_500 = arith.muli %scan3A_414, %mul3A_499 : i32
      %add3A_501 = arith.constant 6 : i32
      %add3A_502 = arith.addi %mul3A_500, %add3A_501 : i32
      %mul3A_503 = arith.constant 16 : i32
      %mul3A_504 = arith.muli %add3A_502, %mul3A_503 : i32
      %add3A_505 = arith.constant 8192 : i32
      %add3A_506 = arith.addi %add3A_505, %mul3A_504 : i32
      %get3A_507 = arith.index_cast %add3A_506 : i32 to index
      %get3A_508 = tpu.vector_load %arg6[%get3A_507] {strides = array<i32>} : memref<16384xi32, #tpu.memory_space<vmem>>, vector<16xi32>,
      %mul3A_509 = arith.constant 16 : i32
      %mul3A_510 = arith.muli %add3A_502, %mul3A_509 : i32
      %get3A_511 = arith.index_cast %mul3A_510 : i32 to index
      %get3A_512 = tpu.vector_load %arg8[%get3A_511] {strides = array<i32>} : memref<4096xf32, #tpu.memory_space<vmem>>, vector<16xf32>,
      tpu.vector_store_idx %arg7[%get3A_508], %get3A_512 {add = true} : memref<100000xf32, #tpu.memory_space<vmem>>[vector<16xi32>], vector<16xf32>,
      %mul3A_513 = arith.constant 8 : i32
      %mul3A_514 = arith.muli %scan3A_414, %mul3A_513 : i32
      %add3A_515 = arith.constant 7 : i32
      %add3A_516 = arith.addi %mul3A_514, %add3A_515 : i32
      %mul3A_517 = arith.constant 16 : i32
      %mul3A_518 = arith.muli %add3A_516, %mul3A_517 : i32
      %add3A_519 = arith.constant 8192 : i32
      %add3A_520 = arith.addi %add3A_519, %mul3A_518 : i32
      %get3A_521 = arith.index_cast %add3A_520 : i32 to index
      %get3A_522 = tpu.vector_load %arg6[%get3A_521] {strides = array<i32>} : memref<16384xi32, #tpu.memory_space<vmem>>, vector<16xi32>,
      %mul3A_523 = arith.constant 16 : i32
      %mul3A_524 = arith.muli %add3A_516, %mul3A_523 : i32
      %get3A_525 = arith.index_cast %mul3A_524 : i32 to index
      %get3A_526 = tpu.vector_load %arg8[%get3A_525] {strides = array<i32>} : memref<4096xf32, #tpu.memory_space<vmem>>, vector<16xf32>,
      tpu.vector_store_idx %arg7[%get3A_522], %get3A_526 {add = true} : memref<100000xf32, #tpu.memory_space<vmem>>[vector<16xi32>], vector<16xf32>,
      %scan3A_527 = arith.constant 0 : i32
      scf.yield %scan3A_527 : i32
    }
    %scan3A_189 = arith.constant 32 : i32
    %dma_wait3A_190 = arith.constant 1 : i32
    %dma_wait3A_191 = arith.constant 12288 : i32
    %dma_wait3A_192 = tpu.memref_slice %arg4[%add3A_105, %dma_wait3A_191] : memref<128x16384xf32, #tpu.memory_space<hbm>> -> memref<1x4096xf32, #tpu.memory_space<hbm>>
    %dma_wait3A_193 = tpu.memref_squeeze %dma_wait3A_192 : memref<1x4096xf32, #tpu.memory_space<hbm>> -> memref<4096xf32, #tpu.memory_space<hbm>>
    %dma_wait3A_194 = tpu.memref_slice %arg10[%dma_wait3A_190] : memref<2x!tpu.dma_semaphore, #tpu.memory_space<semaphore_mem>> -> memref<1x!tpu.dma_semaphore, #tpu.memory_space<semaphore_mem>>
    %dma_wait3A_195 = tpu.memref_squeeze %dma_wait3A_194 : memref<1x!tpu.dma_semaphore, #tpu.memory_space<semaphore_mem>> -> memref<!tpu.dma_semaphore, #tpu.memory_space<semaphore_mem>>
    %dma_wait3A_196 = arith.constant 12288 : i32
    %dma_wait3A_197 = tpu.memref_slice %arg4[%add3A_105, %dma_wait3A_196] : memref<128x16384xf32, #tpu.memory_space<hbm>> -> memref<1x4096xf32, #tpu.memory_space<hbm>>
    %dma_wait3A_198 = tpu.memref_squeeze %dma_wait3A_197 : memref<1x4096xf32, #tpu.memory_space<hbm>> -> memref<4096xf32, #tpu.memory_space<hbm>>
    tpu.wait_dma2 semaphore(%dma_wait3A_195 : memref<!tpu.dma_semaphore, #tpu.memory_space<semaphore_mem>>) src(%dma_wait3A_198 : memref<4096xf32, #tpu.memory_space<hbm>>) dst(%arg9 : memref<4096xf32, #tpu.memory_space<vmem>>)
    %scan3A_199 = arith.constant 0 : i32
    %scan3A_200 = arith.constant 0 : i32
    %scan3A_201 = arith.constant 32 : i32
    %scan3A_202 = arith.addi %scan3A_200, %scan3A_201 : i32
    %scan3A_203 = arith.constant 1 : i32
    %scan3A_204 = scf.for %scan3A_414 = %scan3A_200 to %scan3A_202 step %scan3A_203 iter_args(%scan3A_415 = %scan3A_199) -> (i32)  : i32 {
      %mul3A_416 = arith.constant 8 : i32
      %mul3A_417 = arith.muli %scan3A_414, %mul3A_416 : i32
      %add3A_418 = arith.constant 0 : i32
      %add3A_419 = arith.addi %mul3A_417, %add3A_418 : i32
      %mul3A_420 = arith.constant 16 : i32
      %mul3A_421 = arith.muli %add3A_419, %mul3A_420 : i32
      %add3A_422 = arith.constant 12288 : i32
      %add3A_423 = arith.addi %add3A_422, %mul3A_421 : i32
      %get3A = arith.index_cast %add3A_423 : i32 to index
      %get3A_424 = tpu.vector_load %arg6[%get3A] {strides = array<i32>} : memref<16384xi32, #tpu.memory_space<vmem>>, vector<16xi32>,
      %mul3A_425 = arith.constant 16 : i32
      %mul3A_426 = arith.muli %add3A_419, %mul3A_425 : i32
      %get3A_427 = arith.index_cast %mul3A_426 : i32 to index
      %get3A_428 = tpu.vector_load %arg9[%get3A_427] {strides = array<i32>} : memref<4096xf32, #tpu.memory_space<vmem>>, vector<16xf32>,
      tpu.vector_store_idx %arg7[%get3A_424], %get3A_428 {add = true} : memref<100000xf32, #tpu.memory_space<vmem>>[vector<16xi32>], vector<16xf32>,
      %mul3A_429 = arith.constant 8 : i32
      %mul3A_430 = arith.muli %scan3A_414, %mul3A_429 : i32
      %add3A_431 = arith.constant 1 : i32
      %add3A_432 = arith.addi %mul3A_430, %add3A_431 : i32
      %mul3A_433 = arith.constant 16 : i32
      %mul3A_434 = arith.muli %add3A_432, %mul3A_433 : i32
      %add3A_435 = arith.constant 12288 : i32
      %add3A_436 = arith.addi %add3A_435, %mul3A_434 : i32
      %get3A_437 = arith.index_cast %add3A_436 : i32 to index
      %get3A_438 = tpu.vector_load %arg6[%get3A_437] {strides = array<i32>} : memref<16384xi32, #tpu.memory_space<vmem>>, vector<16xi32>,
      %mul3A_439 = arith.constant 16 : i32
      %mul3A_440 = arith.muli %add3A_432, %mul3A_439 : i32
      %get3A_441 = arith.index_cast %mul3A_440 : i32 to index
      %get3A_442 = tpu.vector_load %arg9[%get3A_441] {strides = array<i32>} : memref<4096xf32, #tpu.memory_space<vmem>>, vector<16xf32>,
      tpu.vector_store_idx %arg7[%get3A_438], %get3A_442 {add = true} : memref<100000xf32, #tpu.memory_space<vmem>>[vector<16xi32>], vector<16xf32>,
      %mul3A_443 = arith.constant 8 : i32
      %mul3A_444 = arith.muli %scan3A_414, %mul3A_443 : i32
      %add3A_445 = arith.constant 2 : i32
      %add3A_446 = arith.addi %mul3A_444, %add3A_445 : i32
      %mul3A_447 = arith.constant 16 : i32
      %mul3A_448 = arith.muli %add3A_446, %mul3A_447 : i32
      %add3A_449 = arith.constant 12288 : i32
      %add3A_450 = arith.addi %add3A_449, %mul3A_448 : i32
      %get3A_451 = arith.index_cast %add3A_450 : i32 to index
      %get3A_452 = tpu.vector_load %arg6[%get3A_451] {strides = array<i32>} : memref<16384xi32, #tpu.memory_space<vmem>>, vector<16xi32>,
      %mul3A_453 = arith.constant 16 : i32
      %mul3A_454 = arith.muli %add3A_446, %mul3A_453 : i32
      %get3A_455 = arith.index_cast %mul3A_454 : i32 to index
      %get3A_456 = tpu.vector_load %arg9[%get3A_455] {strides = array<i32>} : memref<4096xf32, #tpu.memory_space<vmem>>, vector<16xf32>,
      tpu.vector_store_idx %arg7[%get3A_452], %get3A_456 {add = true} : memref<100000xf32, #tpu.memory_space<vmem>>[vector<16xi32>], vector<16xf32>,
      %mul3A_457 = arith.constant 8 : i32
      %mul3A_458 = arith.muli %scan3A_414, %mul3A_457 : i32
      %add3A_459 = arith.constant 3 : i32
      %add3A_460 = arith.addi %mul3A_458, %add3A_459 : i32
      %mul3A_461 = arith.constant 16 : i32
      %mul3A_462 = arith.muli %add3A_460, %mul3A_461 : i32
      %add3A_463 = arith.constant 12288 : i32
      %add3A_464 = arith.addi %add3A_463, %mul3A_462 : i32
      %get3A_465 = arith.index_cast %add3A_464 : i32 to index
      %get3A_466 = tpu.vector_load %arg6[%get3A_465] {strides = array<i32>} : memref<16384xi32, #tpu.memory_space<vmem>>, vector<16xi32>,
      %mul3A_467 = arith.constant 16 : i32
      %mul3A_468 = arith.muli %add3A_460, %mul3A_467 : i32
      %get3A_469 = arith.index_cast %mul3A_468 : i32 to index
      %get3A_470 = tpu.vector_load %arg9[%get3A_469] {strides = array<i32>} : memref<4096xf32, #tpu.memory_space<vmem>>, vector<16xf32>,
      tpu.vector_store_idx %arg7[%get3A_466], %get3A_470 {add = true} : memref<100000xf32, #tpu.memory_space<vmem>>[vector<16xi32>], vector<16xf32>,
      %mul3A_471 = arith.constant 8 : i32
      %mul3A_472 = arith.muli %scan3A_414, %mul3A_471 : i32
      %add3A_473 = arith.constant 4 : i32
      %add3A_474 = arith.addi %mul3A_472, %add3A_473 : i32
      %mul3A_475 = arith.constant 16 : i32
      %mul3A_476 = arith.muli %add3A_474, %mul3A_475 : i32
      %add3A_477 = arith.constant 12288 : i32
      %add3A_478 = arith.addi %add3A_477, %mul3A_476 : i32
      %get3A_479 = arith.index_cast %add3A_478 : i32 to index
      %get3A_480 = tpu.vector_load %arg6[%get3A_479] {strides = array<i32>} : memref<16384xi32, #tpu.memory_space<vmem>>, vector<16xi32>,
      %mul3A_481 = arith.constant 16 : i32
      %mul3A_482 = arith.muli %add3A_474, %mul3A_481 : i32
      %get3A_483 = arith.index_cast %mul3A_482 : i32 to index
      %get3A_484 = tpu.vector_load %arg9[%get3A_483] {strides = array<i32>} : memref<4096xf32, #tpu.memory_space<vmem>>, vector<16xf32>,
      tpu.vector_store_idx %arg7[%get3A_480], %get3A_484 {add = true} : memref<100000xf32, #tpu.memory_space<vmem>>[vector<16xi32>], vector<16xf32>,
      %mul3A_485 = arith.constant 8 : i32
      %mul3A_486 = arith.muli %scan3A_414, %mul3A_485 : i32
      %add3A_487 = arith.constant 5 : i32
      %add3A_488 = arith.addi %mul3A_486, %add3A_487 : i32
      %mul3A_489 = arith.constant 16 : i32
      %mul3A_490 = arith.muli %add3A_488, %mul3A_489 : i32
      %add3A_491 = arith.constant 12288 : i32
      %add3A_492 = arith.addi %add3A_491, %mul3A_490 : i32
      %get3A_493 = arith.index_cast %add3A_492 : i32 to index
      %get3A_494 = tpu.vector_load %arg6[%get3A_493] {strides = array<i32>} : memref<16384xi32, #tpu.memory_space<vmem>>, vector<16xi32>,
      %mul3A_495 = arith.constant 16 : i32
      %mul3A_496 = arith.muli %add3A_488, %mul3A_495 : i32
      %get3A_497 = arith.index_cast %mul3A_496 : i32 to index
      %get3A_498 = tpu.vector_load %arg9[%get3A_497] {strides = array<i32>} : memref<4096xf32, #tpu.memory_space<vmem>>, vector<16xf32>,
      tpu.vector_store_idx %arg7[%get3A_494], %get3A_498 {add = true} : memref<100000xf32, #tpu.memory_space<vmem>>[vector<16xi32>], vector<16xf32>,
      %mul3A_499 = arith.constant 8 : i32
      %mul3A_500 = arith.muli %scan3A_414, %mul3A_499 : i32
      %add3A_501 = arith.constant 6 : i32
      %add3A_502 = arith.addi %mul3A_500, %add3A_501 : i32
      %mul3A_503 = arith.constant 16 : i32
      %mul3A_504 = arith.muli %add3A_502, %mul3A_503 : i32
      %add3A_505 = arith.constant 12288 : i32
      %add3A_506 = arith.addi %add3A_505, %mul3A_504 : i32
      %get3A_507 = arith.index_cast %add3A_506 : i32 to index
      %get3A_508 = tpu.vector_load %arg6[%get3A_507] {strides = array<i32>} : memref<16384xi32, #tpu.memory_space<vmem>>, vector<16xi32>,
      %mul3A_509 = arith.constant 16 : i32
      %mul3A_510 = arith.muli %add3A_502, %mul3A_509 : i32
      %get3A_511 = arith.index_cast %mul3A_510 : i32 to index
      %get3A_512 = tpu.vector_load %arg9[%get3A_511] {strides = array<i32>} : memref<4096xf32, #tpu.memory_space<vmem>>, vector<16xf32>,
      tpu.vector_store_idx %arg7[%get3A_508], %get3A_512 {add = true} : memref<100000xf32, #tpu.memory_space<vmem>>[vector<16xi32>], vector<16xf32>,
      %mul3A_513 = arith.constant 8 : i32
      %mul3A_514 = arith.muli %scan3A_414, %mul3A_513 : i32
      %add3A_515 = arith.constant 7 : i32
      %add3A_516 = arith.addi %mul3A_514, %add3A_515 : i32
      %mul3A_517 = arith.constant 16 : i32
      %mul3A_518 = arith.muli %add3A_516, %mul3A_517 : i32
      %add3A_519 = arith.constant 12288 : i32
      %add3A_520 = arith.addi %add3A_519, %mul3A_518 : i32
      %get3A_521 = arith.index_cast %add3A_520 : i32 to index
      %get3A_522 = tpu.vector_load %arg6[%get3A_521] {strides = array<i32>} : memref<16384xi32, #tpu.memory_space<vmem>>, vector<16xi32>,
      %mul3A_523 = arith.constant 16 : i32
      %mul3A_524 = arith.muli %add3A_516, %mul3A_523 : i32
      %get3A_525 = arith.index_cast %mul3A_524 : i32 to index
      %get3A_526 = tpu.vector_load %arg9[%get3A_525] {strides = array<i32>} : memref<4096xf32, #tpu.memory_space<vmem>>, vector<16xf32>,
      tpu.vector_store_idx %arg7[%get3A_522], %get3A_526 {add = true} : memref<100000xf32, #tpu.memory_space<vmem>>[vector<16xi32>], vector<16xf32>,
      %scan3A_527 = arith.constant 0 : i32
      scf.yield %scan3A_527 : i32
    }
    %scan3A_205 = arith.constant 32 : i32
    "tpu.region"() ({
      %run_scoped3A = tpu.sem_alloc : memref<!tpu.dma_semaphore, #tpu.memory_space<semaphore_mem>>
      %dma_start3A_414 = arith.constant 0 : i32
      %dma_start3A_415 = tpu.memref_slice %arg5[%add3A_105, %dma_start3A_414] : memref<128x100000xf32, #tpu.memory_space<hbm>> -> memref<1x100000xf32, #tpu.memory_space<hbm>>
      %dma_start3A_416 = tpu.memref_squeeze %dma_start3A_415 : memref<1x100000xf32, #tpu.memory_space<hbm>> -> memref<100000xf32, #tpu.memory_space<hbm>>
      %dma_start3A_417 = arith.constant 0 : i32
      %dma_start3A_418 = tpu.memref_slice %arg5[%add3A_105, %dma_start3A_417] : memref<128x100000xf32, #tpu.memory_space<hbm>> -> memref<1x100000xf32, #tpu.memory_space<hbm>>
      %dma_start3A_419 = tpu.memref_squeeze %dma_start3A_418 : memref<1x100000xf32, #tpu.memory_space<hbm>> -> memref<100000xf32, #tpu.memory_space<hbm>>
      tpu.enqueue_dma source(%arg7 : memref<100000xf32, #tpu.memory_space<vmem>>) target(%dma_start3A_419 : memref<100000xf32, #tpu.memory_space<hbm>>) target_semaphore(%run_scoped3A : memref<!tpu.dma_semaphore, #tpu.memory_space<semaphore_mem>>)
      %dma_wait3A_420 = arith.constant 0 : i32
      %dma_wait3A_421 = tpu.memref_slice %arg5[%add3A_105, %dma_wait3A_420] : memref<128x100000xf32, #tpu.memory_space<hbm>> -> memref<1x100000xf32, #tpu.memory_space<hbm>>
      %dma_wait3A_422 = tpu.memref_squeeze %dma_wait3A_421 : memref<1x100000xf32, #tpu.memory_space<hbm>> -> memref<100000xf32, #tpu.memory_space<hbm>>
      %dma_wait3A_423 = arith.constant 0 : i32
      %dma_wait3A_424 = tpu.memref_slice %arg5[%add3A_105, %dma_wait3A_423] : memref<128x100000xf32, #tpu.memory_space<hbm>> -> memref<1x100000xf32, #tpu.memory_space<hbm>>
      %dma_wait3A_425 = tpu.memref_squeeze %dma_wait3A_424 : memref<1x100000xf32, #tpu.memory_space<hbm>> -> memref<100000xf32, #tpu.memory_space<hbm>>
      tpu.wait_dma2 semaphore(%run_scoped3A : memref<!tpu.dma_semaphore, #tpu.memory_space<semaphore_mem>>) src(%arg7 : memref<100000xf32, #tpu.memory_space<vmem>>) dst(%dma_wait3A_425 : memref<100000xf32, #tpu.memory_space<hbm>>)
      tpu.yield
    }) : () -> ()
    %mul3A_206 = arith.constant 4 : i32
    %mul3A_207 = arith.muli %add3A, %mul3A_206 : i32
    %add3A_208 = arith.constant 2 : i32
    %add3A_209 = arith.addi %mul3A_207, %add3A_208 : i32
    %dma_start3A_210 = arith.constant 0 : i32
    %dma_start3A_211 = arith.constant 0 : i32
    %dma_start3A_212 = tpu.memref_slice %arg4[%add3A_209, %dma_start3A_211] : memref<128x16384xf32, #tpu.memory_space<hbm>> -> memref<1x4096xf32, #tpu.memory_space<hbm>>
    %dma_start3A_213 = tpu.memref_squeeze %dma_start3A_212 : memref<1x4096xf32, #tpu.memory_space<hbm>> -> memref<4096xf32, #tpu.memory_space<hbm>>
    %dma_start3A_214 = tpu.memref_slice %arg10[%dma_start3A_210] : memref<2x!tpu.dma_semaphore, #tpu.memory_space<semaphore_mem>> -> memref<1x!tpu.dma_semaphore, #tpu.memory_space<semaphore_mem>>
    %dma_start3A_215 = tpu.memref_squeeze %dma_start3A_214 : memref<1x!tpu.dma_semaphore, #tpu.memory_space<semaphore_mem>> -> memref<!tpu.dma_semaphore, #tpu.memory_space<semaphore_mem>>
    %dma_start3A_216 = arith.constant 0 : i32
    %dma_start3A_217 = tpu.memref_slice %arg4[%add3A_209, %dma_start3A_216] : memref<128x16384xf32, #tpu.memory_space<hbm>> -> memref<1x4096xf32, #tpu.memory_space<hbm>>
    %dma_start3A_218 = tpu.memref_squeeze %dma_start3A_217 : memref<1x4096xf32, #tpu.memory_space<hbm>> -> memref<4096xf32, #tpu.memory_space<hbm>>
    tpu.enqueue_dma source(%dma_start3A_218 : memref<4096xf32, #tpu.memory_space<hbm>>) target(%arg8 : memref<4096xf32, #tpu.memory_space<vmem>>) target_semaphore(%dma_start3A_215 : memref<!tpu.dma_semaphore, #tpu.memory_space<semaphore_mem>>)
    "tpu.region"() ({
      %run_scoped3A = tpu.sem_alloc : memref<!tpu.dma_semaphore, #tpu.memory_space<semaphore_mem>>
      %dma_start3A_414 = arith.constant 0 : i32
      %dma_start3A_415 = tpu.memref_slice %arg2[%add3A_209, %dma_start3A_414] : memref<128x100000xf32, #tpu.memory_space<hbm>> -> memref<1x100000xf32, #tpu.memory_space<hbm>>
      %dma_start3A_416 = tpu.memref_squeeze %dma_start3A_415 : memref<1x100000xf32, #tpu.memory_space<hbm>> -> memref<100000xf32, #tpu.memory_space<hbm>>
      %dma_start3A_417 = arith.constant 0 : i32
      %dma_start3A_418 = tpu.memref_slice %arg2[%add3A_209, %dma_start3A_417] : memref<128x100000xf32, #tpu.memory_space<hbm>> -> memref<1x100000xf32, #tpu.memory_space<hbm>>
      %dma_start3A_419 = tpu.memref_squeeze %dma_start3A_418 : memref<1x100000xf32, #tpu.memory_space<hbm>> -> memref<100000xf32, #tpu.memory_space<hbm>>
      tpu.enqueue_dma source(%dma_start3A_419 : memref<100000xf32, #tpu.memory_space<hbm>>) target(%arg7 : memref<100000xf32, #tpu.memory_space<vmem>>) target_semaphore(%run_scoped3A : memref<!tpu.dma_semaphore, #tpu.memory_space<semaphore_mem>>)
      %dma_wait3A_420 = arith.constant 0 : i32
      %dma_wait3A_421 = tpu.memref_slice %arg2[%add3A_209, %dma_wait3A_420] : memref<128x100000xf32, #tpu.memory_space<hbm>> -> memref<1x100000xf32, #tpu.memory_space<hbm>>
      %dma_wait3A_422 = tpu.memref_squeeze %dma_wait3A_421 : memref<1x100000xf32, #tpu.memory_space<hbm>> -> memref<100000xf32, #tpu.memory_space<hbm>>
      %dma_wait3A_423 = arith.constant 0 : i32
      %dma_wait3A_424 = tpu.memref_slice %arg2[%add3A_209, %dma_wait3A_423] : memref<128x100000xf32, #tpu.memory_space<hbm>> -> memref<1x100000xf32, #tpu.memory_space<hbm>>
      %dma_wait3A_425 = tpu.memref_squeeze %dma_wait3A_424 : memref<1x100000xf32, #tpu.memory_space<hbm>> -> memref<100000xf32, #tpu.memory_space<hbm>>
      tpu.wait_dma2 semaphore(%run_scoped3A : memref<!tpu.dma_semaphore, #tpu.memory_space<semaphore_mem>>) src(%dma_wait3A_425 : memref<100000xf32, #tpu.memory_space<hbm>>) dst(%arg7 : memref<100000xf32, #tpu.memory_space<vmem>>)
      tpu.yield
    }) : () -> ()
    %dma_wait3A_219 = arith.constant 0 : i32
    %dma_wait3A_220 = arith.constant 0 : i32
    %dma_wait3A_221 = tpu.memref_slice %arg4[%add3A_209, %dma_wait3A_220] : memref<128x16384xf32, #tpu.memory_space<hbm>> -> memref<1x4096xf32, #tpu.memory_space<hbm>>
    %dma_wait3A_222 = tpu.memref_squeeze %dma_wait3A_221 : memref<1x4096xf32, #tpu.memory_space<hbm>> -> memref<4096xf32, #tpu.memory_space<hbm>>
    %dma_wait3A_223 = tpu.memref_slice %arg10[%dma_wait3A_219] : memref<2x!tpu.dma_semaphore, #tpu.memory_space<semaphore_mem>> -> memref<1x!tpu.dma_semaphore, #tpu.memory_space<semaphore_mem>>
    %dma_wait3A_224 = tpu.memref_squeeze %dma_wait3A_223 : memref<1x!tpu.dma_semaphore, #tpu.memory_space<semaphore_mem>> -> memref<!tpu.dma_semaphore, #tpu.memory_space<semaphore_mem>>
    %dma_wait3A_225 = arith.constant 0 : i32
    %dma_wait3A_226 = tpu.memref_slice %arg4[%add3A_209, %dma_wait3A_225] : memref<128x16384xf32, #tpu.memory_space<hbm>> -> memref<1x4096xf32, #tpu.memory_space<hbm>>
    %dma_wait3A_227 = tpu.memref_squeeze %dma_wait3A_226 : memref<1x4096xf32, #tpu.memory_space<hbm>> -> memref<4096xf32, #tpu.memory_space<hbm>>
    tpu.wait_dma2 semaphore(%dma_wait3A_224 : memref<!tpu.dma_semaphore, #tpu.memory_space<semaphore_mem>>) src(%dma_wait3A_227 : memref<4096xf32, #tpu.memory_space<hbm>>) dst(%arg8 : memref<4096xf32, #tpu.memory_space<vmem>>)
    %dma_start3A_228 = arith.constant 1 : i32
    %dma_start3A_229 = arith.constant 4096 : i32
    %dma_start3A_230 = tpu.memref_slice %arg4[%add3A_209, %dma_start3A_229] : memref<128x16384xf32, #tpu.memory_space<hbm>> -> memref<1x4096xf32, #tpu.memory_space<hbm>>
    %dma_start3A_231 = tpu.memref_squeeze %dma_start3A_230 : memref<1x4096xf32, #tpu.memory_space<hbm>> -> memref<4096xf32, #tpu.memory_space<hbm>>
    %dma_start3A_232 = tpu.memref_slice %arg10[%dma_start3A_228] : memref<2x!tpu.dma_semaphore, #tpu.memory_space<semaphore_mem>> -> memref<1x!tpu.dma_semaphore, #tpu.memory_space<semaphore_mem>>
    %dma_start3A_233 = tpu.memref_squeeze %dma_start3A_232 : memref<1x!tpu.dma_semaphore, #tpu.memory_space<semaphore_mem>> -> memref<!tpu.dma_semaphore, #tpu.memory_space<semaphore_mem>>
    %dma_start3A_234 = arith.constant 4096 : i32
    %dma_start3A_235 = tpu.memref_slice %arg4[%add3A_209, %dma_start3A_234] : memref<128x16384xf32, #tpu.memory_space<hbm>> -> memref<1x4096xf32, #tpu.memory_space<hbm>>
    %dma_start3A_236 = tpu.memref_squeeze %dma_start3A_235 : memref<1x4096xf32, #tpu.memory_space<hbm>> -> memref<4096xf32, #tpu.memory_space<hbm>>
    tpu.enqueue_dma source(%dma_start3A_236 : memref<4096xf32, #tpu.memory_space<hbm>>) target(%arg9 : memref<4096xf32, #tpu.memory_space<vmem>>) target_semaphore(%dma_start3A_233 : memref<!tpu.dma_semaphore, #tpu.memory_space<semaphore_mem>>)
    %scan3A_237 = arith.constant 0 : i32
    %scan3A_238 = arith.constant 0 : i32
    %scan3A_239 = arith.constant 32 : i32
    %scan3A_240 = arith.addi %scan3A_238, %scan3A_239 : i32
    %scan3A_241 = arith.constant 1 : i32
    %scan3A_242 = scf.for %scan3A_414 = %scan3A_238 to %scan3A_240 step %scan3A_241 iter_args(%scan3A_415 = %scan3A_237) -> (i32)  : i32 {
      %mul3A_416 = arith.constant 8 : i32
      %mul3A_417 = arith.muli %scan3A_414, %mul3A_416 : i32
      %add3A_418 = arith.constant 0 : i32
      %add3A_419 = arith.addi %mul3A_417, %add3A_418 : i32
      %mul3A_420 = arith.constant 16 : i32
      %mul3A_421 = arith.muli %add3A_419, %mul3A_420 : i32
      %add3A_422 = arith.constant 0 : i32
      %add3A_423 = arith.addi %add3A_422, %mul3A_421 : i32
      %get3A = arith.index_cast %add3A_423 : i32 to index
      %get3A_424 = tpu.vector_load %arg6[%get3A] {strides = array<i32>} : memref<16384xi32, #tpu.memory_space<vmem>>, vector<16xi32>,
      %mul3A_425 = arith.constant 16 : i32
      %mul3A_426 = arith.muli %add3A_419, %mul3A_425 : i32
      %get3A_427 = arith.index_cast %mul3A_426 : i32 to index
      %get3A_428 = tpu.vector_load %arg8[%get3A_427] {strides = array<i32>} : memref<4096xf32, #tpu.memory_space<vmem>>, vector<16xf32>,
      tpu.vector_store_idx %arg7[%get3A_424], %get3A_428 {add = true} : memref<100000xf32, #tpu.memory_space<vmem>>[vector<16xi32>], vector<16xf32>,
      %mul3A_429 = arith.constant 8 : i32
      %mul3A_430 = arith.muli %scan3A_414, %mul3A_429 : i32
      %add3A_431 = arith.constant 1 : i32
      %add3A_432 = arith.addi %mul3A_430, %add3A_431 : i32
      %mul3A_433 = arith.constant 16 : i32
      %mul3A_434 = arith.muli %add3A_432, %mul3A_433 : i32
      %add3A_435 = arith.constant 0 : i32
      %add3A_436 = arith.addi %add3A_435, %mul3A_434 : i32
      %get3A_437 = arith.index_cast %add3A_436 : i32 to index
      %get3A_438 = tpu.vector_load %arg6[%get3A_437] {strides = array<i32>} : memref<16384xi32, #tpu.memory_space<vmem>>, vector<16xi32>,
      %mul3A_439 = arith.constant 16 : i32
      %mul3A_440 = arith.muli %add3A_432, %mul3A_439 : i32
      %get3A_441 = arith.index_cast %mul3A_440 : i32 to index
      %get3A_442 = tpu.vector_load %arg8[%get3A_441] {strides = array<i32>} : memref<4096xf32, #tpu.memory_space<vmem>>, vector<16xf32>,
      tpu.vector_store_idx %arg7[%get3A_438], %get3A_442 {add = true} : memref<100000xf32, #tpu.memory_space<vmem>>[vector<16xi32>], vector<16xf32>,
      %mul3A_443 = arith.constant 8 : i32
      %mul3A_444 = arith.muli %scan3A_414, %mul3A_443 : i32
      %add3A_445 = arith.constant 2 : i32
      %add3A_446 = arith.addi %mul3A_444, %add3A_445 : i32
      %mul3A_447 = arith.constant 16 : i32
      %mul3A_448 = arith.muli %add3A_446, %mul3A_447 : i32
      %add3A_449 = arith.constant 0 : i32
      %add3A_450 = arith.addi %add3A_449, %mul3A_448 : i32
      %get3A_451 = arith.index_cast %add3A_450 : i32 to index
      %get3A_452 = tpu.vector_load %arg6[%get3A_451] {strides = array<i32>} : memref<16384xi32, #tpu.memory_space<vmem>>, vector<16xi32>,
      %mul3A_453 = arith.constant 16 : i32
      %mul3A_454 = arith.muli %add3A_446, %mul3A_453 : i32
      %get3A_455 = arith.index_cast %mul3A_454 : i32 to index
      %get3A_456 = tpu.vector_load %arg8[%get3A_455] {strides = array<i32>} : memref<4096xf32, #tpu.memory_space<vmem>>, vector<16xf32>,
      tpu.vector_store_idx %arg7[%get3A_452], %get3A_456 {add = true} : memref<100000xf32, #tpu.memory_space<vmem>>[vector<16xi32>], vector<16xf32>,
      %mul3A_457 = arith.constant 8 : i32
      %mul3A_458 = arith.muli %scan3A_414, %mul3A_457 : i32
      %add3A_459 = arith.constant 3 : i32
      %add3A_460 = arith.addi %mul3A_458, %add3A_459 : i32
      %mul3A_461 = arith.constant 16 : i32
      %mul3A_462 = arith.muli %add3A_460, %mul3A_461 : i32
      %add3A_463 = arith.constant 0 : i32
      %add3A_464 = arith.addi %add3A_463, %mul3A_462 : i32
      %get3A_465 = arith.index_cast %add3A_464 : i32 to index
      %get3A_466 = tpu.vector_load %arg6[%get3A_465] {strides = array<i32>} : memref<16384xi32, #tpu.memory_space<vmem>>, vector<16xi32>,
      %mul3A_467 = arith.constant 16 : i32
      %mul3A_468 = arith.muli %add3A_460, %mul3A_467 : i32
      %get3A_469 = arith.index_cast %mul3A_468 : i32 to index
      %get3A_470 = tpu.vector_load %arg8[%get3A_469] {strides = array<i32>} : memref<4096xf32, #tpu.memory_space<vmem>>, vector<16xf32>,
      tpu.vector_store_idx %arg7[%get3A_466], %get3A_470 {add = true} : memref<100000xf32, #tpu.memory_space<vmem>>[vector<16xi32>], vector<16xf32>,
      %mul3A_471 = arith.constant 8 : i32
      %mul3A_472 = arith.muli %scan3A_414, %mul3A_471 : i32
      %add3A_473 = arith.constant 4 : i32
      %add3A_474 = arith.addi %mul3A_472, %add3A_473 : i32
      %mul3A_475 = arith.constant 16 : i32
      %mul3A_476 = arith.muli %add3A_474, %mul3A_475 : i32
      %add3A_477 = arith.constant 0 : i32
      %add3A_478 = arith.addi %add3A_477, %mul3A_476 : i32
      %get3A_479 = arith.index_cast %add3A_478 : i32 to index
      %get3A_480 = tpu.vector_load %arg6[%get3A_479] {strides = array<i32>} : memref<16384xi32, #tpu.memory_space<vmem>>, vector<16xi32>,
      %mul3A_481 = arith.constant 16 : i32
      %mul3A_482 = arith.muli %add3A_474, %mul3A_481 : i32
      %get3A_483 = arith.index_cast %mul3A_482 : i32 to index
      %get3A_484 = tpu.vector_load %arg8[%get3A_483] {strides = array<i32>} : memref<4096xf32, #tpu.memory_space<vmem>>, vector<16xf32>,
      tpu.vector_store_idx %arg7[%get3A_480], %get3A_484 {add = true} : memref<100000xf32, #tpu.memory_space<vmem>>[vector<16xi32>], vector<16xf32>,
      %mul3A_485 = arith.constant 8 : i32
      %mul3A_486 = arith.muli %scan3A_414, %mul3A_485 : i32
      %add3A_487 = arith.constant 5 : i32
      %add3A_488 = arith.addi %mul3A_486, %add3A_487 : i32
      %mul3A_489 = arith.constant 16 : i32
      %mul3A_490 = arith.muli %add3A_488, %mul3A_489 : i32
      %add3A_491 = arith.constant 0 : i32
      %add3A_492 = arith.addi %add3A_491, %mul3A_490 : i32
      %get3A_493 = arith.index_cast %add3A_492 : i32 to index
      %get3A_494 = tpu.vector_load %arg6[%get3A_493] {strides = array<i32>} : memref<16384xi32, #tpu.memory_space<vmem>>, vector<16xi32>,
      %mul3A_495 = arith.constant 16 : i32
      %mul3A_496 = arith.muli %add3A_488, %mul3A_495 : i32
      %get3A_497 = arith.index_cast %mul3A_496 : i32 to index
      %get3A_498 = tpu.vector_load %arg8[%get3A_497] {strides = array<i32>} : memref<4096xf32, #tpu.memory_space<vmem>>, vector<16xf32>,
      tpu.vector_store_idx %arg7[%get3A_494], %get3A_498 {add = true} : memref<100000xf32, #tpu.memory_space<vmem>>[vector<16xi32>], vector<16xf32>,
      %mul3A_499 = arith.constant 8 : i32
      %mul3A_500 = arith.muli %scan3A_414, %mul3A_499 : i32
      %add3A_501 = arith.constant 6 : i32
      %add3A_502 = arith.addi %mul3A_500, %add3A_501 : i32
      %mul3A_503 = arith.constant 16 : i32
      %mul3A_504 = arith.muli %add3A_502, %mul3A_503 : i32
      %add3A_505 = arith.constant 0 : i32
      %add3A_506 = arith.addi %add3A_505, %mul3A_504 : i32
      %get3A_507 = arith.index_cast %add3A_506 : i32 to index
      %get3A_508 = tpu.vector_load %arg6[%get3A_507] {strides = array<i32>} : memref<16384xi32, #tpu.memory_space<vmem>>, vector<16xi32>,
      %mul3A_509 = arith.constant 16 : i32
      %mul3A_510 = arith.muli %add3A_502, %mul3A_509 : i32
      %get3A_511 = arith.index_cast %mul3A_510 : i32 to index
      %get3A_512 = tpu.vector_load %arg8[%get3A_511] {strides = array<i32>} : memref<4096xf32, #tpu.memory_space<vmem>>, vector<16xf32>,
      tpu.vector_store_idx %arg7[%get3A_508], %get3A_512 {add = true} : memref<100000xf32, #tpu.memory_space<vmem>>[vector<16xi32>], vector<16xf32>,
      %mul3A_513 = arith.constant 8 : i32
      %mul3A_514 = arith.muli %scan3A_414, %mul3A_513 : i32
      %add3A_515 = arith.constant 7 : i32
      %add3A_516 = arith.addi %mul3A_514, %add3A_515 : i32
      %mul3A_517 = arith.constant 16 : i32
      %mul3A_518 = arith.muli %add3A_516, %mul3A_517 : i32
      %add3A_519 = arith.constant 0 : i32
      %add3A_520 = arith.addi %add3A_519, %mul3A_518 : i32
      %get3A_521 = arith.index_cast %add3A_520 : i32 to index
      %get3A_522 = tpu.vector_load %arg6[%get3A_521] {strides = array<i32>} : memref<16384xi32, #tpu.memory_space<vmem>>, vector<16xi32>,
      %mul3A_523 = arith.constant 16 : i32
      %mul3A_524 = arith.muli %add3A_516, %mul3A_523 : i32
      %get3A_525 = arith.index_cast %mul3A_524 : i32 to index
      %get3A_526 = tpu.vector_load %arg8[%get3A_525] {strides = array<i32>} : memref<4096xf32, #tpu.memory_space<vmem>>, vector<16xf32>,
      tpu.vector_store_idx %arg7[%get3A_522], %get3A_526 {add = true} : memref<100000xf32, #tpu.memory_space<vmem>>[vector<16xi32>], vector<16xf32>,
      %scan3A_527 = arith.constant 0 : i32
      scf.yield %scan3A_527 : i32
    }
    %scan3A_243 = arith.constant 32 : i32
    %dma_wait3A_244 = arith.constant 1 : i32
    %dma_wait3A_245 = arith.constant 4096 : i32
    %dma_wait3A_246 = tpu.memref_slice %arg4[%add3A_209, %dma_wait3A_245] : memref<128x16384xf32, #tpu.memory_space<hbm>> -> memref<1x4096xf32, #tpu.memory_space<hbm>>
    %dma_wait3A_247 = tpu.memref_squeeze %dma_wait3A_246 : memref<1x4096xf32, #tpu.memory_space<hbm>> -> memref<4096xf32, #tpu.memory_space<hbm>>
    %dma_wait3A_248 = tpu.memref_slice %arg10[%dma_wait3A_244] : memref<2x!tpu.dma_semaphore, #tpu.memory_space<semaphore_mem>> -> memref<1x!tpu.dma_semaphore, #tpu.memory_space<semaphore_mem>>
    %dma_wait3A_249 = tpu.memref_squeeze %dma_wait3A_248 : memref<1x!tpu.dma_semaphore, #tpu.memory_space<semaphore_mem>> -> memref<!tpu.dma_semaphore, #tpu.memory_space<semaphore_mem>>
    %dma_wait3A_250 = arith.constant 4096 : i32
    %dma_wait3A_251 = tpu.memref_slice %arg4[%add3A_209, %dma_wait3A_250] : memref<128x16384xf32, #tpu.memory_space<hbm>> -> memref<1x4096xf32, #tpu.memory_space<hbm>>
    %dma_wait3A_252 = tpu.memref_squeeze %dma_wait3A_251 : memref<1x4096xf32, #tpu.memory_space<hbm>> -> memref<4096xf32, #tpu.memory_space<hbm>>
    tpu.wait_dma2 semaphore(%dma_wait3A_249 : memref<!tpu.dma_semaphore, #tpu.memory_space<semaphore_mem>>) src(%dma_wait3A_252 : memref<4096xf32, #tpu.memory_space<hbm>>) dst(%arg9 : memref<4096xf32, #tpu.memory_space<vmem>>)
    %dma_start3A_253 = arith.constant 0 : i32
    %dma_start3A_254 = arith.constant 8192 : i32
    %dma_start3A_255 = tpu.memref_slice %arg4[%add3A_209, %dma_start3A_254] : memref<128x16384xf32, #tpu.memory_space<hbm>> -> memref<1x4096xf32, #tpu.memory_space<hbm>>
    %dma_start3A_256 = tpu.memref_squeeze %dma_start3A_255 : memref<1x4096xf32, #tpu.memory_space<hbm>> -> memref<4096xf32, #tpu.memory_space<hbm>>
    %dma_start3A_257 = tpu.memref_slice %arg10[%dma_start3A_253] : memref<2x!tpu.dma_semaphore, #tpu.memory_space<semaphore_mem>> -> memref<1x!tpu.dma_semaphore, #tpu.memory_space<semaphore_mem>>
    %dma_start3A_258 = tpu.memref_squeeze %dma_start3A_257 : memref<1x!tpu.dma_semaphore, #tpu.memory_space<semaphore_mem>> -> memref<!tpu.dma_semaphore, #tpu.memory_space<semaphore_mem>>
    %dma_start3A_259 = arith.constant 8192 : i32
    %dma_start3A_260 = tpu.memref_slice %arg4[%add3A_209, %dma_start3A_259] : memref<128x16384xf32, #tpu.memory_space<hbm>> -> memref<1x4096xf32, #tpu.memory_space<hbm>>
    %dma_start3A_261 = tpu.memref_squeeze %dma_start3A_260 : memref<1x4096xf32, #tpu.memory_space<hbm>> -> memref<4096xf32, #tpu.memory_space<hbm>>
    tpu.enqueue_dma source(%dma_start3A_261 : memref<4096xf32, #tpu.memory_space<hbm>>) target(%arg8 : memref<4096xf32, #tpu.memory_space<vmem>>) target_semaphore(%dma_start3A_258 : memref<!tpu.dma_semaphore, #tpu.memory_space<semaphore_mem>>)
    %scan3A_262 = arith.constant 0 : i32
    %scan3A_263 = arith.constant 0 : i32
    %scan3A_264 = arith.constant 32 : i32
    %scan3A_265 = arith.addi %scan3A_263, %scan3A_264 : i32
    %scan3A_266 = arith.constant 1 : i32
    %scan3A_267 = scf.for %scan3A_414 = %scan3A_263 to %scan3A_265 step %scan3A_266 iter_args(%scan3A_415 = %scan3A_262) -> (i32)  : i32 {
      %mul3A_416 = arith.constant 8 : i32
      %mul3A_417 = arith.muli %scan3A_414, %mul3A_416 : i32
      %add3A_418 = arith.constant 0 : i32
      %add3A_419 = arith.addi %mul3A_417, %add3A_418 : i32
      %mul3A_420 = arith.constant 16 : i32
      %mul3A_421 = arith.muli %add3A_419, %mul3A_420 : i32
      %add3A_422 = arith.constant 4096 : i32
      %add3A_423 = arith.addi %add3A_422, %mul3A_421 : i32
      %get3A = arith.index_cast %add3A_423 : i32 to index
      %get3A_424 = tpu.vector_load %arg6[%get3A] {strides = array<i32>} : memref<16384xi32, #tpu.memory_space<vmem>>, vector<16xi32>,
      %mul3A_425 = arith.constant 16 : i32
      %mul3A_426 = arith.muli %add3A_419, %mul3A_425 : i32
      %get3A_427 = arith.index_cast %mul3A_426 : i32 to index
      %get3A_428 = tpu.vector_load %arg9[%get3A_427] {strides = array<i32>} : memref<4096xf32, #tpu.memory_space<vmem>>, vector<16xf32>,
      tpu.vector_store_idx %arg7[%get3A_424], %get3A_428 {add = true} : memref<100000xf32, #tpu.memory_space<vmem>>[vector<16xi32>], vector<16xf32>,
      %mul3A_429 = arith.constant 8 : i32
      %mul3A_430 = arith.muli %scan3A_414, %mul3A_429 : i32
      %add3A_431 = arith.constant 1 : i32
      %add3A_432 = arith.addi %mul3A_430, %add3A_431 : i32
      %mul3A_433 = arith.constant 16 : i32
      %mul3A_434 = arith.muli %add3A_432, %mul3A_433 : i32
      %add3A_435 = arith.constant 4096 : i32
      %add3A_436 = arith.addi %add3A_435, %mul3A_434 : i32
      %get3A_437 = arith.index_cast %add3A_436 : i32 to index
      %get3A_438 = tpu.vector_load %arg6[%get3A_437] {strides = array<i32>} : memref<16384xi32, #tpu.memory_space<vmem>>, vector<16xi32>,
      %mul3A_439 = arith.constant 16 : i32
      %mul3A_440 = arith.muli %add3A_432, %mul3A_439 : i32
      %get3A_441 = arith.index_cast %mul3A_440 : i32 to index
      %get3A_442 = tpu.vector_load %arg9[%get3A_441] {strides = array<i32>} : memref<4096xf32, #tpu.memory_space<vmem>>, vector<16xf32>,
      tpu.vector_store_idx %arg7[%get3A_438], %get3A_442 {add = true} : memref<100000xf32, #tpu.memory_space<vmem>>[vector<16xi32>], vector<16xf32>,
      %mul3A_443 = arith.constant 8 : i32
      %mul3A_444 = arith.muli %scan3A_414, %mul3A_443 : i32
      %add3A_445 = arith.constant 2 : i32
      %add3A_446 = arith.addi %mul3A_444, %add3A_445 : i32
      %mul3A_447 = arith.constant 16 : i32
      %mul3A_448 = arith.muli %add3A_446, %mul3A_447 : i32
      %add3A_449 = arith.constant 4096 : i32
      %add3A_450 = arith.addi %add3A_449, %mul3A_448 : i32
      %get3A_451 = arith.index_cast %add3A_450 : i32 to index
      %get3A_452 = tpu.vector_load %arg6[%get3A_451] {strides = array<i32>} : memref<16384xi32, #tpu.memory_space<vmem>>, vector<16xi32>,
      %mul3A_453 = arith.constant 16 : i32
      %mul3A_454 = arith.muli %add3A_446, %mul3A_453 : i32
      %get3A_455 = arith.index_cast %mul3A_454 : i32 to index
      %get3A_456 = tpu.vector_load %arg9[%get3A_455] {strides = array<i32>} : memref<4096xf32, #tpu.memory_space<vmem>>, vector<16xf32>,
      tpu.vector_store_idx %arg7[%get3A_452], %get3A_456 {add = true} : memref<100000xf32, #tpu.memory_space<vmem>>[vector<16xi32>], vector<16xf32>,
      %mul3A_457 = arith.constant 8 : i32
      %mul3A_458 = arith.muli %scan3A_414, %mul3A_457 : i32
      %add3A_459 = arith.constant 3 : i32
      %add3A_460 = arith.addi %mul3A_458, %add3A_459 : i32
      %mul3A_461 = arith.constant 16 : i32
      %mul3A_462 = arith.muli %add3A_460, %mul3A_461 : i32
      %add3A_463 = arith.constant 4096 : i32
      %add3A_464 = arith.addi %add3A_463, %mul3A_462 : i32
      %get3A_465 = arith.index_cast %add3A_464 : i32 to index
      %get3A_466 = tpu.vector_load %arg6[%get3A_465] {strides = array<i32>} : memref<16384xi32, #tpu.memory_space<vmem>>, vector<16xi32>,
      %mul3A_467 = arith.constant 16 : i32
      %mul3A_468 = arith.muli %add3A_460, %mul3A_467 : i32
      %get3A_469 = arith.index_cast %mul3A_468 : i32 to index
      %get3A_470 = tpu.vector_load %arg9[%get3A_469] {strides = array<i32>} : memref<4096xf32, #tpu.memory_space<vmem>>, vector<16xf32>,
      tpu.vector_store_idx %arg7[%get3A_466], %get3A_470 {add = true} : memref<100000xf32, #tpu.memory_space<vmem>>[vector<16xi32>], vector<16xf32>,
      %mul3A_471 = arith.constant 8 : i32
      %mul3A_472 = arith.muli %scan3A_414, %mul3A_471 : i32
      %add3A_473 = arith.constant 4 : i32
      %add3A_474 = arith.addi %mul3A_472, %add3A_473 : i32
      %mul3A_475 = arith.constant 16 : i32
      %mul3A_476 = arith.muli %add3A_474, %mul3A_475 : i32
      %add3A_477 = arith.constant 4096 : i32
      %add3A_478 = arith.addi %add3A_477, %mul3A_476 : i32
      %get3A_479 = arith.index_cast %add3A_478 : i32 to index
      %get3A_480 = tpu.vector_load %arg6[%get3A_479] {strides = array<i32>} : memref<16384xi32, #tpu.memory_space<vmem>>, vector<16xi32>,
      %mul3A_481 = arith.constant 16 : i32
      %mul3A_482 = arith.muli %add3A_474, %mul3A_481 : i32
      %get3A_483 = arith.index_cast %mul3A_482 : i32 to index
      %get3A_484 = tpu.vector_load %arg9[%get3A_483] {strides = array<i32>} : memref<4096xf32, #tpu.memory_space<vmem>>, vector<16xf32>,
      tpu.vector_store_idx %arg7[%get3A_480], %get3A_484 {add = true} : memref<100000xf32, #tpu.memory_space<vmem>>[vector<16xi32>], vector<16xf32>,
      %mul3A_485 = arith.constant 8 : i32
      %mul3A_486 = arith.muli %scan3A_414, %mul3A_485 : i32
      %add3A_487 = arith.constant 5 : i32
      %add3A_488 = arith.addi %mul3A_486, %add3A_487 : i32
      %mul3A_489 = arith.constant 16 : i32
      %mul3A_490 = arith.muli %add3A_488, %mul3A_489 : i32
      %add3A_491 = arith.constant 4096 : i32
      %add3A_492 = arith.addi %add3A_491, %mul3A_490 : i32
      %get3A_493 = arith.index_cast %add3A_492 : i32 to index
      %get3A_494 = tpu.vector_load %arg6[%get3A_493] {strides = array<i32>} : memref<16384xi32, #tpu.memory_space<vmem>>, vector<16xi32>,
      %mul3A_495 = arith.constant 16 : i32
      %mul3A_496 = arith.muli %add3A_488, %mul3A_495 : i32
      %get3A_497 = arith.index_cast %mul3A_496 : i32 to index
      %get3A_498 = tpu.vector_load %arg9[%get3A_497] {strides = array<i32>} : memref<4096xf32, #tpu.memory_space<vmem>>, vector<16xf32>,
      tpu.vector_store_idx %arg7[%get3A_494], %get3A_498 {add = true} : memref<100000xf32, #tpu.memory_space<vmem>>[vector<16xi32>], vector<16xf32>,
      %mul3A_499 = arith.constant 8 : i32
      %mul3A_500 = arith.muli %scan3A_414, %mul3A_499 : i32
      %add3A_501 = arith.constant 6 : i32
      %add3A_502 = arith.addi %mul3A_500, %add3A_501 : i32
      %mul3A_503 = arith.constant 16 : i32
      %mul3A_504 = arith.muli %add3A_502, %mul3A_503 : i32
      %add3A_505 = arith.constant 4096 : i32
      %add3A_506 = arith.addi %add3A_505, %mul3A_504 : i32
      %get3A_507 = arith.index_cast %add3A_506 : i32 to index
      %get3A_508 = tpu.vector_load %arg6[%get3A_507] {strides = array<i32>} : memref<16384xi32, #tpu.memory_space<vmem>>, vector<16xi32>,
      %mul3A_509 = arith.constant 16 : i32
      %mul3A_510 = arith.muli %add3A_502, %mul3A_509 : i32
      %get3A_511 = arith.index_cast %mul3A_510 : i32 to index
      %get3A_512 = tpu.vector_load %arg9[%get3A_511] {strides = array<i32>} : memref<4096xf32, #tpu.memory_space<vmem>>, vector<16xf32>,
      tpu.vector_store_idx %arg7[%get3A_508], %get3A_512 {add = true} : memref<100000xf32, #tpu.memory_space<vmem>>[vector<16xi32>], vector<16xf32>,
      %mul3A_513 = arith.constant 8 : i32
      %mul3A_514 = arith.muli %scan3A_414, %mul3A_513 : i32
      %add3A_515 = arith.constant 7 : i32
      %add3A_516 = arith.addi %mul3A_514, %add3A_515 : i32
      %mul3A_517 = arith.constant 16 : i32
      %mul3A_518 = arith.muli %add3A_516, %mul3A_517 : i32
      %add3A_519 = arith.constant 4096 : i32
      %add3A_520 = arith.addi %add3A_519, %mul3A_518 : i32
      %get3A_521 = arith.index_cast %add3A_520 : i32 to index
      %get3A_522 = tpu.vector_load %arg6[%get3A_521] {strides = array<i32>} : memref<16384xi32, #tpu.memory_space<vmem>>, vector<16xi32>,
      %mul3A_523 = arith.constant 16 : i32
      %mul3A_524 = arith.muli %add3A_516, %mul3A_523 : i32
      %get3A_525 = arith.index_cast %mul3A_524 : i32 to index
      %get3A_526 = tpu.vector_load %arg9[%get3A_525] {strides = array<i32>} : memref<4096xf32, #tpu.memory_space<vmem>>, vector<16xf32>,
      tpu.vector_store_idx %arg7[%get3A_522], %get3A_526 {add = true} : memref<100000xf32, #tpu.memory_space<vmem>>[vector<16xi32>], vector<16xf32>,
      %scan3A_527 = arith.constant 0 : i32
      scf.yield %scan3A_527 : i32
    }
    %scan3A_268 = arith.constant 32 : i32
    %dma_wait3A_269 = arith.constant 0 : i32
    %dma_wait3A_270 = arith.constant 8192 : i32
    %dma_wait3A_271 = tpu.memref_slice %arg4[%add3A_209, %dma_wait3A_270] : memref<128x16384xf32, #tpu.memory_space<hbm>> -> memref<1x4096xf32, #tpu.memory_space<hbm>>
    %dma_wait3A_272 = tpu.memref_squeeze %dma_wait3A_271 : memref<1x4096xf32, #tpu.memory_space<hbm>> -> memref<4096xf32, #tpu.memory_space<hbm>>
    %dma_wait3A_273 = tpu.memref_slice %arg10[%dma_wait3A_269] : memref<2x!tpu.dma_semaphore, #tpu.memory_space<semaphore_mem>> -> memref<1x!tpu.dma_semaphore, #tpu.memory_space<semaphore_mem>>
    %dma_wait3A_274 = tpu.memref_squeeze %dma_wait3A_273 : memref<1x!tpu.dma_semaphore, #tpu.memory_space<semaphore_mem>> -> memref<!tpu.dma_semaphore, #tpu.memory_space<semaphore_mem>>
    %dma_wait3A_275 = arith.constant 8192 : i32
    %dma_wait3A_276 = tpu.memref_slice %arg4[%add3A_209, %dma_wait3A_275] : memref<128x16384xf32, #tpu.memory_space<hbm>> -> memref<1x4096xf32, #tpu.memory_space<hbm>>
    %dma_wait3A_277 = tpu.memref_squeeze %dma_wait3A_276 : memref<1x4096xf32, #tpu.memory_space<hbm>> -> memref<4096xf32, #tpu.memory_space<hbm>>
    tpu.wait_dma2 semaphore(%dma_wait3A_274 : memref<!tpu.dma_semaphore, #tpu.memory_space<semaphore_mem>>) src(%dma_wait3A_277 : memref<4096xf32, #tpu.memory_space<hbm>>) dst(%arg8 : memref<4096xf32, #tpu.memory_space<vmem>>)
    %dma_start3A_278 = arith.constant 1 : i32
    %dma_start3A_279 = arith.constant 12288 : i32
    %dma_start3A_280 = tpu.memref_slice %arg4[%add3A_209, %dma_start3A_279] : memref<128x16384xf32, #tpu.memory_space<hbm>> -> memref<1x4096xf32, #tpu.memory_space<hbm>>
    %dma_start3A_281 = tpu.memref_squeeze %dma_start3A_280 : memref<1x4096xf32, #tpu.memory_space<hbm>> -> memref<4096xf32, #tpu.memory_space<hbm>>
    %dma_start3A_282 = tpu.memref_slice %arg10[%dma_start3A_278] : memref<2x!tpu.dma_semaphore, #tpu.memory_space<semaphore_mem>> -> memref<1x!tpu.dma_semaphore, #tpu.memory_space<semaphore_mem>>
    %dma_start3A_283 = tpu.memref_squeeze %dma_start3A_282 : memref<1x!tpu.dma_semaphore, #tpu.memory_space<semaphore_mem>> -> memref<!tpu.dma_semaphore, #tpu.memory_space<semaphore_mem>>
    %dma_start3A_284 = arith.constant 12288 : i32
    %dma_start3A_285 = tpu.memref_slice %arg4[%add3A_209, %dma_start3A_284] : memref<128x16384xf32, #tpu.memory_space<hbm>> -> memref<1x4096xf32, #tpu.memory_space<hbm>>
    %dma_start3A_286 = tpu.memref_squeeze %dma_start3A_285 : memref<1x4096xf32, #tpu.memory_space<hbm>> -> memref<4096xf32, #tpu.memory_space<hbm>>
    tpu.enqueue_dma source(%dma_start3A_286 : memref<4096xf32, #tpu.memory_space<hbm>>) target(%arg9 : memref<4096xf32, #tpu.memory_space<vmem>>) target_semaphore(%dma_start3A_283 : memref<!tpu.dma_semaphore, #tpu.memory_space<semaphore_mem>>)
    %scan3A_287 = arith.constant 0 : i32
    %scan3A_288 = arith.constant 0 : i32
    %scan3A_289 = arith.constant 32 : i32
    %scan3A_290 = arith.addi %scan3A_288, %scan3A_289 : i32
    %scan3A_291 = arith.constant 1 : i32
    %scan3A_292 = scf.for %scan3A_414 = %scan3A_288 to %scan3A_290 step %scan3A_291 iter_args(%scan3A_415 = %scan3A_287) -> (i32)  : i32 {
      %mul3A_416 = arith.constant 8 : i32
      %mul3A_417 = arith.muli %scan3A_414, %mul3A_416 : i32
      %add3A_418 = arith.constant 0 : i32
      %add3A_419 = arith.addi %mul3A_417, %add3A_418 : i32
      %mul3A_420 = arith.constant 16 : i32
      %mul3A_421 = arith.muli %add3A_419, %mul3A_420 : i32
      %add3A_422 = arith.constant 8192 : i32
      %add3A_423 = arith.addi %add3A_422, %mul3A_421 : i32
      %get3A = arith.index_cast %add3A_423 : i32 to index
      %get3A_424 = tpu.vector_load %arg6[%get3A] {strides = array<i32>} : memref<16384xi32, #tpu.memory_space<vmem>>, vector<16xi32>,
      %mul3A_425 = arith.constant 16 : i32
      %mul3A_426 = arith.muli %add3A_419, %mul3A_425 : i32
      %get3A_427 = arith.index_cast %mul3A_426 : i32 to index
      %get3A_428 = tpu.vector_load %arg8[%get3A_427] {strides = array<i32>} : memref<4096xf32, #tpu.memory_space<vmem>>, vector<16xf32>,
      tpu.vector_store_idx %arg7[%get3A_424], %get3A_428 {add = true} : memref<100000xf32, #tpu.memory_space<vmem>>[vector<16xi32>], vector<16xf32>,
      %mul3A_429 = arith.constant 8 : i32
      %mul3A_430 = arith.muli %scan3A_414, %mul3A_429 : i32
      %add3A_431 = arith.constant 1 : i32
      %add3A_432 = arith.addi %mul3A_430, %add3A_431 : i32
      %mul3A_433 = arith.constant 16 : i32
      %mul3A_434 = arith.muli %add3A_432, %mul3A_433 : i32
      %add3A_435 = arith.constant 8192 : i32
      %add3A_436 = arith.addi %add3A_435, %mul3A_434 : i32
      %get3A_437 = arith.index_cast %add3A_436 : i32 to index
      %get3A_438 = tpu.vector_load %arg6[%get3A_437] {strides = array<i32>} : memref<16384xi32, #tpu.memory_space<vmem>>, vector<16xi32>,
      %mul3A_439 = arith.constant 16 : i32
      %mul3A_440 = arith.muli %add3A_432, %mul3A_439 : i32
      %get3A_441 = arith.index_cast %mul3A_440 : i32 to index
      %get3A_442 = tpu.vector_load %arg8[%get3A_441] {strides = array<i32>} : memref<4096xf32, #tpu.memory_space<vmem>>, vector<16xf32>,
      tpu.vector_store_idx %arg7[%get3A_438], %get3A_442 {add = true} : memref<100000xf32, #tpu.memory_space<vmem>>[vector<16xi32>], vector<16xf32>,
      %mul3A_443 = arith.constant 8 : i32
      %mul3A_444 = arith.muli %scan3A_414, %mul3A_443 : i32
      %add3A_445 = arith.constant 2 : i32
      %add3A_446 = arith.addi %mul3A_444, %add3A_445 : i32
      %mul3A_447 = arith.constant 16 : i32
      %mul3A_448 = arith.muli %add3A_446, %mul3A_447 : i32
      %add3A_449 = arith.constant 8192 : i32
      %add3A_450 = arith.addi %add3A_449, %mul3A_448 : i32
      %get3A_451 = arith.index_cast %add3A_450 : i32 to index
      %get3A_452 = tpu.vector_load %arg6[%get3A_451] {strides = array<i32>} : memref<16384xi32, #tpu.memory_space<vmem>>, vector<16xi32>,
      %mul3A_453 = arith.constant 16 : i32
      %mul3A_454 = arith.muli %add3A_446, %mul3A_453 : i32
      %get3A_455 = arith.index_cast %mul3A_454 : i32 to index
      %get3A_456 = tpu.vector_load %arg8[%get3A_455] {strides = array<i32>} : memref<4096xf32, #tpu.memory_space<vmem>>, vector<16xf32>,
      tpu.vector_store_idx %arg7[%get3A_452], %get3A_456 {add = true} : memref<100000xf32, #tpu.memory_space<vmem>>[vector<16xi32>], vector<16xf32>,
      %mul3A_457 = arith.constant 8 : i32
      %mul3A_458 = arith.muli %scan3A_414, %mul3A_457 : i32
      %add3A_459 = arith.constant 3 : i32
      %add3A_460 = arith.addi %mul3A_458, %add3A_459 : i32
      %mul3A_461 = arith.constant 16 : i32
      %mul3A_462 = arith.muli %add3A_460, %mul3A_461 : i32
      %add3A_463 = arith.constant 8192 : i32
      %add3A_464 = arith.addi %add3A_463, %mul3A_462 : i32
      %get3A_465 = arith.index_cast %add3A_464 : i32 to index
      %get3A_466 = tpu.vector_load %arg6[%get3A_465] {strides = array<i32>} : memref<16384xi32, #tpu.memory_space<vmem>>, vector<16xi32>,
      %mul3A_467 = arith.constant 16 : i32
      %mul3A_468 = arith.muli %add3A_460, %mul3A_467 : i32
      %get3A_469 = arith.index_cast %mul3A_468 : i32 to index
      %get3A_470 = tpu.vector_load %arg8[%get3A_469] {strides = array<i32>} : memref<4096xf32, #tpu.memory_space<vmem>>, vector<16xf32>,
      tpu.vector_store_idx %arg7[%get3A_466], %get3A_470 {add = true} : memref<100000xf32, #tpu.memory_space<vmem>>[vector<16xi32>], vector<16xf32>,
      %mul3A_471 = arith.constant 8 : i32
      %mul3A_472 = arith.muli %scan3A_414, %mul3A_471 : i32
      %add3A_473 = arith.constant 4 : i32
      %add3A_474 = arith.addi %mul3A_472, %add3A_473 : i32
      %mul3A_475 = arith.constant 16 : i32
      %mul3A_476 = arith.muli %add3A_474, %mul3A_475 : i32
      %add3A_477 = arith.constant 8192 : i32
      %add3A_478 = arith.addi %add3A_477, %mul3A_476 : i32
      %get3A_479 = arith.index_cast %add3A_478 : i32 to index
      %get3A_480 = tpu.vector_load %arg6[%get3A_479] {strides = array<i32>} : memref<16384xi32, #tpu.memory_space<vmem>>, vector<16xi32>,
      %mul3A_481 = arith.constant 16 : i32
      %mul3A_482 = arith.muli %add3A_474, %mul3A_481 : i32
      %get3A_483 = arith.index_cast %mul3A_482 : i32 to index
      %get3A_484 = tpu.vector_load %arg8[%get3A_483] {strides = array<i32>} : memref<4096xf32, #tpu.memory_space<vmem>>, vector<16xf32>,
      tpu.vector_store_idx %arg7[%get3A_480], %get3A_484 {add = true} : memref<100000xf32, #tpu.memory_space<vmem>>[vector<16xi32>], vector<16xf32>,
      %mul3A_485 = arith.constant 8 : i32
      %mul3A_486 = arith.muli %scan3A_414, %mul3A_485 : i32
      %add3A_487 = arith.constant 5 : i32
      %add3A_488 = arith.addi %mul3A_486, %add3A_487 : i32
      %mul3A_489 = arith.constant 16 : i32
      %mul3A_490 = arith.muli %add3A_488, %mul3A_489 : i32
      %add3A_491 = arith.constant 8192 : i32
      %add3A_492 = arith.addi %add3A_491, %mul3A_490 : i32
      %get3A_493 = arith.index_cast %add3A_492 : i32 to index
      %get3A_494 = tpu.vector_load %arg6[%get3A_493] {strides = array<i32>} : memref<16384xi32, #tpu.memory_space<vmem>>, vector<16xi32>,
      %mul3A_495 = arith.constant 16 : i32
      %mul3A_496 = arith.muli %add3A_488, %mul3A_495 : i32
      %get3A_497 = arith.index_cast %mul3A_496 : i32 to index
      %get3A_498 = tpu.vector_load %arg8[%get3A_497] {strides = array<i32>} : memref<4096xf32, #tpu.memory_space<vmem>>, vector<16xf32>,
      tpu.vector_store_idx %arg7[%get3A_494], %get3A_498 {add = true} : memref<100000xf32, #tpu.memory_space<vmem>>[vector<16xi32>], vector<16xf32>,
      %mul3A_499 = arith.constant 8 : i32
      %mul3A_500 = arith.muli %scan3A_414, %mul3A_499 : i32
      %add3A_501 = arith.constant 6 : i32
      %add3A_502 = arith.addi %mul3A_500, %add3A_501 : i32
      %mul3A_503 = arith.constant 16 : i32
      %mul3A_504 = arith.muli %add3A_502, %mul3A_503 : i32
      %add3A_505 = arith.constant 8192 : i32
      %add3A_506 = arith.addi %add3A_505, %mul3A_504 : i32
      %get3A_507 = arith.index_cast %add3A_506 : i32 to index
      %get3A_508 = tpu.vector_load %arg6[%get3A_507] {strides = array<i32>} : memref<16384xi32, #tpu.memory_space<vmem>>, vector<16xi32>,
      %mul3A_509 = arith.constant 16 : i32
      %mul3A_510 = arith.muli %add3A_502, %mul3A_509 : i32
      %get3A_511 = arith.index_cast %mul3A_510 : i32 to index
      %get3A_512 = tpu.vector_load %arg8[%get3A_511] {strides = array<i32>} : memref<4096xf32, #tpu.memory_space<vmem>>, vector<16xf32>,
      tpu.vector_store_idx %arg7[%get3A_508], %get3A_512 {add = true} : memref<100000xf32, #tpu.memory_space<vmem>>[vector<16xi32>], vector<16xf32>,
      %mul3A_513 = arith.constant 8 : i32
      %mul3A_514 = arith.muli %scan3A_414, %mul3A_513 : i32
      %add3A_515 = arith.constant 7 : i32
      %add3A_516 = arith.addi %mul3A_514, %add3A_515 : i32
      %mul3A_517 = arith.constant 16 : i32
      %mul3A_518 = arith.muli %add3A_516, %mul3A_517 : i32
      %add3A_519 = arith.constant 8192 : i32
      %add3A_520 = arith.addi %add3A_519, %mul3A_518 : i32
      %get3A_521 = arith.index_cast %add3A_520 : i32 to index
      %get3A_522 = tpu.vector_load %arg6[%get3A_521] {strides = array<i32>} : memref<16384xi32, #tpu.memory_space<vmem>>, vector<16xi32>,
      %mul3A_523 = arith.constant 16 : i32
      %mul3A_524 = arith.muli %add3A_516, %mul3A_523 : i32
      %get3A_525 = arith.index_cast %mul3A_524 : i32 to index
      %get3A_526 = tpu.vector_load %arg8[%get3A_525] {strides = array<i32>} : memref<4096xf32, #tpu.memory_space<vmem>>, vector<16xf32>,
      tpu.vector_store_idx %arg7[%get3A_522], %get3A_526 {add = true} : memref<100000xf32, #tpu.memory_space<vmem>>[vector<16xi32>], vector<16xf32>,
      %scan3A_527 = arith.constant 0 : i32
      scf.yield %scan3A_527 : i32
    }
    %scan3A_293 = arith.constant 32 : i32
    %dma_wait3A_294 = arith.constant 1 : i32
    %dma_wait3A_295 = arith.constant 12288 : i32
    %dma_wait3A_296 = tpu.memref_slice %arg4[%add3A_209, %dma_wait3A_295] : memref<128x16384xf32, #tpu.memory_space<hbm>> -> memref<1x4096xf32, #tpu.memory_space<hbm>>
    %dma_wait3A_297 = tpu.memref_squeeze %dma_wait3A_296 : memref<1x4096xf32, #tpu.memory_space<hbm>> -> memref<4096xf32, #tpu.memory_space<hbm>>
    %dma_wait3A_298 = tpu.memref_slice %arg10[%dma_wait3A_294] : memref<2x!tpu.dma_semaphore, #tpu.memory_space<semaphore_mem>> -> memref<1x!tpu.dma_semaphore, #tpu.memory_space<semaphore_mem>>
    %dma_wait3A_299 = tpu.memref_squeeze %dma_wait3A_298 : memref<1x!tpu.dma_semaphore, #tpu.memory_space<semaphore_mem>> -> memref<!tpu.dma_semaphore, #tpu.memory_space<semaphore_mem>>
    %dma_wait3A_300 = arith.constant 12288 : i32
    %dma_wait3A_301 = tpu.memref_slice %arg4[%add3A_209, %dma_wait3A_300] : memref<128x16384xf32, #tpu.memory_space<hbm>> -> memref<1x4096xf32, #tpu.memory_space<hbm>>
    %dma_wait3A_302 = tpu.memref_squeeze %dma_wait3A_301 : memref<1x4096xf32, #tpu.memory_space<hbm>> -> memref<4096xf32, #tpu.memory_space<hbm>>
    tpu.wait_dma2 semaphore(%dma_wait3A_299 : memref<!tpu.dma_semaphore, #tpu.memory_space<semaphore_mem>>) src(%dma_wait3A_302 : memref<4096xf32, #tpu.memory_space<hbm>>) dst(%arg9 : memref<4096xf32, #tpu.memory_space<vmem>>)
    %scan3A_303 = arith.constant 0 : i32
    %scan3A_304 = arith.constant 0 : i32
    %scan3A_305 = arith.constant 32 : i32
    %scan3A_306 = arith.addi %scan3A_304, %scan3A_305 : i32
    %scan3A_307 = arith.constant 1 : i32
    %scan3A_308 = scf.for %scan3A_414 = %scan3A_304 to %scan3A_306 step %scan3A_307 iter_args(%scan3A_415 = %scan3A_303) -> (i32)  : i32 {
      %mul3A_416 = arith.constant 8 : i32
      %mul3A_417 = arith.muli %scan3A_414, %mul3A_416 : i32
      %add3A_418 = arith.constant 0 : i32
      %add3A_419 = arith.addi %mul3A_417, %add3A_418 : i32
      %mul3A_420 = arith.constant 16 : i32
      %mul3A_421 = arith.muli %add3A_419, %mul3A_420 : i32
      %add3A_422 = arith.constant 12288 : i32
      %add3A_423 = arith.addi %add3A_422, %mul3A_421 : i32
      %get3A = arith.index_cast %add3A_423 : i32 to index
      %get3A_424 = tpu.vector_load %arg6[%get3A] {strides = array<i32>} : memref<16384xi32, #tpu.memory_space<vmem>>, vector<16xi32>,
      %mul3A_425 = arith.constant 16 : i32
      %mul3A_426 = arith.muli %add3A_419, %mul3A_425 : i32
      %get3A_427 = arith.index_cast %mul3A_426 : i32 to index
      %get3A_428 = tpu.vector_load %arg9[%get3A_427] {strides = array<i32>} : memref<4096xf32, #tpu.memory_space<vmem>>, vector<16xf32>,
      tpu.vector_store_idx %arg7[%get3A_424], %get3A_428 {add = true} : memref<100000xf32, #tpu.memory_space<vmem>>[vector<16xi32>], vector<16xf32>,
      %mul3A_429 = arith.constant 8 : i32
      %mul3A_430 = arith.muli %scan3A_414, %mul3A_429 : i32
      %add3A_431 = arith.constant 1 : i32
      %add3A_432 = arith.addi %mul3A_430, %add3A_431 : i32
      %mul3A_433 = arith.constant 16 : i32
      %mul3A_434 = arith.muli %add3A_432, %mul3A_433 : i32
      %add3A_435 = arith.constant 12288 : i32
      %add3A_436 = arith.addi %add3A_435, %mul3A_434 : i32
      %get3A_437 = arith.index_cast %add3A_436 : i32 to index
      %get3A_438 = tpu.vector_load %arg6[%get3A_437] {strides = array<i32>} : memref<16384xi32, #tpu.memory_space<vmem>>, vector<16xi32>,
      %mul3A_439 = arith.constant 16 : i32
      %mul3A_440 = arith.muli %add3A_432, %mul3A_439 : i32
      %get3A_441 = arith.index_cast %mul3A_440 : i32 to index
      %get3A_442 = tpu.vector_load %arg9[%get3A_441] {strides = array<i32>} : memref<4096xf32, #tpu.memory_space<vmem>>, vector<16xf32>,
      tpu.vector_store_idx %arg7[%get3A_438], %get3A_442 {add = true} : memref<100000xf32, #tpu.memory_space<vmem>>[vector<16xi32>], vector<16xf32>,
      %mul3A_443 = arith.constant 8 : i32
      %mul3A_444 = arith.muli %scan3A_414, %mul3A_443 : i32
      %add3A_445 = arith.constant 2 : i32
      %add3A_446 = arith.addi %mul3A_444, %add3A_445 : i32
      %mul3A_447 = arith.constant 16 : i32
      %mul3A_448 = arith.muli %add3A_446, %mul3A_447 : i32
      %add3A_449 = arith.constant 12288 : i32
      %add3A_450 = arith.addi %add3A_449, %mul3A_448 : i32
      %get3A_451 = arith.index_cast %add3A_450 : i32 to index
      %get3A_452 = tpu.vector_load %arg6[%get3A_451] {strides = array<i32>} : memref<16384xi32, #tpu.memory_space<vmem>>, vector<16xi32>,
      %mul3A_453 = arith.constant 16 : i32
      %mul3A_454 = arith.muli %add3A_446, %mul3A_453 : i32
      %get3A_455 = arith.index_cast %mul3A_454 : i32 to index
      %get3A_456 = tpu.vector_load %arg9[%get3A_455] {strides = array<i32>} : memref<4096xf32, #tpu.memory_space<vmem>>, vector<16xf32>,
      tpu.vector_store_idx %arg7[%get3A_452], %get3A_456 {add = true} : memref<100000xf32, #tpu.memory_space<vmem>>[vector<16xi32>], vector<16xf32>,
      %mul3A_457 = arith.constant 8 : i32
      %mul3A_458 = arith.muli %scan3A_414, %mul3A_457 : i32
      %add3A_459 = arith.constant 3 : i32
      %add3A_460 = arith.addi %mul3A_458, %add3A_459 : i32
      %mul3A_461 = arith.constant 16 : i32
      %mul3A_462 = arith.muli %add3A_460, %mul3A_461 : i32
      %add3A_463 = arith.constant 12288 : i32
      %add3A_464 = arith.addi %add3A_463, %mul3A_462 : i32
      %get3A_465 = arith.index_cast %add3A_464 : i32 to index
      %get3A_466 = tpu.vector_load %arg6[%get3A_465] {strides = array<i32>} : memref<16384xi32, #tpu.memory_space<vmem>>, vector<16xi32>,
      %mul3A_467 = arith.constant 16 : i32
      %mul3A_468 = arith.muli %add3A_460, %mul3A_467 : i32
      %get3A_469 = arith.index_cast %mul3A_468 : i32 to index
      %get3A_470 = tpu.vector_load %arg9[%get3A_469] {strides = array<i32>} : memref<4096xf32, #tpu.memory_space<vmem>>, vector<16xf32>,
      tpu.vector_store_idx %arg7[%get3A_466], %get3A_470 {add = true} : memref<100000xf32, #tpu.memory_space<vmem>>[vector<16xi32>], vector<16xf32>,
      %mul3A_471 = arith.constant 8 : i32
      %mul3A_472 = arith.muli %scan3A_414, %mul3A_471 : i32
      %add3A_473 = arith.constant 4 : i32
      %add3A_474 = arith.addi %mul3A_472, %add3A_473 : i32
      %mul3A_475 = arith.constant 16 : i32
      %mul3A_476 = arith.muli %add3A_474, %mul3A_475 : i32
      %add3A_477 = arith.constant 12288 : i32
      %add3A_478 = arith.addi %add3A_477, %mul3A_476 : i32
      %get3A_479 = arith.index_cast %add3A_478 : i32 to index
      %get3A_480 = tpu.vector_load %arg6[%get3A_479] {strides = array<i32>} : memref<16384xi32, #tpu.memory_space<vmem>>, vector<16xi32>,
      %mul3A_481 = arith.constant 16 : i32
      %mul3A_482 = arith.muli %add3A_474, %mul3A_481 : i32
      %get3A_483 = arith.index_cast %mul3A_482 : i32 to index
      %get3A_484 = tpu.vector_load %arg9[%get3A_483] {strides = array<i32>} : memref<4096xf32, #tpu.memory_space<vmem>>, vector<16xf32>,
      tpu.vector_store_idx %arg7[%get3A_480], %get3A_484 {add = true} : memref<100000xf32, #tpu.memory_space<vmem>>[vector<16xi32>], vector<16xf32>,
      %mul3A_485 = arith.constant 8 : i32
      %mul3A_486 = arith.muli %scan3A_414, %mul3A_485 : i32
      %add3A_487 = arith.constant 5 : i32
      %add3A_488 = arith.addi %mul3A_486, %add3A_487 : i32
      %mul3A_489 = arith.constant 16 : i32
      %mul3A_490 = arith.muli %add3A_488, %mul3A_489 : i32
      %add3A_491 = arith.constant 12288 : i32
      %add3A_492 = arith.addi %add3A_491, %mul3A_490 : i32
      %get3A_493 = arith.index_cast %add3A_492 : i32 to index
      %get3A_494 = tpu.vector_load %arg6[%get3A_493] {strides = array<i32>} : memref<16384xi32, #tpu.memory_space<vmem>>, vector<16xi32>,
      %mul3A_495 = arith.constant 16 : i32
      %mul3A_496 = arith.muli %add3A_488, %mul3A_495 : i32
      %get3A_497 = arith.index_cast %mul3A_496 : i32 to index
      %get3A_498 = tpu.vector_load %arg9[%get3A_497] {strides = array<i32>} : memref<4096xf32, #tpu.memory_space<vmem>>, vector<16xf32>,
      tpu.vector_store_idx %arg7[%get3A_494], %get3A_498 {add = true} : memref<100000xf32, #tpu.memory_space<vmem>>[vector<16xi32>], vector<16xf32>,
      %mul3A_499 = arith.constant 8 : i32
      %mul3A_500 = arith.muli %scan3A_414, %mul3A_499 : i32
      %add3A_501 = arith.constant 6 : i32
      %add3A_502 = arith.addi %mul3A_500, %add3A_501 : i32
      %mul3A_503 = arith.constant 16 : i32
      %mul3A_504 = arith.muli %add3A_502, %mul3A_503 : i32
      %add3A_505 = arith.constant 12288 : i32
      %add3A_506 = arith.addi %add3A_505, %mul3A_504 : i32
      %get3A_507 = arith.index_cast %add3A_506 : i32 to index
      %get3A_508 = tpu.vector_load %arg6[%get3A_507] {strides = array<i32>} : memref<16384xi32, #tpu.memory_space<vmem>>, vector<16xi32>,
      %mul3A_509 = arith.constant 16 : i32
      %mul3A_510 = arith.muli %add3A_502, %mul3A_509 : i32
      %get3A_511 = arith.index_cast %mul3A_510 : i32 to index
      %get3A_512 = tpu.vector_load %arg9[%get3A_511] {strides = array<i32>} : memref<4096xf32, #tpu.memory_space<vmem>>, vector<16xf32>,
      tpu.vector_store_idx %arg7[%get3A_508], %get3A_512 {add = true} : memref<100000xf32, #tpu.memory_space<vmem>>[vector<16xi32>], vector<16xf32>,
      %mul3A_513 = arith.constant 8 : i32
      %mul3A_514 = arith.muli %scan3A_414, %mul3A_513 : i32
      %add3A_515 = arith.constant 7 : i32
      %add3A_516 = arith.addi %mul3A_514, %add3A_515 : i32
      %mul3A_517 = arith.constant 16 : i32
      %mul3A_518 = arith.muli %add3A_516, %mul3A_517 : i32
      %add3A_519 = arith.constant 12288 : i32
      %add3A_520 = arith.addi %add3A_519, %mul3A_518 : i32
      %get3A_521 = arith.index_cast %add3A_520 : i32 to index
      %get3A_522 = tpu.vector_load %arg6[%get3A_521] {strides = array<i32>} : memref<16384xi32, #tpu.memory_space<vmem>>, vector<16xi32>,
      %mul3A_523 = arith.constant 16 : i32
      %mul3A_524 = arith.muli %add3A_516, %mul3A_523 : i32
      %get3A_525 = arith.index_cast %mul3A_524 : i32 to index
      %get3A_526 = tpu.vector_load %arg9[%get3A_525] {strides = array<i32>} : memref<4096xf32, #tpu.memory_space<vmem>>, vector<16xf32>,
      tpu.vector_store_idx %arg7[%get3A_522], %get3A_526 {add = true} : memref<100000xf32, #tpu.memory_space<vmem>>[vector<16xi32>], vector<16xf32>,
      %scan3A_527 = arith.constant 0 : i32
      scf.yield %scan3A_527 : i32
    }
    %scan3A_309 = arith.constant 32 : i32
    "tpu.region"() ({
      %run_scoped3A = tpu.sem_alloc : memref<!tpu.dma_semaphore, #tpu.memory_space<semaphore_mem>>
      %dma_start3A_414 = arith.constant 0 : i32
      %dma_start3A_415 = tpu.memref_slice %arg5[%add3A_209, %dma_start3A_414] : memref<128x100000xf32, #tpu.memory_space<hbm>> -> memref<1x100000xf32, #tpu.memory_space<hbm>>
      %dma_start3A_416 = tpu.memref_squeeze %dma_start3A_415 : memref<1x100000xf32, #tpu.memory_space<hbm>> -> memref<100000xf32, #tpu.memory_space<hbm>>
      %dma_start3A_417 = arith.constant 0 : i32
      %dma_start3A_418 = tpu.memref_slice %arg5[%add3A_209, %dma_start3A_417] : memref<128x100000xf32, #tpu.memory_space<hbm>> -> memref<1x100000xf32, #tpu.memory_space<hbm>>
      %dma_start3A_419 = tpu.memref_squeeze %dma_start3A_418 : memref<1x100000xf32, #tpu.memory_space<hbm>> -> memref<100000xf32, #tpu.memory_space<hbm>>
      tpu.enqueue_dma source(%arg7 : memref<100000xf32, #tpu.memory_space<vmem>>) target(%dma_start3A_419 : memref<100000xf32, #tpu.memory_space<hbm>>) target_semaphore(%run_scoped3A : memref<!tpu.dma_semaphore, #tpu.memory_space<semaphore_mem>>)
      %dma_wait3A_420 = arith.constant 0 : i32
      %dma_wait3A_421 = tpu.memref_slice %arg5[%add3A_209, %dma_wait3A_420] : memref<128x100000xf32, #tpu.memory_space<hbm>> -> memref<1x100000xf32, #tpu.memory_space<hbm>>
      %dma_wait3A_422 = tpu.memref_squeeze %dma_wait3A_421 : memref<1x100000xf32, #tpu.memory_space<hbm>> -> memref<100000xf32, #tpu.memory_space<hbm>>
      %dma_wait3A_423 = arith.constant 0 : i32
      %dma_wait3A_424 = tpu.memref_slice %arg5[%add3A_209, %dma_wait3A_423] : memref<128x100000xf32, #tpu.memory_space<hbm>> -> memref<1x100000xf32, #tpu.memory_space<hbm>>
      %dma_wait3A_425 = tpu.memref_squeeze %dma_wait3A_424 : memref<1x100000xf32, #tpu.memory_space<hbm>> -> memref<100000xf32, #tpu.memory_space<hbm>>
      tpu.wait_dma2 semaphore(%run_scoped3A : memref<!tpu.dma_semaphore, #tpu.memory_space<semaphore_mem>>) src(%arg7 : memref<100000xf32, #tpu.memory_space<vmem>>) dst(%dma_wait3A_425 : memref<100000xf32, #tpu.memory_space<hbm>>)
      tpu.yield
    }) : () -> ()
    %mul3A_310 = arith.constant 4 : i32
    %mul3A_311 = arith.muli %add3A, %mul3A_310 : i32
    %add3A_312 = arith.constant 3 : i32
    %add3A_313 = arith.addi %mul3A_311, %add3A_312 : i32
    %dma_start3A_314 = arith.constant 0 : i32
    %dma_start3A_315 = arith.constant 0 : i32
    %dma_start3A_316 = tpu.memref_slice %arg4[%add3A_313, %dma_start3A_315] : memref<128x16384xf32, #tpu.memory_space<hbm>> -> memref<1x4096xf32, #tpu.memory_space<hbm>>
    %dma_start3A_317 = tpu.memref_squeeze %dma_start3A_316 : memref<1x4096xf32, #tpu.memory_space<hbm>> -> memref<4096xf32, #tpu.memory_space<hbm>>
    %dma_start3A_318 = tpu.memref_slice %arg10[%dma_start3A_314] : memref<2x!tpu.dma_semaphore, #tpu.memory_space<semaphore_mem>> -> memref<1x!tpu.dma_semaphore, #tpu.memory_space<semaphore_mem>>
    %dma_start3A_319 = tpu.memref_squeeze %dma_start3A_318 : memref<1x!tpu.dma_semaphore, #tpu.memory_space<semaphore_mem>> -> memref<!tpu.dma_semaphore, #tpu.memory_space<semaphore_mem>>
    %dma_start3A_320 = arith.constant 0 : i32
    %dma_start3A_321 = tpu.memref_slice %arg4[%add3A_313, %dma_start3A_320] : memref<128x16384xf32, #tpu.memory_space<hbm>> -> memref<1x4096xf32, #tpu.memory_space<hbm>>
    %dma_start3A_322 = tpu.memref_squeeze %dma_start3A_321 : memref<1x4096xf32, #tpu.memory_space<hbm>> -> memref<4096xf32, #tpu.memory_space<hbm>>
    tpu.enqueue_dma source(%dma_start3A_322 : memref<4096xf32, #tpu.memory_space<hbm>>) target(%arg8 : memref<4096xf32, #tpu.memory_space<vmem>>) target_semaphore(%dma_start3A_319 : memref<!tpu.dma_semaphore, #tpu.memory_space<semaphore_mem>>)
    "tpu.region"() ({
      %run_scoped3A = tpu.sem_alloc : memref<!tpu.dma_semaphore, #tpu.memory_space<semaphore_mem>>
      %dma_start3A_414 = arith.constant 0 : i32
      %dma_start3A_415 = tpu.memref_slice %arg2[%add3A_313, %dma_start3A_414] : memref<128x100000xf32, #tpu.memory_space<hbm>> -> memref<1x100000xf32, #tpu.memory_space<hbm>>
      %dma_start3A_416 = tpu.memref_squeeze %dma_start3A_415 : memref<1x100000xf32, #tpu.memory_space<hbm>> -> memref<100000xf32, #tpu.memory_space<hbm>>
      %dma_start3A_417 = arith.constant 0 : i32
      %dma_start3A_418 = tpu.memref_slice %arg2[%add3A_313, %dma_start3A_417] : memref<128x100000xf32, #tpu.memory_space<hbm>> -> memref<1x100000xf32, #tpu.memory_space<hbm>>
      %dma_start3A_419 = tpu.memref_squeeze %dma_start3A_418 : memref<1x100000xf32, #tpu.memory_space<hbm>> -> memref<100000xf32, #tpu.memory_space<hbm>>
      tpu.enqueue_dma source(%dma_start3A_419 : memref<100000xf32, #tpu.memory_space<hbm>>) target(%arg7 : memref<100000xf32, #tpu.memory_space<vmem>>) target_semaphore(%run_scoped3A : memref<!tpu.dma_semaphore, #tpu.memory_space<semaphore_mem>>)
      %dma_wait3A_420 = arith.constant 0 : i32
      %dma_wait3A_421 = tpu.memref_slice %arg2[%add3A_313, %dma_wait3A_420] : memref<128x100000xf32, #tpu.memory_space<hbm>> -> memref<1x100000xf32, #tpu.memory_space<hbm>>
      %dma_wait3A_422 = tpu.memref_squeeze %dma_wait3A_421 : memref<1x100000xf32, #tpu.memory_space<hbm>> -> memref<100000xf32, #tpu.memory_space<hbm>>
      %dma_wait3A_423 = arith.constant 0 : i32
      %dma_wait3A_424 = tpu.memref_slice %arg2[%add3A_313, %dma_wait3A_423] : memref<128x100000xf32, #tpu.memory_space<hbm>> -> memref<1x100000xf32, #tpu.memory_space<hbm>>
      %dma_wait3A_425 = tpu.memref_squeeze %dma_wait3A_424 : memref<1x100000xf32, #tpu.memory_space<hbm>> -> memref<100000xf32, #tpu.memory_space<hbm>>
      tpu.wait_dma2 semaphore(%run_scoped3A : memref<!tpu.dma_semaphore, #tpu.memory_space<semaphore_mem>>) src(%dma_wait3A_425 : memref<100000xf32, #tpu.memory_space<hbm>>) dst(%arg7 : memref<100000xf32, #tpu.memory_space<vmem>>)
      tpu.yield
    }) : () -> ()
    %dma_wait3A_323 = arith.constant 0 : i32
    %dma_wait3A_324 = arith.constant 0 : i32
    %dma_wait3A_325 = tpu.memref_slice %arg4[%add3A_313, %dma_wait3A_324] : memref<128x16384xf32, #tpu.memory_space<hbm>> -> memref<1x4096xf32, #tpu.memory_space<hbm>>
    %dma_wait3A_326 = tpu.memref_squeeze %dma_wait3A_325 : memref<1x4096xf32, #tpu.memory_space<hbm>> -> memref<4096xf32, #tpu.memory_space<hbm>>
    %dma_wait3A_327 = tpu.memref_slice %arg10[%dma_wait3A_323] : memref<2x!tpu.dma_semaphore, #tpu.memory_space<semaphore_mem>> -> memref<1x!tpu.dma_semaphore, #tpu.memory_space<semaphore_mem>>
    %dma_wait3A_328 = tpu.memref_squeeze %dma_wait3A_327 : memref<1x!tpu.dma_semaphore, #tpu.memory_space<semaphore_mem>> -> memref<!tpu.dma_semaphore, #tpu.memory_space<semaphore_mem>>
    %dma_wait3A_329 = arith.constant 0 : i32
    %dma_wait3A_330 = tpu.memref_slice %arg4[%add3A_313, %dma_wait3A_329] : memref<128x16384xf32, #tpu.memory_space<hbm>> -> memref<1x4096xf32, #tpu.memory_space<hbm>>
    %dma_wait3A_331 = tpu.memref_squeeze %dma_wait3A_330 : memref<1x4096xf32, #tpu.memory_space<hbm>> -> memref<4096xf32, #tpu.memory_space<hbm>>
    tpu.wait_dma2 semaphore(%dma_wait3A_328 : memref<!tpu.dma_semaphore, #tpu.memory_space<semaphore_mem>>) src(%dma_wait3A_331 : memref<4096xf32, #tpu.memory_space<hbm>>) dst(%arg8 : memref<4096xf32, #tpu.memory_space<vmem>>)
    %dma_start3A_332 = arith.constant 1 : i32
    %dma_start3A_333 = arith.constant 4096 : i32
    %dma_start3A_334 = tpu.memref_slice %arg4[%add3A_313, %dma_start3A_333] : memref<128x16384xf32, #tpu.memory_space<hbm>> -> memref<1x4096xf32, #tpu.memory_space<hbm>>
    %dma_start3A_335 = tpu.memref_squeeze %dma_start3A_334 : memref<1x4096xf32, #tpu.memory_space<hbm>> -> memref<4096xf32, #tpu.memory_space<hbm>>
    %dma_start3A_336 = tpu.memref_slice %arg10[%dma_start3A_332] : memref<2x!tpu.dma_semaphore, #tpu.memory_space<semaphore_mem>> -> memref<1x!tpu.dma_semaphore, #tpu.memory_space<semaphore_mem>>
    %dma_start3A_337 = tpu.memref_squeeze %dma_start3A_336 : memref<1x!tpu.dma_semaphore, #tpu.memory_space<semaphore_mem>> -> memref<!tpu.dma_semaphore, #tpu.memory_space<semaphore_mem>>
    %dma_start3A_338 = arith.constant 4096 : i32
    %dma_start3A_339 = tpu.memref_slice %arg4[%add3A_313, %dma_start3A_338] : memref<128x16384xf32, #tpu.memory_space<hbm>> -> memref<1x4096xf32, #tpu.memory_space<hbm>>
    %dma_start3A_340 = tpu.memref_squeeze %dma_start3A_339 : memref<1x4096xf32, #tpu.memory_space<hbm>> -> memref<4096xf32, #tpu.memory_space<hbm>>
    tpu.enqueue_dma source(%dma_start3A_340 : memref<4096xf32, #tpu.memory_space<hbm>>) target(%arg9 : memref<4096xf32, #tpu.memory_space<vmem>>) target_semaphore(%dma_start3A_337 : memref<!tpu.dma_semaphore, #tpu.memory_space<semaphore_mem>>)
    %scan3A_341 = arith.constant 0 : i32
    %scan3A_342 = arith.constant 0 : i32
    %scan3A_343 = arith.constant 32 : i32
    %scan3A_344 = arith.addi %scan3A_342, %scan3A_343 : i32
    %scan3A_345 = arith.constant 1 : i32
    %scan3A_346 = scf.for %scan3A_414 = %scan3A_342 to %scan3A_344 step %scan3A_345 iter_args(%scan3A_415 = %scan3A_341) -> (i32)  : i32 {
      %mul3A_416 = arith.constant 8 : i32
      %mul3A_417 = arith.muli %scan3A_414, %mul3A_416 : i32
      %add3A_418 = arith.constant 0 : i32
      %add3A_419 = arith.addi %mul3A_417, %add3A_418 : i32
      %mul3A_420 = arith.constant 16 : i32
      %mul3A_421 = arith.muli %add3A_419, %mul3A_420 : i32
      %add3A_422 = arith.constant 0 : i32
      %add3A_423 = arith.addi %add3A_422, %mul3A_421 : i32
      %get3A = arith.index_cast %add3A_423 : i32 to index
      %get3A_424 = tpu.vector_load %arg6[%get3A] {strides = array<i32>} : memref<16384xi32, #tpu.memory_space<vmem>>, vector<16xi32>,
      %mul3A_425 = arith.constant 16 : i32
      %mul3A_426 = arith.muli %add3A_419, %mul3A_425 : i32
      %get3A_427 = arith.index_cast %mul3A_426 : i32 to index
      %get3A_428 = tpu.vector_load %arg8[%get3A_427] {strides = array<i32>} : memref<4096xf32, #tpu.memory_space<vmem>>, vector<16xf32>,
      tpu.vector_store_idx %arg7[%get3A_424], %get3A_428 {add = true} : memref<100000xf32, #tpu.memory_space<vmem>>[vector<16xi32>], vector<16xf32>,
      %mul3A_429 = arith.constant 8 : i32
      %mul3A_430 = arith.muli %scan3A_414, %mul3A_429 : i32
      %add3A_431 = arith.constant 1 : i32
      %add3A_432 = arith.addi %mul3A_430, %add3A_431 : i32
      %mul3A_433 = arith.constant 16 : i32
      %mul3A_434 = arith.muli %add3A_432, %mul3A_433 : i32
      %add3A_435 = arith.constant 0 : i32
      %add3A_436 = arith.addi %add3A_435, %mul3A_434 : i32
      %get3A_437 = arith.index_cast %add3A_436 : i32 to index
      %get3A_438 = tpu.vector_load %arg6[%get3A_437] {strides = array<i32>} : memref<16384xi32, #tpu.memory_space<vmem>>, vector<16xi32>,
      %mul3A_439 = arith.constant 16 : i32
      %mul3A_440 = arith.muli %add3A_432, %mul3A_439 : i32
      %get3A_441 = arith.index_cast %mul3A_440 : i32 to index
      %get3A_442 = tpu.vector_load %arg8[%get3A_441] {strides = array<i32>} : memref<4096xf32, #tpu.memory_space<vmem>>, vector<16xf32>,
      tpu.vector_store_idx %arg7[%get3A_438], %get3A_442 {add = true} : memref<100000xf32, #tpu.memory_space<vmem>>[vector<16xi32>], vector<16xf32>,
      %mul3A_443 = arith.constant 8 : i32
      %mul3A_444 = arith.muli %scan3A_414, %mul3A_443 : i32
      %add3A_445 = arith.constant 2 : i32
      %add3A_446 = arith.addi %mul3A_444, %add3A_445 : i32
      %mul3A_447 = arith.constant 16 : i32
      %mul3A_448 = arith.muli %add3A_446, %mul3A_447 : i32
      %add3A_449 = arith.constant 0 : i32
      %add3A_450 = arith.addi %add3A_449, %mul3A_448 : i32
      %get3A_451 = arith.index_cast %add3A_450 : i32 to index
      %get3A_452 = tpu.vector_load %arg6[%get3A_451] {strides = array<i32>} : memref<16384xi32, #tpu.memory_space<vmem>>, vector<16xi32>,
      %mul3A_453 = arith.constant 16 : i32
      %mul3A_454 = arith.muli %add3A_446, %mul3A_453 : i32
      %get3A_455 = arith.index_cast %mul3A_454 : i32 to index
      %get3A_456 = tpu.vector_load %arg8[%get3A_455] {strides = array<i32>} : memref<4096xf32, #tpu.memory_space<vmem>>, vector<16xf32>,
      tpu.vector_store_idx %arg7[%get3A_452], %get3A_456 {add = true} : memref<100000xf32, #tpu.memory_space<vmem>>[vector<16xi32>], vector<16xf32>,
      %mul3A_457 = arith.constant 8 : i32
      %mul3A_458 = arith.muli %scan3A_414, %mul3A_457 : i32
      %add3A_459 = arith.constant 3 : i32
      %add3A_460 = arith.addi %mul3A_458, %add3A_459 : i32
      %mul3A_461 = arith.constant 16 : i32
      %mul3A_462 = arith.muli %add3A_460, %mul3A_461 : i32
      %add3A_463 = arith.constant 0 : i32
      %add3A_464 = arith.addi %add3A_463, %mul3A_462 : i32
      %get3A_465 = arith.index_cast %add3A_464 : i32 to index
      %get3A_466 = tpu.vector_load %arg6[%get3A_465] {strides = array<i32>} : memref<16384xi32, #tpu.memory_space<vmem>>, vector<16xi32>,
      %mul3A_467 = arith.constant 16 : i32
      %mul3A_468 = arith.muli %add3A_460, %mul3A_467 : i32
      %get3A_469 = arith.index_cast %mul3A_468 : i32 to index
      %get3A_470 = tpu.vector_load %arg8[%get3A_469] {strides = array<i32>} : memref<4096xf32, #tpu.memory_space<vmem>>, vector<16xf32>,
      tpu.vector_store_idx %arg7[%get3A_466], %get3A_470 {add = true} : memref<100000xf32, #tpu.memory_space<vmem>>[vector<16xi32>], vector<16xf32>,
      %mul3A_471 = arith.constant 8 : i32
      %mul3A_472 = arith.muli %scan3A_414, %mul3A_471 : i32
      %add3A_473 = arith.constant 4 : i32
      %add3A_474 = arith.addi %mul3A_472, %add3A_473 : i32
      %mul3A_475 = arith.constant 16 : i32
      %mul3A_476 = arith.muli %add3A_474, %mul3A_475 : i32
      %add3A_477 = arith.constant 0 : i32
      %add3A_478 = arith.addi %add3A_477, %mul3A_476 : i32
      %get3A_479 = arith.index_cast %add3A_478 : i32 to index
      %get3A_480 = tpu.vector_load %arg6[%get3A_479] {strides = array<i32>} : memref<16384xi32, #tpu.memory_space<vmem>>, vector<16xi32>,
      %mul3A_481 = arith.constant 16 : i32
      %mul3A_482 = arith.muli %add3A_474, %mul3A_481 : i32
      %get3A_483 = arith.index_cast %mul3A_482 : i32 to index
      %get3A_484 = tpu.vector_load %arg8[%get3A_483] {strides = array<i32>} : memref<4096xf32, #tpu.memory_space<vmem>>, vector<16xf32>,
      tpu.vector_store_idx %arg7[%get3A_480], %get3A_484 {add = true} : memref<100000xf32, #tpu.memory_space<vmem>>[vector<16xi32>], vector<16xf32>,
      %mul3A_485 = arith.constant 8 : i32
      %mul3A_486 = arith.muli %scan3A_414, %mul3A_485 : i32
      %add3A_487 = arith.constant 5 : i32
      %add3A_488 = arith.addi %mul3A_486, %add3A_487 : i32
      %mul3A_489 = arith.constant 16 : i32
      %mul3A_490 = arith.muli %add3A_488, %mul3A_489 : i32
      %add3A_491 = arith.constant 0 : i32
      %add3A_492 = arith.addi %add3A_491, %mul3A_490 : i32
      %get3A_493 = arith.index_cast %add3A_492 : i32 to index
      %get3A_494 = tpu.vector_load %arg6[%get3A_493] {strides = array<i32>} : memref<16384xi32, #tpu.memory_space<vmem>>, vector<16xi32>,
      %mul3A_495 = arith.constant 16 : i32
      %mul3A_496 = arith.muli %add3A_488, %mul3A_495 : i32
      %get3A_497 = arith.index_cast %mul3A_496 : i32 to index
      %get3A_498 = tpu.vector_load %arg8[%get3A_497] {strides = array<i32>} : memref<4096xf32, #tpu.memory_space<vmem>>, vector<16xf32>,
      tpu.vector_store_idx %arg7[%get3A_494], %get3A_498 {add = true} : memref<100000xf32, #tpu.memory_space<vmem>>[vector<16xi32>], vector<16xf32>,
      %mul3A_499 = arith.constant 8 : i32
      %mul3A_500 = arith.muli %scan3A_414, %mul3A_499 : i32
      %add3A_501 = arith.constant 6 : i32
      %add3A_502 = arith.addi %mul3A_500, %add3A_501 : i32
      %mul3A_503 = arith.constant 16 : i32
      %mul3A_504 = arith.muli %add3A_502, %mul3A_503 : i32
      %add3A_505 = arith.constant 0 : i32
      %add3A_506 = arith.addi %add3A_505, %mul3A_504 : i32
      %get3A_507 = arith.index_cast %add3A_506 : i32 to index
      %get3A_508 = tpu.vector_load %arg6[%get3A_507] {strides = array<i32>} : memref<16384xi32, #tpu.memory_space<vmem>>, vector<16xi32>,
      %mul3A_509 = arith.constant 16 : i32
      %mul3A_510 = arith.muli %add3A_502, %mul3A_509 : i32
      %get3A_511 = arith.index_cast %mul3A_510 : i32 to index
      %get3A_512 = tpu.vector_load %arg8[%get3A_511] {strides = array<i32>} : memref<4096xf32, #tpu.memory_space<vmem>>, vector<16xf32>,
      tpu.vector_store_idx %arg7[%get3A_508], %get3A_512 {add = true} : memref<100000xf32, #tpu.memory_space<vmem>>[vector<16xi32>], vector<16xf32>,
      %mul3A_513 = arith.constant 8 : i32
      %mul3A_514 = arith.muli %scan3A_414, %mul3A_513 : i32
      %add3A_515 = arith.constant 7 : i32
      %add3A_516 = arith.addi %mul3A_514, %add3A_515 : i32
      %mul3A_517 = arith.constant 16 : i32
      %mul3A_518 = arith.muli %add3A_516, %mul3A_517 : i32
      %add3A_519 = arith.constant 0 : i32
      %add3A_520 = arith.addi %add3A_519, %mul3A_518 : i32
      %get3A_521 = arith.index_cast %add3A_520 : i32 to index
      %get3A_522 = tpu.vector_load %arg6[%get3A_521] {strides = array<i32>} : memref<16384xi32, #tpu.memory_space<vmem>>, vector<16xi32>,
      %mul3A_523 = arith.constant 16 : i32
      %mul3A_524 = arith.muli %add3A_516, %mul3A_523 : i32
      %get3A_525 = arith.index_cast %mul3A_524 : i32 to index
      %get3A_526 = tpu.vector_load %arg8[%get3A_525] {strides = array<i32>} : memref<4096xf32, #tpu.memory_space<vmem>>, vector<16xf32>,
      tpu.vector_store_idx %arg7[%get3A_522], %get3A_526 {add = true} : memref<100000xf32, #tpu.memory_space<vmem>>[vector<16xi32>], vector<16xf32>,
      %scan3A_527 = arith.constant 0 : i32
      scf.yield %scan3A_527 : i32
    }
    %scan3A_347 = arith.constant 32 : i32
    %dma_wait3A_348 = arith.constant 1 : i32
    %dma_wait3A_349 = arith.constant 4096 : i32
    %dma_wait3A_350 = tpu.memref_slice %arg4[%add3A_313, %dma_wait3A_349] : memref<128x16384xf32, #tpu.memory_space<hbm>> -> memref<1x4096xf32, #tpu.memory_space<hbm>>
    %dma_wait3A_351 = tpu.memref_squeeze %dma_wait3A_350 : memref<1x4096xf32, #tpu.memory_space<hbm>> -> memref<4096xf32, #tpu.memory_space<hbm>>
    %dma_wait3A_352 = tpu.memref_slice %arg10[%dma_wait3A_348] : memref<2x!tpu.dma_semaphore, #tpu.memory_space<semaphore_mem>> -> memref<1x!tpu.dma_semaphore, #tpu.memory_space<semaphore_mem>>
    %dma_wait3A_353 = tpu.memref_squeeze %dma_wait3A_352 : memref<1x!tpu.dma_semaphore, #tpu.memory_space<semaphore_mem>> -> memref<!tpu.dma_semaphore, #tpu.memory_space<semaphore_mem>>
    %dma_wait3A_354 = arith.constant 4096 : i32
    %dma_wait3A_355 = tpu.memref_slice %arg4[%add3A_313, %dma_wait3A_354] : memref<128x16384xf32, #tpu.memory_space<hbm>> -> memref<1x4096xf32, #tpu.memory_space<hbm>>
    %dma_wait3A_356 = tpu.memref_squeeze %dma_wait3A_355 : memref<1x4096xf32, #tpu.memory_space<hbm>> -> memref<4096xf32, #tpu.memory_space<hbm>>
    tpu.wait_dma2 semaphore(%dma_wait3A_353 : memref<!tpu.dma_semaphore, #tpu.memory_space<semaphore_mem>>) src(%dma_wait3A_356 : memref<4096xf32, #tpu.memory_space<hbm>>) dst(%arg9 : memref<4096xf32, #tpu.memory_space<vmem>>)
    %dma_start3A_357 = arith.constant 0 : i32
    %dma_start3A_358 = arith.constant 8192 : i32
    %dma_start3A_359 = tpu.memref_slice %arg4[%add3A_313, %dma_start3A_358] : memref<128x16384xf32, #tpu.memory_space<hbm>> -> memref<1x4096xf32, #tpu.memory_space<hbm>>
    %dma_start3A_360 = tpu.memref_squeeze %dma_start3A_359 : memref<1x4096xf32, #tpu.memory_space<hbm>> -> memref<4096xf32, #tpu.memory_space<hbm>>
    %dma_start3A_361 = tpu.memref_slice %arg10[%dma_start3A_357] : memref<2x!tpu.dma_semaphore, #tpu.memory_space<semaphore_mem>> -> memref<1x!tpu.dma_semaphore, #tpu.memory_space<semaphore_mem>>
    %dma_start3A_362 = tpu.memref_squeeze %dma_start3A_361 : memref<1x!tpu.dma_semaphore, #tpu.memory_space<semaphore_mem>> -> memref<!tpu.dma_semaphore, #tpu.memory_space<semaphore_mem>>
    %dma_start3A_363 = arith.constant 8192 : i32
    %dma_start3A_364 = tpu.memref_slice %arg4[%add3A_313, %dma_start3A_363] : memref<128x16384xf32, #tpu.memory_space<hbm>> -> memref<1x4096xf32, #tpu.memory_space<hbm>>
    %dma_start3A_365 = tpu.memref_squeeze %dma_start3A_364 : memref<1x4096xf32, #tpu.memory_space<hbm>> -> memref<4096xf32, #tpu.memory_space<hbm>>
    tpu.enqueue_dma source(%dma_start3A_365 : memref<4096xf32, #tpu.memory_space<hbm>>) target(%arg8 : memref<4096xf32, #tpu.memory_space<vmem>>) target_semaphore(%dma_start3A_362 : memref<!tpu.dma_semaphore, #tpu.memory_space<semaphore_mem>>)
    %scan3A_366 = arith.constant 0 : i32
    %scan3A_367 = arith.constant 0 : i32
    %scan3A_368 = arith.constant 32 : i32
    %scan3A_369 = arith.addi %scan3A_367, %scan3A_368 : i32
    %scan3A_370 = arith.constant 1 : i32
    %scan3A_371 = scf.for %scan3A_414 = %scan3A_367 to %scan3A_369 step %scan3A_370 iter_args(%scan3A_415 = %scan3A_366) -> (i32)  : i32 {
      %mul3A_416 = arith.constant 8 : i32
      %mul3A_417 = arith.muli %scan3A_414, %mul3A_416 : i32
      %add3A_418 = arith.constant 0 : i32
      %add3A_419 = arith.addi %mul3A_417, %add3A_418 : i32
      %mul3A_420 = arith.constant 16 : i32
      %mul3A_421 = arith.muli %add3A_419, %mul3A_420 : i32
      %add3A_422 = arith.constant 4096 : i32
      %add3A_423 = arith.addi %add3A_422, %mul3A_421 : i32
      %get3A = arith.index_cast %add3A_423 : i32 to index
      %get3A_424 = tpu.vector_load %arg6[%get3A] {strides = array<i32>} : memref<16384xi32, #tpu.memory_space<vmem>>, vector<16xi32>,
      %mul3A_425 = arith.constant 16 : i32
      %mul3A_426 = arith.muli %add3A_419, %mul3A_425 : i32
      %get3A_427 = arith.index_cast %mul3A_426 : i32 to index
      %get3A_428 = tpu.vector_load %arg9[%get3A_427] {strides = array<i32>} : memref<4096xf32, #tpu.memory_space<vmem>>, vector<16xf32>,
      tpu.vector_store_idx %arg7[%get3A_424], %get3A_428 {add = true} : memref<100000xf32, #tpu.memory_space<vmem>>[vector<16xi32>], vector<16xf32>,
      %mul3A_429 = arith.constant 8 : i32
      %mul3A_430 = arith.muli %scan3A_414, %mul3A_429 : i32
      %add3A_431 = arith.constant 1 : i32
      %add3A_432 = arith.addi %mul3A_430, %add3A_431 : i32
      %mul3A_433 = arith.constant 16 : i32
      %mul3A_434 = arith.muli %add3A_432, %mul3A_433 : i32
      %add3A_435 = arith.constant 4096 : i32
      %add3A_436 = arith.addi %add3A_435, %mul3A_434 : i32
      %get3A_437 = arith.index_cast %add3A_436 : i32 to index
      %get3A_438 = tpu.vector_load %arg6[%get3A_437] {strides = array<i32>} : memref<16384xi32, #tpu.memory_space<vmem>>, vector<16xi32>,
      %mul3A_439 = arith.constant 16 : i32
      %mul3A_440 = arith.muli %add3A_432, %mul3A_439 : i32
      %get3A_441 = arith.index_cast %mul3A_440 : i32 to index
      %get3A_442 = tpu.vector_load %arg9[%get3A_441] {strides = array<i32>} : memref<4096xf32, #tpu.memory_space<vmem>>, vector<16xf32>,
      tpu.vector_store_idx %arg7[%get3A_438], %get3A_442 {add = true} : memref<100000xf32, #tpu.memory_space<vmem>>[vector<16xi32>], vector<16xf32>,
      %mul3A_443 = arith.constant 8 : i32
      %mul3A_444 = arith.muli %scan3A_414, %mul3A_443 : i32
      %add3A_445 = arith.constant 2 : i32
      %add3A_446 = arith.addi %mul3A_444, %add3A_445 : i32
      %mul3A_447 = arith.constant 16 : i32
      %mul3A_448 = arith.muli %add3A_446, %mul3A_447 : i32
      %add3A_449 = arith.constant 4096 : i32
      %add3A_450 = arith.addi %add3A_449, %mul3A_448 : i32
      %get3A_451 = arith.index_cast %add3A_450 : i32 to index
      %get3A_452 = tpu.vector_load %arg6[%get3A_451] {strides = array<i32>} : memref<16384xi32, #tpu.memory_space<vmem>>, vector<16xi32>,
      %mul3A_453 = arith.constant 16 : i32
      %mul3A_454 = arith.muli %add3A_446, %mul3A_453 : i32
      %get3A_455 = arith.index_cast %mul3A_454 : i32 to index
      %get3A_456 = tpu.vector_load %arg9[%get3A_455] {strides = array<i32>} : memref<4096xf32, #tpu.memory_space<vmem>>, vector<16xf32>,
      tpu.vector_store_idx %arg7[%get3A_452], %get3A_456 {add = true} : memref<100000xf32, #tpu.memory_space<vmem>>[vector<16xi32>], vector<16xf32>,
      %mul3A_457 = arith.constant 8 : i32
      %mul3A_458 = arith.muli %scan3A_414, %mul3A_457 : i32
      %add3A_459 = arith.constant 3 : i32
      %add3A_460 = arith.addi %mul3A_458, %add3A_459 : i32
      %mul3A_461 = arith.constant 16 : i32
      %mul3A_462 = arith.muli %add3A_460, %mul3A_461 : i32
      %add3A_463 = arith.constant 4096 : i32
      %add3A_464 = arith.addi %add3A_463, %mul3A_462 : i32
      %get3A_465 = arith.index_cast %add3A_464 : i32 to index
      %get3A_466 = tpu.vector_load %arg6[%get3A_465] {strides = array<i32>} : memref<16384xi32, #tpu.memory_space<vmem>>, vector<16xi32>,
      %mul3A_467 = arith.constant 16 : i32
      %mul3A_468 = arith.muli %add3A_460, %mul3A_467 : i32
      %get3A_469 = arith.index_cast %mul3A_468 : i32 to index
      %get3A_470 = tpu.vector_load %arg9[%get3A_469] {strides = array<i32>} : memref<4096xf32, #tpu.memory_space<vmem>>, vector<16xf32>,
      tpu.vector_store_idx %arg7[%get3A_466], %get3A_470 {add = true} : memref<100000xf32, #tpu.memory_space<vmem>>[vector<16xi32>], vector<16xf32>,
      %mul3A_471 = arith.constant 8 : i32
      %mul3A_472 = arith.muli %scan3A_414, %mul3A_471 : i32
      %add3A_473 = arith.constant 4 : i32
      %add3A_474 = arith.addi %mul3A_472, %add3A_473 : i32
      %mul3A_475 = arith.constant 16 : i32
      %mul3A_476 = arith.muli %add3A_474, %mul3A_475 : i32
      %add3A_477 = arith.constant 4096 : i32
      %add3A_478 = arith.addi %add3A_477, %mul3A_476 : i32
      %get3A_479 = arith.index_cast %add3A_478 : i32 to index
      %get3A_480 = tpu.vector_load %arg6[%get3A_479] {strides = array<i32>} : memref<16384xi32, #tpu.memory_space<vmem>>, vector<16xi32>,
      %mul3A_481 = arith.constant 16 : i32
      %mul3A_482 = arith.muli %add3A_474, %mul3A_481 : i32
      %get3A_483 = arith.index_cast %mul3A_482 : i32 to index
      %get3A_484 = tpu.vector_load %arg9[%get3A_483] {strides = array<i32>} : memref<4096xf32, #tpu.memory_space<vmem>>, vector<16xf32>,
      tpu.vector_store_idx %arg7[%get3A_480], %get3A_484 {add = true} : memref<100000xf32, #tpu.memory_space<vmem>>[vector<16xi32>], vector<16xf32>,
      %mul3A_485 = arith.constant 8 : i32
      %mul3A_486 = arith.muli %scan3A_414, %mul3A_485 : i32
      %add3A_487 = arith.constant 5 : i32
      %add3A_488 = arith.addi %mul3A_486, %add3A_487 : i32
      %mul3A_489 = arith.constant 16 : i32
      %mul3A_490 = arith.muli %add3A_488, %mul3A_489 : i32
      %add3A_491 = arith.constant 4096 : i32
      %add3A_492 = arith.addi %add3A_491, %mul3A_490 : i32
      %get3A_493 = arith.index_cast %add3A_492 : i32 to index
      %get3A_494 = tpu.vector_load %arg6[%get3A_493] {strides = array<i32>} : memref<16384xi32, #tpu.memory_space<vmem>>, vector<16xi32>,
      %mul3A_495 = arith.constant 16 : i32
      %mul3A_496 = arith.muli %add3A_488, %mul3A_495 : i32
      %get3A_497 = arith.index_cast %mul3A_496 : i32 to index
      %get3A_498 = tpu.vector_load %arg9[%get3A_497] {strides = array<i32>} : memref<4096xf32, #tpu.memory_space<vmem>>, vector<16xf32>,
      tpu.vector_store_idx %arg7[%get3A_494], %get3A_498 {add = true} : memref<100000xf32, #tpu.memory_space<vmem>>[vector<16xi32>], vector<16xf32>,
      %mul3A_499 = arith.constant 8 : i32
      %mul3A_500 = arith.muli %scan3A_414, %mul3A_499 : i32
      %add3A_501 = arith.constant 6 : i32
      %add3A_502 = arith.addi %mul3A_500, %add3A_501 : i32
      %mul3A_503 = arith.constant 16 : i32
      %mul3A_504 = arith.muli %add3A_502, %mul3A_503 : i32
      %add3A_505 = arith.constant 4096 : i32
      %add3A_506 = arith.addi %add3A_505, %mul3A_504 : i32
      %get3A_507 = arith.index_cast %add3A_506 : i32 to index
      %get3A_508 = tpu.vector_load %arg6[%get3A_507] {strides = array<i32>} : memref<16384xi32, #tpu.memory_space<vmem>>, vector<16xi32>,
      %mul3A_509 = arith.constant 16 : i32
      %mul3A_510 = arith.muli %add3A_502, %mul3A_509 : i32
      %get3A_511 = arith.index_cast %mul3A_510 : i32 to index
      %get3A_512 = tpu.vector_load %arg9[%get3A_511] {strides = array<i32>} : memref<4096xf32, #tpu.memory_space<vmem>>, vector<16xf32>,
      tpu.vector_store_idx %arg7[%get3A_508], %get3A_512 {add = true} : memref<100000xf32, #tpu.memory_space<vmem>>[vector<16xi32>], vector<16xf32>,
      %mul3A_513 = arith.constant 8 : i32
      %mul3A_514 = arith.muli %scan3A_414, %mul3A_513 : i32
      %add3A_515 = arith.constant 7 : i32
      %add3A_516 = arith.addi %mul3A_514, %add3A_515 : i32
      %mul3A_517 = arith.constant 16 : i32
      %mul3A_518 = arith.muli %add3A_516, %mul3A_517 : i32
      %add3A_519 = arith.constant 4096 : i32
      %add3A_520 = arith.addi %add3A_519, %mul3A_518 : i32
      %get3A_521 = arith.index_cast %add3A_520 : i32 to index
      %get3A_522 = tpu.vector_load %arg6[%get3A_521] {strides = array<i32>} : memref<16384xi32, #tpu.memory_space<vmem>>, vector<16xi32>,
      %mul3A_523 = arith.constant 16 : i32
      %mul3A_524 = arith.muli %add3A_516, %mul3A_523 : i32
      %get3A_525 = arith.index_cast %mul3A_524 : i32 to index
      %get3A_526 = tpu.vector_load %arg9[%get3A_525] {strides = array<i32>} : memref<4096xf32, #tpu.memory_space<vmem>>, vector<16xf32>,
      tpu.vector_store_idx %arg7[%get3A_522], %get3A_526 {add = true} : memref<100000xf32, #tpu.memory_space<vmem>>[vector<16xi32>], vector<16xf32>,
      %scan3A_527 = arith.constant 0 : i32
      scf.yield %scan3A_527 : i32
    }
    %scan3A_372 = arith.constant 32 : i32
    %dma_wait3A_373 = arith.constant 0 : i32
    %dma_wait3A_374 = arith.constant 8192 : i32
    %dma_wait3A_375 = tpu.memref_slice %arg4[%add3A_313, %dma_wait3A_374] : memref<128x16384xf32, #tpu.memory_space<hbm>> -> memref<1x4096xf32, #tpu.memory_space<hbm>>
    %dma_wait3A_376 = tpu.memref_squeeze %dma_wait3A_375 : memref<1x4096xf32, #tpu.memory_space<hbm>> -> memref<4096xf32, #tpu.memory_space<hbm>>
    %dma_wait3A_377 = tpu.memref_slice %arg10[%dma_wait3A_373] : memref<2x!tpu.dma_semaphore, #tpu.memory_space<semaphore_mem>> -> memref<1x!tpu.dma_semaphore, #tpu.memory_space<semaphore_mem>>
    %dma_wait3A_378 = tpu.memref_squeeze %dma_wait3A_377 : memref<1x!tpu.dma_semaphore, #tpu.memory_space<semaphore_mem>> -> memref<!tpu.dma_semaphore, #tpu.memory_space<semaphore_mem>>
    %dma_wait3A_379 = arith.constant 8192 : i32
    %dma_wait3A_380 = tpu.memref_slice %arg4[%add3A_313, %dma_wait3A_379] : memref<128x16384xf32, #tpu.memory_space<hbm>> -> memref<1x4096xf32, #tpu.memory_space<hbm>>
    %dma_wait3A_381 = tpu.memref_squeeze %dma_wait3A_380 : memref<1x4096xf32, #tpu.memory_space<hbm>> -> memref<4096xf32, #tpu.memory_space<hbm>>
    tpu.wait_dma2 semaphore(%dma_wait3A_378 : memref<!tpu.dma_semaphore, #tpu.memory_space<semaphore_mem>>) src(%dma_wait3A_381 : memref<4096xf32, #tpu.memory_space<hbm>>) dst(%arg8 : memref<4096xf32, #tpu.memory_space<vmem>>)
    %dma_start3A_382 = arith.constant 1 : i32
    %dma_start3A_383 = arith.constant 12288 : i32
    %dma_start3A_384 = tpu.memref_slice %arg4[%add3A_313, %dma_start3A_383] : memref<128x16384xf32, #tpu.memory_space<hbm>> -> memref<1x4096xf32, #tpu.memory_space<hbm>>
    %dma_start3A_385 = tpu.memref_squeeze %dma_start3A_384 : memref<1x4096xf32, #tpu.memory_space<hbm>> -> memref<4096xf32, #tpu.memory_space<hbm>>
    %dma_start3A_386 = tpu.memref_slice %arg10[%dma_start3A_382] : memref<2x!tpu.dma_semaphore, #tpu.memory_space<semaphore_mem>> -> memref<1x!tpu.dma_semaphore, #tpu.memory_space<semaphore_mem>>
    %dma_start3A_387 = tpu.memref_squeeze %dma_start3A_386 : memref<1x!tpu.dma_semaphore, #tpu.memory_space<semaphore_mem>> -> memref<!tpu.dma_semaphore, #tpu.memory_space<semaphore_mem>>
    %dma_start3A_388 = arith.constant 12288 : i32
    %dma_start3A_389 = tpu.memref_slice %arg4[%add3A_313, %dma_start3A_388] : memref<128x16384xf32, #tpu.memory_space<hbm>> -> memref<1x4096xf32, #tpu.memory_space<hbm>>
    %dma_start3A_390 = tpu.memref_squeeze %dma_start3A_389 : memref<1x4096xf32, #tpu.memory_space<hbm>> -> memref<4096xf32, #tpu.memory_space<hbm>>
    tpu.enqueue_dma source(%dma_start3A_390 : memref<4096xf32, #tpu.memory_space<hbm>>) target(%arg9 : memref<4096xf32, #tpu.memory_space<vmem>>) target_semaphore(%dma_start3A_387 : memref<!tpu.dma_semaphore, #tpu.memory_space<semaphore_mem>>)
    %scan3A_391 = arith.constant 0 : i32
    %scan3A_392 = arith.constant 0 : i32
    %scan3A_393 = arith.constant 32 : i32
    %scan3A_394 = arith.addi %scan3A_392, %scan3A_393 : i32
    %scan3A_395 = arith.constant 1 : i32
    %scan3A_396 = scf.for %scan3A_414 = %scan3A_392 to %scan3A_394 step %scan3A_395 iter_args(%scan3A_415 = %scan3A_391) -> (i32)  : i32 {
      %mul3A_416 = arith.constant 8 : i32
      %mul3A_417 = arith.muli %scan3A_414, %mul3A_416 : i32
      %add3A_418 = arith.constant 0 : i32
      %add3A_419 = arith.addi %mul3A_417, %add3A_418 : i32
      %mul3A_420 = arith.constant 16 : i32
      %mul3A_421 = arith.muli %add3A_419, %mul3A_420 : i32
      %add3A_422 = arith.constant 8192 : i32
      %add3A_423 = arith.addi %add3A_422, %mul3A_421 : i32
      %get3A = arith.index_cast %add3A_423 : i32 to index
      %get3A_424 = tpu.vector_load %arg6[%get3A] {strides = array<i32>} : memref<16384xi32, #tpu.memory_space<vmem>>, vector<16xi32>,
      %mul3A_425 = arith.constant 16 : i32
      %mul3A_426 = arith.muli %add3A_419, %mul3A_425 : i32
      %get3A_427 = arith.index_cast %mul3A_426 : i32 to index
      %get3A_428 = tpu.vector_load %arg8[%get3A_427] {strides = array<i32>} : memref<4096xf32, #tpu.memory_space<vmem>>, vector<16xf32>,
      tpu.vector_store_idx %arg7[%get3A_424], %get3A_428 {add = true} : memref<100000xf32, #tpu.memory_space<vmem>>[vector<16xi32>], vector<16xf32>,
      %mul3A_429 = arith.constant 8 : i32
      %mul3A_430 = arith.muli %scan3A_414, %mul3A_429 : i32
      %add3A_431 = arith.constant 1 : i32
      %add3A_432 = arith.addi %mul3A_430, %add3A_431 : i32
      %mul3A_433 = arith.constant 16 : i32
      %mul3A_434 = arith.muli %add3A_432, %mul3A_433 : i32
      %add3A_435 = arith.constant 8192 : i32
      %add3A_436 = arith.addi %add3A_435, %mul3A_434 : i32
      %get3A_437 = arith.index_cast %add3A_436 : i32 to index
      %get3A_438 = tpu.vector_load %arg6[%get3A_437] {strides = array<i32>} : memref<16384xi32, #tpu.memory_space<vmem>>, vector<16xi32>,
      %mul3A_439 = arith.constant 16 : i32
      %mul3A_440 = arith.muli %add3A_432, %mul3A_439 : i32
      %get3A_441 = arith.index_cast %mul3A_440 : i32 to index
      %get3A_442 = tpu.vector_load %arg8[%get3A_441] {strides = array<i32>} : memref<4096xf32, #tpu.memory_space<vmem>>, vector<16xf32>,
      tpu.vector_store_idx %arg7[%get3A_438], %get3A_442 {add = true} : memref<100000xf32, #tpu.memory_space<vmem>>[vector<16xi32>], vector<16xf32>,
      %mul3A_443 = arith.constant 8 : i32
      %mul3A_444 = arith.muli %scan3A_414, %mul3A_443 : i32
      %add3A_445 = arith.constant 2 : i32
      %add3A_446 = arith.addi %mul3A_444, %add3A_445 : i32
      %mul3A_447 = arith.constant 16 : i32
      %mul3A_448 = arith.muli %add3A_446, %mul3A_447 : i32
      %add3A_449 = arith.constant 8192 : i32
      %add3A_450 = arith.addi %add3A_449, %mul3A_448 : i32
      %get3A_451 = arith.index_cast %add3A_450 : i32 to index
      %get3A_452 = tpu.vector_load %arg6[%get3A_451] {strides = array<i32>} : memref<16384xi32, #tpu.memory_space<vmem>>, vector<16xi32>,
      %mul3A_453 = arith.constant 16 : i32
      %mul3A_454 = arith.muli %add3A_446, %mul3A_453 : i32
      %get3A_455 = arith.index_cast %mul3A_454 : i32 to index
      %get3A_456 = tpu.vector_load %arg8[%get3A_455] {strides = array<i32>} : memref<4096xf32, #tpu.memory_space<vmem>>, vector<16xf32>,
      tpu.vector_store_idx %arg7[%get3A_452], %get3A_456 {add = true} : memref<100000xf32, #tpu.memory_space<vmem>>[vector<16xi32>], vector<16xf32>,
      %mul3A_457 = arith.constant 8 : i32
      %mul3A_458 = arith.muli %scan3A_414, %mul3A_457 : i32
      %add3A_459 = arith.constant 3 : i32
      %add3A_460 = arith.addi %mul3A_458, %add3A_459 : i32
      %mul3A_461 = arith.constant 16 : i32
      %mul3A_462 = arith.muli %add3A_460, %mul3A_461 : i32
      %add3A_463 = arith.constant 8192 : i32
      %add3A_464 = arith.addi %add3A_463, %mul3A_462 : i32
      %get3A_465 = arith.index_cast %add3A_464 : i32 to index
      %get3A_466 = tpu.vector_load %arg6[%get3A_465] {strides = array<i32>} : memref<16384xi32, #tpu.memory_space<vmem>>, vector<16xi32>,
      %mul3A_467 = arith.constant 16 : i32
      %mul3A_468 = arith.muli %add3A_460, %mul3A_467 : i32
      %get3A_469 = arith.index_cast %mul3A_468 : i32 to index
      %get3A_470 = tpu.vector_load %arg8[%get3A_469] {strides = array<i32>} : memref<4096xf32, #tpu.memory_space<vmem>>, vector<16xf32>,
      tpu.vector_store_idx %arg7[%get3A_466], %get3A_470 {add = true} : memref<100000xf32, #tpu.memory_space<vmem>>[vector<16xi32>], vector<16xf32>,
      %mul3A_471 = arith.constant 8 : i32
      %mul3A_472 = arith.muli %scan3A_414, %mul3A_471 : i32
      %add3A_473 = arith.constant 4 : i32
      %add3A_474 = arith.addi %mul3A_472, %add3A_473 : i32
      %mul3A_475 = arith.constant 16 : i32
      %mul3A_476 = arith.muli %add3A_474, %mul3A_475 : i32
      %add3A_477 = arith.constant 8192 : i32
      %add3A_478 = arith.addi %add3A_477, %mul3A_476 : i32
      %get3A_479 = arith.index_cast %add3A_478 : i32 to index
      %get3A_480 = tpu.vector_load %arg6[%get3A_479] {strides = array<i32>} : memref<16384xi32, #tpu.memory_space<vmem>>, vector<16xi32>,
      %mul3A_481 = arith.constant 16 : i32
      %mul3A_482 = arith.muli %add3A_474, %mul3A_481 : i32
      %get3A_483 = arith.index_cast %mul3A_482 : i32 to index
      %get3A_484 = tpu.vector_load %arg8[%get3A_483] {strides = array<i32>} : memref<4096xf32, #tpu.memory_space<vmem>>, vector<16xf32>,
      tpu.vector_store_idx %arg7[%get3A_480], %get3A_484 {add = true} : memref<100000xf32, #tpu.memory_space<vmem>>[vector<16xi32>], vector<16xf32>,
      %mul3A_485 = arith.constant 8 : i32
      %mul3A_486 = arith.muli %scan3A_414, %mul3A_485 : i32
      %add3A_487 = arith.constant 5 : i32
      %add3A_488 = arith.addi %mul3A_486, %add3A_487 : i32
      %mul3A_489 = arith.constant 16 : i32
      %mul3A_490 = arith.muli %add3A_488, %mul3A_489 : i32
      %add3A_491 = arith.constant 8192 : i32
      %add3A_492 = arith.addi %add3A_491, %mul3A_490 : i32
      %get3A_493 = arith.index_cast %add3A_492 : i32 to index
      %get3A_494 = tpu.vector_load %arg6[%get3A_493] {strides = array<i32>} : memref<16384xi32, #tpu.memory_space<vmem>>, vector<16xi32>,
      %mul3A_495 = arith.constant 16 : i32
      %mul3A_496 = arith.muli %add3A_488, %mul3A_495 : i32
      %get3A_497 = arith.index_cast %mul3A_496 : i32 to index
      %get3A_498 = tpu.vector_load %arg8[%get3A_497] {strides = array<i32>} : memref<4096xf32, #tpu.memory_space<vmem>>, vector<16xf32>,
      tpu.vector_store_idx %arg7[%get3A_494], %get3A_498 {add = true} : memref<100000xf32, #tpu.memory_space<vmem>>[vector<16xi32>], vector<16xf32>,
      %mul3A_499 = arith.constant 8 : i32
      %mul3A_500 = arith.muli %scan3A_414, %mul3A_499 : i32
      %add3A_501 = arith.constant 6 : i32
      %add3A_502 = arith.addi %mul3A_500, %add3A_501 : i32
      %mul3A_503 = arith.constant 16 : i32
      %mul3A_504 = arith.muli %add3A_502, %mul3A_503 : i32
      %add3A_505 = arith.constant 8192 : i32
      %add3A_506 = arith.addi %add3A_505, %mul3A_504 : i32
      %get3A_507 = arith.index_cast %add3A_506 : i32 to index
      %get3A_508 = tpu.vector_load %arg6[%get3A_507] {strides = array<i32>} : memref<16384xi32, #tpu.memory_space<vmem>>, vector<16xi32>,
      %mul3A_509 = arith.constant 16 : i32
      %mul3A_510 = arith.muli %add3A_502, %mul3A_509 : i32
      %get3A_511 = arith.index_cast %mul3A_510 : i32 to index
      %get3A_512 = tpu.vector_load %arg8[%get3A_511] {strides = array<i32>} : memref<4096xf32, #tpu.memory_space<vmem>>, vector<16xf32>,
      tpu.vector_store_idx %arg7[%get3A_508], %get3A_512 {add = true} : memref<100000xf32, #tpu.memory_space<vmem>>[vector<16xi32>], vector<16xf32>,
      %mul3A_513 = arith.constant 8 : i32
      %mul3A_514 = arith.muli %scan3A_414, %mul3A_513 : i32
      %add3A_515 = arith.constant 7 : i32
      %add3A_516 = arith.addi %mul3A_514, %add3A_515 : i32
      %mul3A_517 = arith.constant 16 : i32
      %mul3A_518 = arith.muli %add3A_516, %mul3A_517 : i32
      %add3A_519 = arith.constant 8192 : i32
      %add3A_520 = arith.addi %add3A_519, %mul3A_518 : i32
      %get3A_521 = arith.index_cast %add3A_520 : i32 to index
      %get3A_522 = tpu.vector_load %arg6[%get3A_521] {strides = array<i32>} : memref<16384xi32, #tpu.memory_space<vmem>>, vector<16xi32>,
      %mul3A_523 = arith.constant 16 : i32
      %mul3A_524 = arith.muli %add3A_516, %mul3A_523 : i32
      %get3A_525 = arith.index_cast %mul3A_524 : i32 to index
      %get3A_526 = tpu.vector_load %arg8[%get3A_525] {strides = array<i32>} : memref<4096xf32, #tpu.memory_space<vmem>>, vector<16xf32>,
      tpu.vector_store_idx %arg7[%get3A_522], %get3A_526 {add = true} : memref<100000xf32, #tpu.memory_space<vmem>>[vector<16xi32>], vector<16xf32>,
      %scan3A_527 = arith.constant 0 : i32
      scf.yield %scan3A_527 : i32
    }
    %scan3A_397 = arith.constant 32 : i32
    %dma_wait3A_398 = arith.constant 1 : i32
    %dma_wait3A_399 = arith.constant 12288 : i32
    %dma_wait3A_400 = tpu.memref_slice %arg4[%add3A_313, %dma_wait3A_399] : memref<128x16384xf32, #tpu.memory_space<hbm>> -> memref<1x4096xf32, #tpu.memory_space<hbm>>
    %dma_wait3A_401 = tpu.memref_squeeze %dma_wait3A_400 : memref<1x4096xf32, #tpu.memory_space<hbm>> -> memref<4096xf32, #tpu.memory_space<hbm>>
    %dma_wait3A_402 = tpu.memref_slice %arg10[%dma_wait3A_398] : memref<2x!tpu.dma_semaphore, #tpu.memory_space<semaphore_mem>> -> memref<1x!tpu.dma_semaphore, #tpu.memory_space<semaphore_mem>>
    %dma_wait3A_403 = tpu.memref_squeeze %dma_wait3A_402 : memref<1x!tpu.dma_semaphore, #tpu.memory_space<semaphore_mem>> -> memref<!tpu.dma_semaphore, #tpu.memory_space<semaphore_mem>>
    %dma_wait3A_404 = arith.constant 12288 : i32
    %dma_wait3A_405 = tpu.memref_slice %arg4[%add3A_313, %dma_wait3A_404] : memref<128x16384xf32, #tpu.memory_space<hbm>> -> memref<1x4096xf32, #tpu.memory_space<hbm>>
    %dma_wait3A_406 = tpu.memref_squeeze %dma_wait3A_405 : memref<1x4096xf32, #tpu.memory_space<hbm>> -> memref<4096xf32, #tpu.memory_space<hbm>>
    tpu.wait_dma2 semaphore(%dma_wait3A_403 : memref<!tpu.dma_semaphore, #tpu.memory_space<semaphore_mem>>) src(%dma_wait3A_406 : memref<4096xf32, #tpu.memory_space<hbm>>) dst(%arg9 : memref<4096xf32, #tpu.memory_space<vmem>>)
    %scan3A_407 = arith.constant 0 : i32
    %scan3A_408 = arith.constant 0 : i32
    %scan3A_409 = arith.constant 32 : i32
    %scan3A_410 = arith.addi %scan3A_408, %scan3A_409 : i32
    %scan3A_411 = arith.constant 1 : i32
    %scan3A_412 = scf.for %scan3A_414 = %scan3A_408 to %scan3A_410 step %scan3A_411 iter_args(%scan3A_415 = %scan3A_407) -> (i32)  : i32 {
      %mul3A_416 = arith.constant 8 : i32
      %mul3A_417 = arith.muli %scan3A_414, %mul3A_416 : i32
      %add3A_418 = arith.constant 0 : i32
      %add3A_419 = arith.addi %mul3A_417, %add3A_418 : i32
      %mul3A_420 = arith.constant 16 : i32
      %mul3A_421 = arith.muli %add3A_419, %mul3A_420 : i32
      %add3A_422 = arith.constant 12288 : i32
      %add3A_423 = arith.addi %add3A_422, %mul3A_421 : i32
      %get3A = arith.index_cast %add3A_423 : i32 to index
      %get3A_424 = tpu.vector_load %arg6[%get3A] {strides = array<i32>} : memref<16384xi32, #tpu.memory_space<vmem>>, vector<16xi32>,
      %mul3A_425 = arith.constant 16 : i32
      %mul3A_426 = arith.muli %add3A_419, %mul3A_425 : i32
      %get3A_427 = arith.index_cast %mul3A_426 : i32 to index
      %get3A_428 = tpu.vector_load %arg9[%get3A_427] {strides = array<i32>} : memref<4096xf32, #tpu.memory_space<vmem>>, vector<16xf32>,
      tpu.vector_store_idx %arg7[%get3A_424], %get3A_428 {add = true} : memref<100000xf32, #tpu.memory_space<vmem>>[vector<16xi32>], vector<16xf32>,
      %mul3A_429 = arith.constant 8 : i32
      %mul3A_430 = arith.muli %scan3A_414, %mul3A_429 : i32
      %add3A_431 = arith.constant 1 : i32
      %add3A_432 = arith.addi %mul3A_430, %add3A_431 : i32
      %mul3A_433 = arith.constant 16 : i32
      %mul3A_434 = arith.muli %add3A_432, %mul3A_433 : i32
      %add3A_435 = arith.constant 12288 : i32
      %add3A_436 = arith.addi %add3A_435, %mul3A_434 : i32
      %get3A_437 = arith.index_cast %add3A_436 : i32 to index
      %get3A_438 = tpu.vector_load %arg6[%get3A_437] {strides = array<i32>} : memref<16384xi32, #tpu.memory_space<vmem>>, vector<16xi32>,
      %mul3A_439 = arith.constant 16 : i32
      %mul3A_440 = arith.muli %add3A_432, %mul3A_439 : i32
      %get3A_441 = arith.index_cast %mul3A_440 : i32 to index
      %get3A_442 = tpu.vector_load %arg9[%get3A_441] {strides = array<i32>} : memref<4096xf32, #tpu.memory_space<vmem>>, vector<16xf32>,
      tpu.vector_store_idx %arg7[%get3A_438], %get3A_442 {add = true} : memref<100000xf32, #tpu.memory_space<vmem>>[vector<16xi32>], vector<16xf32>,
      %mul3A_443 = arith.constant 8 : i32
      %mul3A_444 = arith.muli %scan3A_414, %mul3A_443 : i32
      %add3A_445 = arith.constant 2 : i32
      %add3A_446 = arith.addi %mul3A_444, %add3A_445 : i32
      %mul3A_447 = arith.constant 16 : i32
      %mul3A_448 = arith.muli %add3A_446, %mul3A_447 : i32
      %add3A_449 = arith.constant 12288 : i32
      %add3A_450 = arith.addi %add3A_449, %mul3A_448 : i32
      %get3A_451 = arith.index_cast %add3A_450 : i32 to index
      %get3A_452 = tpu.vector_load %arg6[%get3A_451] {strides = array<i32>} : memref<16384xi32, #tpu.memory_space<vmem>>, vector<16xi32>,
      %mul3A_453 = arith.constant 16 : i32
      %mul3A_454 = arith.muli %add3A_446, %mul3A_453 : i32
      %get3A_455 = arith.index_cast %mul3A_454 : i32 to index
      %get3A_456 = tpu.vector_load %arg9[%get3A_455] {strides = array<i32>} : memref<4096xf32, #tpu.memory_space<vmem>>, vector<16xf32>,
      tpu.vector_store_idx %arg7[%get3A_452], %get3A_456 {add = true} : memref<100000xf32, #tpu.memory_space<vmem>>[vector<16xi32>], vector<16xf32>,
      %mul3A_457 = arith.constant 8 : i32
      %mul3A_458 = arith.muli %scan3A_414, %mul3A_457 : i32
      %add3A_459 = arith.constant 3 : i32
      %add3A_460 = arith.addi %mul3A_458, %add3A_459 : i32
      %mul3A_461 = arith.constant 16 : i32
      %mul3A_462 = arith.muli %add3A_460, %mul3A_461 : i32
      %add3A_463 = arith.constant 12288 : i32
      %add3A_464 = arith.addi %add3A_463, %mul3A_462 : i32
      %get3A_465 = arith.index_cast %add3A_464 : i32 to index
      %get3A_466 = tpu.vector_load %arg6[%get3A_465] {strides = array<i32>} : memref<16384xi32, #tpu.memory_space<vmem>>, vector<16xi32>,
      %mul3A_467 = arith.constant 16 : i32
      %mul3A_468 = arith.muli %add3A_460, %mul3A_467 : i32
      %get3A_469 = arith.index_cast %mul3A_468 : i32 to index
      %get3A_470 = tpu.vector_load %arg9[%get3A_469] {strides = array<i32>} : memref<4096xf32, #tpu.memory_space<vmem>>, vector<16xf32>,
      tpu.vector_store_idx %arg7[%get3A_466], %get3A_470 {add = true} : memref<100000xf32, #tpu.memory_space<vmem>>[vector<16xi32>], vector<16xf32>,
      %mul3A_471 = arith.constant 8 : i32
      %mul3A_472 = arith.muli %scan3A_414, %mul3A_471 : i32
      %add3A_473 = arith.constant 4 : i32
      %add3A_474 = arith.addi %mul3A_472, %add3A_473 : i32
      %mul3A_475 = arith.constant 16 : i32
      %mul3A_476 = arith.muli %add3A_474, %mul3A_475 : i32
      %add3A_477 = arith.constant 12288 : i32
      %add3A_478 = arith.addi %add3A_477, %mul3A_476 : i32
      %get3A_479 = arith.index_cast %add3A_478 : i32 to index
      %get3A_480 = tpu.vector_load %arg6[%get3A_479] {strides = array<i32>} : memref<16384xi32, #tpu.memory_space<vmem>>, vector<16xi32>,
      %mul3A_481 = arith.constant 16 : i32
      %mul3A_482 = arith.muli %add3A_474, %mul3A_481 : i32
      %get3A_483 = arith.index_cast %mul3A_482 : i32 to index
      %get3A_484 = tpu.vector_load %arg9[%get3A_483] {strides = array<i32>} : memref<4096xf32, #tpu.memory_space<vmem>>, vector<16xf32>,
      tpu.vector_store_idx %arg7[%get3A_480], %get3A_484 {add = true} : memref<100000xf32, #tpu.memory_space<vmem>>[vector<16xi32>], vector<16xf32>,
      %mul3A_485 = arith.constant 8 : i32
      %mul3A_486 = arith.muli %scan3A_414, %mul3A_485 : i32
      %add3A_487 = arith.constant 5 : i32
      %add3A_488 = arith.addi %mul3A_486, %add3A_487 : i32
      %mul3A_489 = arith.constant 16 : i32
      %mul3A_490 = arith.muli %add3A_488, %mul3A_489 : i32
      %add3A_491 = arith.constant 12288 : i32
      %add3A_492 = arith.addi %add3A_491, %mul3A_490 : i32
      %get3A_493 = arith.index_cast %add3A_492 : i32 to index
      %get3A_494 = tpu.vector_load %arg6[%get3A_493] {strides = array<i32>} : memref<16384xi32, #tpu.memory_space<vmem>>, vector<16xi32>,
      %mul3A_495 = arith.constant 16 : i32
      %mul3A_496 = arith.muli %add3A_488, %mul3A_495 : i32
      %get3A_497 = arith.index_cast %mul3A_496 : i32 to index
      %get3A_498 = tpu.vector_load %arg9[%get3A_497] {strides = array<i32>} : memref<4096xf32, #tpu.memory_space<vmem>>, vector<16xf32>,
      tpu.vector_store_idx %arg7[%get3A_494], %get3A_498 {add = true} : memref<100000xf32, #tpu.memory_space<vmem>>[vector<16xi32>], vector<16xf32>,
      %mul3A_499 = arith.constant 8 : i32
      %mul3A_500 = arith.muli %scan3A_414, %mul3A_499 : i32
      %add3A_501 = arith.constant 6 : i32
      %add3A_502 = arith.addi %mul3A_500, %add3A_501 : i32
      %mul3A_503 = arith.constant 16 : i32
      %mul3A_504 = arith.muli %add3A_502, %mul3A_503 : i32
      %add3A_505 = arith.constant 12288 : i32
      %add3A_506 = arith.addi %add3A_505, %mul3A_504 : i32
      %get3A_507 = arith.index_cast %add3A_506 : i32 to index
      %get3A_508 = tpu.vector_load %arg6[%get3A_507] {strides = array<i32>} : memref<16384xi32, #tpu.memory_space<vmem>>, vector<16xi32>,
      %mul3A_509 = arith.constant 16 : i32
      %mul3A_510 = arith.muli %add3A_502, %mul3A_509 : i32
      %get3A_511 = arith.index_cast %mul3A_510 : i32 to index
      %get3A_512 = tpu.vector_load %arg9[%get3A_511] {strides = array<i32>} : memref<4096xf32, #tpu.memory_space<vmem>>, vector<16xf32>,
      tpu.vector_store_idx %arg7[%get3A_508], %get3A_512 {add = true} : memref<100000xf32, #tpu.memory_space<vmem>>[vector<16xi32>], vector<16xf32>,
      %mul3A_513 = arith.constant 8 : i32
      %mul3A_514 = arith.muli %scan3A_414, %mul3A_513 : i32
      %add3A_515 = arith.constant 7 : i32
      %add3A_516 = arith.addi %mul3A_514, %add3A_515 : i32
      %mul3A_517 = arith.constant 16 : i32
      %mul3A_518 = arith.muli %add3A_516, %mul3A_517 : i32
      %add3A_519 = arith.constant 12288 : i32
      %add3A_520 = arith.addi %add3A_519, %mul3A_518 : i32
      %get3A_521 = arith.index_cast %add3A_520 : i32 to index
      %get3A_522 = tpu.vector_load %arg6[%get3A_521] {strides = array<i32>} : memref<16384xi32, #tpu.memory_space<vmem>>, vector<16xi32>,
      %mul3A_523 = arith.constant 16 : i32
      %mul3A_524 = arith.muli %add3A_516, %mul3A_523 : i32
      %get3A_525 = arith.index_cast %mul3A_524 : i32 to index
      %get3A_526 = tpu.vector_load %arg9[%get3A_525] {strides = array<i32>} : memref<4096xf32, #tpu.memory_space<vmem>>, vector<16xf32>,
      tpu.vector_store_idx %arg7[%get3A_522], %get3A_526 {add = true} : memref<100000xf32, #tpu.memory_space<vmem>>[vector<16xi32>], vector<16xf32>,
      %scan3A_527 = arith.constant 0 : i32
      scf.yield %scan3A_527 : i32
    }
    %scan3A_413 = arith.constant 32 : i32
    "tpu.region"() ({
      %run_scoped3A = tpu.sem_alloc : memref<!tpu.dma_semaphore, #tpu.memory_space<semaphore_mem>>
      %dma_start3A_414 = arith.constant 0 : i32
      %dma_start3A_415 = tpu.memref_slice %arg5[%add3A_313, %dma_start3A_414] : memref<128x100000xf32, #tpu.memory_space<hbm>> -> memref<1x100000xf32, #tpu.memory_space<hbm>>
      %dma_start3A_416 = tpu.memref_squeeze %dma_start3A_415 : memref<1x100000xf32, #tpu.memory_space<hbm>> -> memref<100000xf32, #tpu.memory_space<hbm>>
      %dma_start3A_417 = arith.constant 0 : i32
      %dma_start3A_418 = tpu.memref_slice %arg5[%add3A_313, %dma_start3A_417] : memref<128x100000xf32, #tpu.memory_space<hbm>> -> memref<1x100000xf32, #tpu.memory_space<hbm>>
      %dma_start3A_419 = tpu.memref_squeeze %dma_start3A_418 : memref<1x100000xf32, #tpu.memory_space<hbm>> -> memref<100000xf32, #tpu.memory_space<hbm>>
      tpu.enqueue_dma source(%arg7 : memref<100000xf32, #tpu.memory_space<vmem>>) target(%dma_start3A_419 : memref<100000xf32, #tpu.memory_space<hbm>>) target_semaphore(%run_scoped3A : memref<!tpu.dma_semaphore, #tpu.memory_space<semaphore_mem>>)
      %dma_wait3A_420 = arith.constant 0 : i32
      %dma_wait3A_421 = tpu.memref_slice %arg5[%add3A_313, %dma_wait3A_420] : memref<128x100000xf32, #tpu.memory_space<hbm>> -> memref<1x100000xf32, #tpu.memory_space<hbm>>
      %dma_wait3A_422 = tpu.memref_squeeze %dma_wait3A_421 : memref<1x100000xf32, #tpu.memory_space<hbm>> -> memref<100000xf32, #tpu.memory_space<hbm>>
      %dma_wait3A_423 = arith.constant 0 : i32
      %dma_wait3A_424 = tpu.memref_slice %arg5[%add3A_313, %dma_wait3A_423] : memref<128x100000xf32, #tpu.memory_space<hbm>> -> memref<1x100000xf32, #tpu.memory_space<hbm>>
      %dma_wait3A_425 = tpu.memref_squeeze %dma_wait3A_424 : memref<1x100000xf32, #tpu.memory_space<hbm>> -> memref<100000xf32, #tpu.memory_space<hbm>>
      tpu.wait_dma2 semaphore(%run_scoped3A : memref<!tpu.dma_semaphore, #tpu.memory_space<semaphore_mem>>) src(%arg7 : memref<100000xf32, #tpu.memory_space<vmem>>) dst(%dma_wait3A_425 : memref<100000xf32, #tpu.memory_space<hbm>>)
      tpu.yield
    }) : () -> ()
    return
  }
}

</mosaic_0001>

<sc_bundles>
// kernel: kernel.3.cloned.1.call-start
scs
__scs_entry_jumppad:
0x0: {  	(pc) =	sbr.rel $0x88, $3  }
0x1: {  	(tag) =	ssettag $0x0;
	lr =	simm.s32 $0x1  }
0x2: {  	[smem:$0x3F9E] =	sst lr;
	_ =	strace $0xD0000000  }
0x3: {  	_ = 	snop  }
0x4: {  	_ = 	snop  }
0x5: {  	_ = 	snop  }
0x6: {  	_ = 	snop  }
0x7: {  	_ = 	snop  }
__scs_overlays_trampoline_lowered:
0x8: {  	[smem:$0x3FAD] =	sst s0  }
0x9: {  	[smem:$0x3FAE] =	sst s1  }
0xa: {  	[smem:$0x3FAF] =	sst s2  }
0xb: {  	[smem:$0x3FB0] =	sst s3  }
0xc: {  	[smem:$0x3FB1] =	sst s4  }
0xd: {  	[smem:$0x3FB2] =	sst s5  }
0xe: {  	[smem:$0x3FB3] =	sst s6  }
0xf: {  	[smem:$0x3FB4] =	sst s7  }
0x10: {  	[smem:$0x3FB5] =	sst s8  }
0x11: {  	[smem:$0x3FB6] =	sst s9;
	s0 =	simm.s32 @!p0 $0x0  }
0x12: {  	s1 =	sld [smem:$0x3F9C];
	s0 =	simm.s32 @p0 $0x1  }
0x13: {  	[smem:$0x3FB7] =	sst s0;
	s0 =	simm.s32 @!p1 $0x0  }
0x14: {  	s2 =	sld [smem:$0x3F9B];
	s0 =	simm.s32 @p1 $0x1  }
0x15: {  	[smem:$0x3FB8] =	sst s0;
	s0 =	simm.s32 @!p2 $0x0  }
0x16: {  	s3 =	sld [smem:$0x3FDB];
	s0 =	simm.s32 @p2 $0x1  }
0x17: {  	s4 =	simm.s32 $0x1BF5;
	[smem:$0x3FBA] =	sst s0  }
0x18: {  	s0 =	sld [smem:$0x3F9D];
	_ =	swait.ge [sflag:s4], $0x0  }
0x19: {  	s7 =	sld [smem:$0x3F9E]  }
0x1a: {  	s8 =	sadd.s32 $0xFFFFE003, lr  }
0x1b: {  	s9 =	sadd.s32 $0xFFFFFEF7, lr;
	s5 =	simm.s32 $0xFFFFFFFF;
	p2 =	slt.u32 s8, $0xFFFFF086  }
0x1c: {  	p1 =	slt.u32 s9, $0xF7A;
	s5 =	simm.s32 @!p2 $0x0  }
0x1d: {  	s5 =	simm.s32 @p1 $0x1;
	p0 =	seq.s32 s7, s2  }
0x1e: {  	s7 =	smul.u32 @!p0 $0xF7A, s2;
	p2 =	seq.s32 @!p0 s5, $0x0  }
0x1f: {  	s9 =	smul.u32 $0xF7A, s1;
	s8 =	simm.s32 @!p0 $0x1BF5;
	p2 =	por !p2, p0  }
0x20: {  	[sflag:s8] =	ssyncset.s32 @!p0 $0xFFFFF086;
	s6 =	sadd.s32 @!p0 s3, s7;
	s7 =	simm.s32 @!p0 $0x108  }
0x21: {  	s3 =	sadd.s32 s3, s9;
	s6 =	sadd.s32 @!p0 $0x88, s6;
	s7 =	simm.s32 @p2 $0x1082  }
0x22: {  	[simem:s7], [sflag:s8] =	dma.local @!p0 [hbm:s6], $0xF7A  }
0x23: {  	s9 =	sor.u32 $0xD0000000, s2;
	s6 =	simm.s32 $0x108;
	_ =	swait.ge @!p0 [sflag:s8], $0x0  }
0x24: {  	s3 =	sadd.s32 $0x88, s3;
	s6 =	simm.s32 @!p1 $0x1082;
	[sflag:s4] =	ssyncset.s32 $0xFFFFF086  }
0x25: {  	[simem:s6], [sflag:s4] =	dma.local [hbm:s3], $0xF7A  }
0x26: {  	[smem:$0x3F9E] =	sst s1;
	(tag) =	ssettag s2;
	_ =	strace s9  }
0x27: {  	s1 =	sld [smem:$0x3FAE]  }
0x28: {  	s2 =	sld [smem:$0x3FAF]  }
0x29: {  	s4 =	sld [smem:$0x3FB1]  }
0x2a: {  	p0 =	seq.s32 s5, $0x0;
	s5 =	sld [smem:$0x3FB2]  }
0x2b: {  	s6 =	sld [smem:$0x3FB3]  }
0x2c: {  	s7 =	sld [smem:$0x3FB4]  }
0x2d: {  	s3 =	simm.s32 $0x108;
	s8 =	sld [smem:$0x3FB5]  }
0x2e: {  	s3 =	simm.s32 @!p0 $0x1082;
	s9 =	sld [smem:$0x3FB6]  }
0x2f: {  	lr =	sadd.s32 s0, s3;
	s0 =	sld [smem:$0x3FAD]  }
0x30: {  	s3 =	sld [smem:$0x3FB0]  }
0x31: {  	[smem:$0x3FB9] =	sst s10  }
0x32: {  	s10 =	sld [smem:$0x3FB7];
	_ =	sdelay $0x3  }
0x33: {  	p0 =	seq.s32 s10, $0x1;
	s10 =	sld [smem:$0x3FB9];
	_ =	sdelay $0x3  }
0x34: {  	[smem:$0x3FB9] =	sst s10  }
0x35: {  	s10 =	sld [smem:$0x3FB8];
	_ =	sdelay $0x3  }
0x36: {  	p1 =	seq.s32 s10, $0x1;
	s10 =	sld [smem:$0x3FB9];
	_ =	sdelay $0x3  }
0x37: {  	[smem:$0x3FB9] =	sst s10  }
0x38: {  	s10 =	sld [smem:$0x3FBA]  }
0x39: {  	_ = 	snop;
	(pc) =	sbr.ind lr, $3  }
0x3a: {  	_ = 	snop  }
0x3b: {  	_ = 	snop  }
0x3c: {  	p2 =	seq.s32 s10, $0x1;
	s10 =	sld [smem:$0x3FB9]  }
0x3d: {  	_ =	shalt  }
0x3e: {  	_ =	shalt  }
0x3f: {  	_ =	shalt  }
0x40: {  	_ =	shalt  }
0x41: {  	_ =	shalt  }
0x42: {  	_ =	shalt  }
0x43: {  	_ =	shalt  }
0x44: {  	_ =	shalt  }
0x45: {  	_ =	shalt  }
0x46: {  	_ =	shalt  }
0x47: {  	_ =	shalt  }
0x48: {  	_ =	shalt  }
0x49: {  	_ =	shalt  }
0x4a: {  	_ =	shalt  }
0x4b: {  	_ =	shalt  }
0x4c: {  	_ =	shalt  }
0x4d: {  	_ =	shalt  }
0x4e: {  	_ =	shalt  }
0x4f: {  	_ =	shalt  }
0x50: {  	_ =	shalt  }
0x51: {  	_ =	shalt  }
0x52: {  	_ =	shalt  }
0x53: {  	_ =	shalt  }
0x54: {  	_ =	shalt  }
0x55: {  	_ =	shalt  }
0x56: {  	_ =	shalt  }
0x57: {  	_ =	shalt  }
0x58: {  	_ =	shalt  }
0x59: {  	_ =	shalt  }
0x5a: {  	_ =	shalt  }
0x5b: {  	_ =	shalt  }
0x5c: {  	_ =	shalt  }
0x5d: {  	_ =	shalt  }
0x5e: {  	_ =	shalt  }
0x5f: {  	_ =	shalt  }
0x60: {  	_ =	shalt  }
0x61: {  	_ =	shalt  }
0x62: {  	_ =	shalt  }
0x63: {  	_ =	shalt  }
0x64: {  	_ =	shalt  }
0x65: {  	_ =	shalt  }
0x66: {  	_ =	shalt  }
0x67: {  	_ =	shalt  }
0x68: {  	_ =	shalt  }
0x69: {  	_ =	shalt  }
0x6a: {  	_ =	shalt  }
0x6b: {  	_ =	shalt  }
0x6c: {  	_ =	shalt  }
0x6d: {  	_ =	shalt  }
0x6e: {  	_ =	shalt  }
0x6f: {  	_ =	shalt  }
0x70: {  	_ =	shalt  }
0x71: {  	_ =	shalt  }
0x72: {  	_ =	shalt  }
0x73: {  	_ =	shalt  }
0x74: {  	_ =	shalt  }
0x75: {  	_ =	shalt  }
0x76: {  	_ =	shalt  }
0x77: {  	_ =	shalt  }
0x78: {  	_ =	shalt  }
0x79: {  	_ =	shalt  }
0x7a: {  	_ =	shalt  }
0x7b: {  	_ =	shalt  }
0x7c: {  	_ =	shalt  }
0x7d: {  	_ =	shalt  }
0x7e: {  	_ =	shalt  }
0x7f: {  	_ =	shalt  }
0x80: {  	_ =	shalt  }
0x81: {  	_ =	shalt  }
0x82: {  	_ =	shalt  }
0x83: {  	_ =	shalt  }
0x84: {  	_ =	shalt  }
0x85: {  	_ =	shalt  }
0x86: {  	_ =	shalt  }
0x87: {  	_ =	shalt  }
.Lfunc_end0:
.L_simem_size_0:
called_computation_lowered:
.L_overlay_start_0:
0x88: {  	s2 =	sld [smem:$0x3FD9]  }
0x89: {  	s3 =	sld [smem:$0x3FFE];
	_ =	sdelay $0x1  }
0x8a: {  	s1 =	srdreg.scid  }
0x8b: {  	s0 =	sand.u32 $0x1, s1  }
0x8c: {  	s17 =	sshll.u32 s0, $0xA;
	s2 =	sadd.s32 s3, s2  }
0x8d: {  	s2 =	sadd.s32 s2, s17  }
0x8e: {  	[smem:$0x3FC5] =	sst s2  }
0x8f: {  	_ = 	snop  }
0x90: {  	s2 =	sld [smem:$0x3FC8]  }
0x91: {  	s18 =	sld [smem:$0x3FC7];
	(tm) =	ssettm $0x1  }
0x92: {  	s4 =	sld [smem:$0x3FFB];
	_ =	sdelay $0x3  }
0x93: {  	_ =	strace s4  }
0x94: {  	s4 =	sld [smem:$0x3FFC];
	_ =	sdelay $0x3  }
0x95: {  	_ =	strace s4  }
0x96: {  	s4 =	sld [smem:$0x3FFD];
	_ =	sdelay $0x3  }
0x97: {  	_ =	strace s4  }
0x98: {  	_ =	strace $0x8FFFFFFF  }
0x99: {  	s19 =	sld [smem:$0x3FDB];
	_ =	sdelay $0x1  }
0x9a: {  	s5 =	simm.s32 $_scs_section_size  }
0x9b: {  	s6 =	simm.s32 $_size__tile_overlayer_lowered;
	s7 =	simm.s32 $_tile_overlayer_lowered  }
0x9c: {  	s22 =	simm.s32 $0x1BFF;
	s21 =	sshll.u32 s7, $0x1;
	s4 =	sadd.s32 s5, s19  }
0x9d: {  	s8 =	simm.s32 $0x0;
	s20 =	sshll.u32 s6, $0x1;
	s6 =	sadd.s32 s21, s4  }
0x9e: {  	[timem:s8], [sflag:s22] =	dma.local [hbm:s6], s20  }
0x9f: {  	_ =	swait.ge [sflag:s22], s20  }
0xa0: {  	s5 =	ssub.s32 $0x0, s20;
	[sflag:s22] =	ssyncset.done $0x0  }
0xa1: {  	[sflag:s22] =	ssyncadd.s32 s5;
	_ =	sdelay $0x1  }
0xa2: {  	s23 =	simm.s32 $0x1B8B  }
0xa3: {  	_ =	swait.ge [sflag:s23], $0x1  }
0xa4: {  	[sflag:s23] =	ssyncset.done $0x0  }
0xa5: {  	s25 =	simm.s32 $0x1B8E;
	s24 =	sld [smem:$0x3FFE];
	[sflag:s23] =	ssyncadd.s32 $0xFFFFFFFF  }
0xa6: {  	s26 =	simm.s32 $execute0_lowered;
	[smem:$0x3FD2] =	sst s25  }
0xa7: {  	s6 =	sshll.u32 s26, $0x1;
	_ =	strace $0x80000046;
	[dreg:$0x1] =	wrdreg $0xFFFFFFFF  }
0xa8: {  	s28 =	simm.s32 $_size_execute0_lowered;
	s4 =	sadd.s32 s4, s6;
	[dreg:$0x0] =	wrdreg $0x0  }
0xa9: {  	s6 =	sshll.u32 s28, $0x1;
	[dreg:$0x2] =	wrdreg s4  }
0xaa: {  	[dreg:$0x3] =	wrdreg s6  }
0xab: {  	[dreg:$0x4] =	wrdreg $0xC0  }
0xac: {  	_ =	task [dreg:s8], $0x5FFFF  }
0xad: {  	[dreg:$0x1] =	wrdreg $0xFFFFFFFF  }
0xae: {  	[dreg:$0x0] =	wrdreg $0x60  }
0xaf: {  	[dreg:$0x2] =	wrdreg s24  }
0xb0: {  	[dreg:$0x3] =	wrdreg s2  }
0xb1: {  	[dreg:$0x4] =	wrdreg s18  }
0xb2: {  	[dreg:$0x5] =	wrdreg $0x9  }
0xb3: {  	_ =	task.clear_ibuf [dreg:s8], $0x6FFFF;
	_ =	strace $0x90000046  }
0xb4: {  	s29 =	simm.s32 $0x9;
	_ =	strace $0x80000048  }
0xb5: {  	_ =	swait.ge [sflag:s29], $0x1  }
0xb6: {  	[sflag:s29] =	ssyncadd.s32 $0xFFFFFFFF  }
0xb7: {  	_ =	strace $0x90000048  }
0xb8: {  	_ =	sfence  }
0xb9: {  	s30 =	sld [smem:$0x0];
	_ =	sdelay $0x2  }
0xba: {  	s31 =	sshll.u32 s1, $0xD;
	s1 =	sshrl.u32 s1, $0x2  }
0xbb: {  	s3 =	sand.u32 $0x4000, s31;
	s1 =	sadd.s32 s1, s30  }
0xbc: {  	s0 =	sor.u32 s3, s0;
	s1 =	sshll.u32 s1, $0x11  }
0xbd: {  	s0 =	sor.u32 s1, s0  }
0xbe: {  	s0 =	sadd.s32 $0x8F2B, s0  }
0xbf: {  	[sflag:s0] =	ssyncadd.remote.s32 $0x1  }
0xc0: {  	_ =	sfence.sel $0xFFFF  }
0xc1: {  	[dreg:$0x0] =	wrdreg $0xFFFFFFFF;
	(pc) =	sbr.abs _section_cstart, $3  }
0xc2: {  	[dreg:$0x1] =	wrdreg $0xFFFFFFFF  }
0xc3: {  	_ =	task.clear_ibuf [dreg:s8], $0x2FFFF;
	_ =	strace $0x9FFFFFFF  }
0xc4: {  	(tm) =	ssettm $0x7FFFFFFF  }
0xc5: {  	_ =	shalt  }
tec
execute0_lowered:
.L_overlay_start_1:
0x0: {  	(tag) =	ssettag $0x1  }
0x1: {  	s0 =	rddreg [dreg:$0x0]  }
0x2: {  	s1 =	rddreg [dreg:$0x2];
	s3 =	simm.s32 $0x0;
	s2 =	srdreg.scid  }
0x3: {  	s6 =	stileid.u32;
	s30 =	simm.s32 $0x80;
	s31 =	simm.s32 $0x400  }
0x4: {  	[smem:$0x7FF] =	sst s3;
	s2 =	sand.u32 $0x1, s2;
	s26 =	sadd.s32 $0x400, s0  }
0x5: {  	s5 =	sshll.u32 s6, $0x11;
	s6 =	smul.u32 $0xC3800, s6;
	s0 =	sadd.s32 $0x187400, s0  }
0x6: {  	s15 =	sadd.s32 $0x1000, s1;
	s16 =	sadd.s32 $0x2000, s1;
	s17 =	sadd.s32 $0x3000, s1  }
0x7: {  	s3 =	simm.s32 $0x1D700;
	s4 =	ssub.s32 $0x2, s2;
	s2 =	sshll.u32 s2, $0x9  }
0x8: {  	s7 =	sshrl.u32 s4, $0x1;
	s8 =	sor.u32 s2, s5;
	s12 =	sor.u32 s2, s6  }
0x9: {  	s14 =	sor.u32 $0x80, s2;
	s4 =	ssub.s32 s4, s7;
	s11 =	sshrl.u32 s8, $0x3  }
0xa: {  	s19 =	sshrl.u32 s12, $0x3;
	s20 =	sor.u32 s5, s14;
	s9 =	sadd.s32 s1, s11  }
0xb: {  	s13 =	sadd.s32 s11, s15;
	s18 =	sadd.s32 s11, s16;
	[dreg:$0x4] =	wrdreg s9  }
0xc: {  	s7 =	sadd.s32 s11, s17;
	s11 =	sor.u32 $0x100, s2;
	[dreg:$0x5] =	wrdreg s13  }
0xd: {  	s2 =	sor.u32 $0x180, s2;
	s29 =	smax.u32 s4, $0x1;
	[dreg:$0x6] =	wrdreg s18  }
0xe: {  	s4 =	simm.s32 $0x2;
	[dreg:$0x7] =	wrdreg s7;
	s9 =	sshrl.u32 s20, $0x3  }
0xf: {  	s20 =	sor.u32 s6, s14;
	s10 =	sor.u32 s5, s11;
	s5 =	sor.u32 s5, s2  }
0x10: {  	s2 =	sor.u32 s6, s2;
	s18 =	sadd.s32 s26, s19;
	s19 =	sadd.s32 s0, s19  }
0x11: {  	s21 =	sadd.s32 s1, s9;
	s22 =	sadd.s32 s9, s15;
	s8 =	sadd.s32 s9, s16  }
0x12: {  	s13 =	sshrl.u32 s10, $0x3;
	s9 =	sadd.s32 s9, s17;
	s5 =	sshrl.u32 s5, $0x3  }
0x13: {  	s23 =	sshrl.u32 s20, $0x3;
	s25 =	sshrl.u32 s2, $0x3;
	[dreg:$0x8] =	wrdreg s21  }
0x14: {  	s2 =	simm.s32 $0x1;
	[dreg:$0x9] =	wrdreg s22;
	s10 =	sadd.s32 s1, s13  }
0x15: {  	s21 =	sor.u32 s6, s11;
	s11 =	sadd.s32 s13, s15;
	s12 =	sadd.s32 s13, s16  }
0x16: {  	s13 =	sadd.s32 s13, s17;
	s14 =	sadd.s32 s1, s5;
	s15 =	sadd.s32 s5, s15  }
0x17: {  	s16 =	sadd.s32 s5, s16;
	s17 =	sadd.s32 s5, s17;
	s20 =	sadd.s32 s26, s23  }
0x18: {  	s28 =	sadd.s32 s0, s25;
	s22 =	simm.s32 $0x1C700;
	s1 =	simm.s32 $0x4000  }
0x19: {  	s5 =	simm.s32 $0x0;
	s24 =	sshrl.u32 s21, $0x3;
	s21 =	sadd.s32 s0, s23  }
0x1a: {  	_ =	strace $0x80000047;
	s23 =	sadd.s32 s26, s24;
	s24 =	sadd.s32 s0, s24  }
0x1b: {  	s26 =	sadd.s32 s26, s25;
	s0 =	simm.s32 $0x4;
	s25 =	simm.s32 $0x3  }
.LBB2_1:
0x1c: {  	s6 =	simm.s32 $0x0;
	s7 =	rddreg [dreg:$0x1]  }
0x1d: {  	[tilespmem:s6], [sflag:$0x3] =	stream.linear.gather [hbm4b:s7+s6], $0x4000, $0x38;
	[tilespmem:$0x1E700] =	vst v63  }
0x1e: {  	s7 =	rddreg [dreg:$0x4]  }
0x1f: {  	[tilespmem:s22], [sflag:$0x1] =	stream.strided.gather [hbm4b:s7+s30], $0x1000, s31, s30, $0x38;
	[tilespmem:$0x1E700] =	vst v63  }
0x20: {  	_ = 	snop  }
0x21: {  	[tilespmem:s1], [sflag:$0x4] =	stream.strided.gather [hbm4b:s18+s30], $0x18700, s31, s30, $0x38;
	[tilespmem:$0x1E700] =	vst v63  }
0x22: {  	_ =	swait.ge [sflag:s0], $0x18700  }
0x23: {  	[sflag:s0] =	ssyncset.done $0x0  }
0x24: {  	[sflag:s0] =	ssyncadd.s32 $0xFFFE7900  }
0x25: {  	_ =	swait.ge [sflag:s25], $0x4000  }
0x26: {  	[sflag:s25] =	ssyncset.done $0x0  }
0x27: {  	[sflag:s25] =	ssyncadd.s32 $0xFFFFC000  }
0x28: {  	_ =	swait.ge [sflag:s2], $0x1000  }
0x29: {  	[sflag:s2] =	ssyncset.done $0x0  }
0x2a: {  	s6 =	simm.s32 $0x0;
	s7 =	rddreg [dreg:$0x5];
	[sflag:s2] =	ssyncadd.s32 $0xFFFFF000  }
0x2b: {  	[tilespmem:s3], [sflag:$0x2] =	stream.strided.gather [hbm4b:s7+s30], $0x1000, s31, s30, $0x38;
	[tilespmem:$0x1E700] =	vst v63  }
.LBB2_2:
0x2c: {  	s7 =	sshra.s32 s6, $0x2  }
0x2d: {  	v0 =	vld [tilespmem:s7+$0x0];
	_ =	sdelay $0x2  }
0x2e: {  	v1 =	vld [tilespmem:s7+$0x1C700];
	_ =	sdelay $0x4  }
0x2f: {  	[tilespmem:v0+s1+$0x0] =	vst.idx.add.f32.msk $0xffff, v1  }
0x30: {  	v0 =	vld [tilespmem:s7+$0x10];
	_ =	sdelay $0x2  }
0x31: {  	v1 =	vld [tilespmem:s7+$0x1C710];
	_ =	sdelay $0x4  }
0x32: {  	[tilespmem:v0+s1+$0x0] =	vst.idx.add.f32.msk $0xffff, v1  }
0x33: {  	v0 =	vld [tilespmem:s7+$0x20];
	_ =	sdelay $0x2  }
0x34: {  	v1 =	vld [tilespmem:s7+$0x1C720];
	_ =	sdelay $0x4  }
0x35: {  	[tilespmem:v0+s1+$0x0] =	vst.idx.add.f32.msk $0xffff, v1  }
0x36: {  	v0 =	vld [tilespmem:s7+$0x30];
	_ =	sdelay $0x2  }
0x37: {  	v1 =	vld [tilespmem:s7+$0x1C730];
	_ =	sdelay $0x4  }
0x38: {  	[tilespmem:v0+s1+$0x0] =	vst.idx.add.f32.msk $0xffff, v1  }
0x39: {  	v0 =	vld [tilespmem:s7+$0x40];
	_ =	sdelay $0x2  }
0x3a: {  	v1 =	vld [tilespmem:s7+$0x1C740];
	_ =	sdelay $0x4  }
0x3b: {  	[tilespmem:v0+s1+$0x0] =	vst.idx.add.f32.msk $0xffff, v1  }
0x3c: {  	v0 =	vld [tilespmem:s7+$0x50];
	_ =	sdelay $0x2  }
0x3d: {  	v1 =	vld [tilespmem:s7+$0x1C750];
	_ =	sdelay $0x4  }
0x3e: {  	[tilespmem:v0+s1+$0x0] =	vst.idx.add.f32.msk $0xffff, v1  }
0x3f: {  	v0 =	vld [tilespmem:s7+$0x60];
	_ =	sdelay $0x2  }
0x40: {  	v1 =	vld [tilespmem:s7+$0x1C760];
	_ =	sdelay $0x4  }
0x41: {  	[tilespmem:v0+s1+$0x0] =	vst.idx.add.f32.msk $0xffff, v1  }
0x42: {  	v0 =	vld [tilespmem:s7+$0x70];
	_ =	sdelay $0x2  }
0x43: {  	p0 =	sne.s32 s6, $0x3E00;
	v1 =	vld [tilespmem:s7+$0x1C770]  }
.Ltmp0:
0x44: {  	_ = 	snop;
	(pc) =	sbr.rel @p0 .LBB2_2-.Ltmp0, $2  }
0x45: {  	_ =	sdelay $0x2  }
0x46: {  	s6 =	sadd.s32 $0x200, s6;
	[tilespmem:v0+s1+$0x0] =	vst.idx.add.f32.msk $0xffff, v1  }
0x47: {  	_ =	swait.ge [sflag:s4], $0x1000  }
0x48: {  	[sflag:s4] =	ssyncset.done $0x0  }
0x49: {  	s6 =	rddreg [dreg:$0x6];
	[sflag:s4] =	ssyncadd.s32 $0xFFFFF000  }
0x4a: {  	[tilespmem:s22], [sflag:$0x1] =	stream.strided.gather [hbm4b:s6+s30], $0x1000, s31, s30, $0x38;
	[tilespmem:$0x1E700] =	vst v63  }
0x4b: {  	s6 =	simm.s32 $0x0  }
.LBB2_4:
0x4c: {  	s7 =	sshra.s32 s6, $0x2  }
0x4d: {  	v0 =	vld [tilespmem:s7+$0x1000];
	_ =	sdelay $0x2  }
0x4e: {  	v1 =	vld [tilespmem:s7+$0x1D700];
	_ =	sdelay $0x4  }
0x4f: {  	[tilespmem:v0+s1+$0x0] =	vst.idx.add.f32.msk $0xffff, v1  }
0x50: {  	v0 =	vld [tilespmem:s7+$0x1010];
	_ =	sdelay $0x2  }
0x51: {  	v1 =	vld [tilespmem:s7+$0x1D710];
	_ =	sdelay $0x4  }
0x52: {  	[tilespmem:v0+s1+$0x0] =	vst.idx.add.f32.msk $0xffff, v1  }
0x53: {  	v0 =	vld [tilespmem:s7+$0x1020];
	_ =	sdelay $0x2  }
0x54: {  	v1 =	vld [tilespmem:s7+$0x1D720];
	_ =	sdelay $0x4  }
0x55: {  	[tilespmem:v0+s1+$0x0] =	vst.idx.add.f32.msk $0xffff, v1  }
0x56: {  	v0 =	vld [tilespmem:s7+$0x1030];
	_ =	sdelay $0x2  }
0x57: {  	v1 =	vld [tilespmem:s7+$0x1D730];
	_ =	sdelay $0x4  }
0x58: {  	[tilespmem:v0+s1+$0x0] =	vst.idx.add.f32.msk $0xffff, v1  }
0x59: {  	v0 =	vld [tilespmem:s7+$0x1040];
	_ =	sdelay $0x2  }
0x5a: {  	v1 =	vld [tilespmem:s7+$0x1D740];
	_ =	sdelay $0x4  }
0x5b: {  	[tilespmem:v0+s1+$0x0] =	vst.idx.add.f32.msk $0xffff, v1  }
0x5c: {  	v0 =	vld [tilespmem:s7+$0x1050];
	_ =	sdelay $0x2  }
0x5d: {  	v1 =	vld [tilespmem:s7+$0x1D750];
	_ =	sdelay $0x4  }
0x5e: {  	[tilespmem:v0+s1+$0x0] =	vst.idx.add.f32.msk $0xffff, v1  }
0x5f: {  	v0 =	vld [tilespmem:s7+$0x1060];
	_ =	sdelay $0x2  }
0x60: {  	v1 =	vld [tilespmem:s7+$0x1D760];
	_ =	sdelay $0x4  }
0x61: {  	[tilespmem:v0+s1+$0x0] =	vst.idx.add.f32.msk $0xffff, v1  }
0x62: {  	v0 =	vld [tilespmem:s7+$0x1070];
	_ =	sdelay $0x2  }
0x63: {  	p0 =	sne.s32 s6, $0x3E00;
	v1 =	vld [tilespmem:s7+$0x1D770]  }
.Ltmp1:
0x64: {  	_ = 	snop;
	(pc) =	sbr.rel @p0 .LBB2_4-.Ltmp1, $2  }
0x65: {  	_ =	sdelay $0x2  }
0x66: {  	s6 =	sadd.s32 $0x200, s6;
	[tilespmem:v0+s1+$0x0] =	vst.idx.add.f32.msk $0xffff, v1  }
0x67: {  	_ =	swait.ge [sflag:s2], $0x1000  }
0x68: {  	[sflag:s2] =	ssyncset.done $0x0  }
0x69: {  	s6 =	rddreg [dreg:$0x7];
	[sflag:s2] =	ssyncadd.s32 $0xFFFFF000  }
0x6a: {  	[tilespmem:s3], [sflag:$0x2] =	stream.strided.gather [hbm4b:s6+s30], $0x1000, s31, s30, $0x38;
	[tilespmem:$0x1E700] =	vst v63  }
0x6b: {  	s6 =	simm.s32 $0x0  }
.LBB2_6:
0x6c: {  	s7 =	sshra.s32 s6, $0x2  }
0x6d: {  	v0 =	vld [tilespmem:s7+$0x2000];
	_ =	sdelay $0x2  }
0x6e: {  	v1 =	vld [tilespmem:s7+$0x1C700];
	_ =	sdelay $0x4  }
0x6f: {  	[tilespmem:v0+s1+$0x0] =	vst.idx.add.f32.msk $0xffff, v1  }
0x70: {  	v0 =	vld [tilespmem:s7+$0x2010];
	_ =	sdelay $0x2  }
0x71: {  	v1 =	vld [tilespmem:s7+$0x1C710];
	_ =	sdelay $0x4  }
0x72: {  	[tilespmem:v0+s1+$0x0] =	vst.idx.add.f32.msk $0xffff, v1  }
0x73: {  	v0 =	vld [tilespmem:s7+$0x2020];
	_ =	sdelay $0x2  }
0x74: {  	v1 =	vld [tilespmem:s7+$0x1C720];
	_ =	sdelay $0x4  }
0x75: {  	[tilespmem:v0+s1+$0x0] =	vst.idx.add.f32.msk $0xffff, v1  }
0x76: {  	v0 =	vld [tilespmem:s7+$0x2030];
	_ =	sdelay $0x2  }
0x77: {  	v1 =	vld [tilespmem:s7+$0x1C730];
	_ =	sdelay $0x4  }
0x78: {  	[tilespmem:v0+s1+$0x0] =	vst.idx.add.f32.msk $0xffff, v1  }
0x79: {  	v0 =	vld [tilespmem:s7+$0x2040];
	_ =	sdelay $0x2  }
0x7a: {  	v1 =	vld [tilespmem:s7+$0x1C740];
	_ =	sdelay $0x4  }
0x7b: {  	[tilespmem:v0+s1+$0x0] =	vst.idx.add.f32.msk $0xffff, v1  }
0x7c: {  	v0 =	vld [tilespmem:s7+$0x2050];
	_ =	sdelay $0x2  }
0x7d: {  	v1 =	vld [tilespmem:s7+$0x1C750];
	_ =	sdelay $0x4  }
0x7e: {  	[tilespmem:v0+s1+$0x0] =	vst.idx.add.f32.msk $0xffff, v1  }
0x7f: {  	v0 =	vld [tilespmem:s7+$0x2060];
	_ =	sdelay $0x2  }
0x80: {  	v1 =	vld [tilespmem:s7+$0x1C760];
	_ =	sdelay $0x4  }
0x81: {  	[tilespmem:v0+s1+$0x0] =	vst.idx.add.f32.msk $0xffff, v1  }
0x82: {  	v0 =	vld [tilespmem:s7+$0x2070];
	_ =	sdelay $0x2  }
0x83: {  	p0 =	sne.s32 s6, $0x3E00;
	v1 =	vld [tilespmem:s7+$0x1C770]  }
.Ltmp2:
0x84: {  	_ = 	snop;
	(pc) =	sbr.rel @p0 .LBB2_6-.Ltmp2, $2  }
0x85: {  	_ =	sdelay $0x2  }
0x86: {  	s6 =	sadd.s32 $0x200, s6;
	[tilespmem:v0+s1+$0x0] =	vst.idx.add.f32.msk $0xffff, v1  }
0x87: {  	_ =	swait.ge [sflag:s4], $0x1000  }
0x88: {  	[sflag:s4] =	ssyncset.done $0x0  }
0x89: {  	s6 =	simm.s32 $0x0;
	[sflag:s4] =	ssyncadd.s32 $0xFFFFF000  }
.LBB2_8:
0x8a: {  	s7 =	sshra.s32 s6, $0x2  }
0x8b: {  	v0 =	vld [tilespmem:s7+$0x3000];
	_ =	sdelay $0x2  }
0x8c: {  	v1 =	vld [tilespmem:s7+$0x1D700];
	_ =	sdelay $0x4  }
0x8d: {  	[tilespmem:v0+s1+$0x0] =	vst.idx.add.f32.msk $0xffff, v1  }
0x8e: {  	v0 =	vld [tilespmem:s7+$0x3010];
	_ =	sdelay $0x2  }
0x8f: {  	v1 =	vld [tilespmem:s7+$0x1D710];
	_ =	sdelay $0x4  }
0x90: {  	[tilespmem:v0+s1+$0x0] =	vst.idx.add.f32.msk $0xffff, v1  }
0x91: {  	v0 =	vld [tilespmem:s7+$0x3020];
	_ =	sdelay $0x2  }
0x92: {  	v1 =	vld [tilespmem:s7+$0x1D720];
	_ =	sdelay $0x4  }
0x93: {  	[tilespmem:v0+s1+$0x0] =	vst.idx.add.f32.msk $0xffff, v1  }
0x94: {  	v0 =	vld [tilespmem:s7+$0x3030];
	_ =	sdelay $0x2  }
0x95: {  	v1 =	vld [tilespmem:s7+$0x1D730];
	_ =	sdelay $0x4  }
0x96: {  	[tilespmem:v0+s1+$0x0] =	vst.idx.add.f32.msk $0xffff, v1  }
0x97: {  	v0 =	vld [tilespmem:s7+$0x3040];
	_ =	sdelay $0x2  }
0x98: {  	v1 =	vld [tilespmem:s7+$0x1D740];
	_ =	sdelay $0x4  }
0x99: {  	[tilespmem:v0+s1+$0x0] =	vst.idx.add.f32.msk $0xffff, v1  }
0x9a: {  	v0 =	vld [tilespmem:s7+$0x3050];
	_ =	sdelay $0x2  }
0x9b: {  	v1 =	vld [tilespmem:s7+$0x1D750];
	_ =	sdelay $0x4  }
0x9c: {  	[tilespmem:v0+s1+$0x0] =	vst.idx.add.f32.msk $0xffff, v1  }
0x9d: {  	v0 =	vld [tilespmem:s7+$0x3060];
	_ =	sdelay $0x2  }
0x9e: {  	v1 =	vld [tilespmem:s7+$0x1D760];
	_ =	sdelay $0x4  }
0x9f: {  	[tilespmem:v0+s1+$0x0] =	vst.idx.add.f32.msk $0xffff, v1  }
0xa0: {  	v0 =	vld [tilespmem:s7+$0x3070];
	_ =	sdelay $0x2  }
0xa1: {  	p0 =	sne.s32 s6, $0x3E00;
	v1 =	vld [tilespmem:s7+$0x1D770]  }
.Ltmp3:
0xa2: {  	_ = 	snop;
	(pc) =	sbr.rel @p0 .LBB2_8-.Ltmp3, $2  }
0xa3: {  	_ =	sdelay $0x2  }
0xa4: {  	s6 =	sadd.s32 $0x200, s6;
	[tilespmem:v0+s1+$0x0] =	vst.idx.add.f32.msk $0xffff, v1  }
0xa5: {  	[hbm4b:s19+s30] =	stream.strided.scatter [tilespmem:s1], [sflag:$0x4], $0x18700, s31, s30, $0x38;
	[tilespmem:$0x1E700] =	vst v63  }
0xa6: {  	_ =	swait.ge [sflag:s0], $0x18700  }
0xa7: {  	[sflag:s0] =	ssyncset.done $0x0  }
0xa8: {  	s6 =	rddreg [dreg:$0x8];
	[sflag:s0] =	ssyncadd.s32 $0xFFFE7900  }
0xa9: {  	[tilespmem:s22], [sflag:$0x1] =	stream.strided.gather [hbm4b:s6+s30], $0x1000, s31, s30, $0x38;
	[tilespmem:$0x1E700] =	vst v63  }
0xaa: {  	_ = 	snop  }
0xab: {  	[tilespmem:s1], [sflag:$0x4] =	stream.strided.gather [hbm4b:s20+s30], $0x18700, s31, s30, $0x38;
	[tilespmem:$0x1E700] =	vst v63  }
0xac: {  	_ =	swait.ge [sflag:s0], $0x18700  }
0xad: {  	[sflag:s0] =	ssyncset.done $0x0  }
0xae: {  	[sflag:s0] =	ssyncadd.s32 $0xFFFE7900  }
0xaf: {  	_ =	swait.ge [sflag:s2], $0x1000  }
0xb0: {  	[sflag:s2] =	ssyncset.done $0x0  }
0xb1: {  	s6 =	simm.s32 $0x0;
	s7 =	rddreg [dreg:$0x9];
	[sflag:s2] =	ssyncadd.s32 $0xFFFFF000  }
0xb2: {  	[tilespmem:s3], [sflag:$0x2] =	stream.strided.gather [hbm4b:s7+s30], $0x1000, s31, s30, $0x38;
	[tilespmem:$0x1E700] =	vst v63  }
.LBB2_10:
0xb3: {  	s7 =	sshra.s32 s6, $0x2  }
0xb4: {  	v0 =	vld [tilespmem:s7+$0x0];
	_ =	sdelay $0x2  }
0xb5: {  	v1 =	vld [tilespmem:s7+$0x1C700];
	_ =	sdelay $0x4  }
0xb6: {  	[tilespmem:v0+s1+$0x0] =	vst.idx.add.f32.msk $0xffff, v1  }
0xb7: {  	v0 =	vld [tilespmem:s7+$0x10];
	_ =	sdelay $0x2  }
0xb8: {  	v1 =	vld [tilespmem:s7+$0x1C710];
	_ =	sdelay $0x4  }
0xb9: {  	[tilespmem:v0+s1+$0x0] =	vst.idx.add.f32.msk $0xffff, v1  }
0xba: {  	v0 =	vld [tilespmem:s7+$0x20];
	_ =	sdelay $0x2  }
0xbb: {  	v1 =	vld [tilespmem:s7+$0x1C720];
	_ =	sdelay $0x4  }
0xbc: {  	[tilespmem:v0+s1+$0x0] =	vst.idx.add.f32.msk $0xffff, v1  }
0xbd: {  	v0 =	vld [tilespmem:s7+$0x30];
	_ =	sdelay $0x2  }
0xbe: {  	v1 =	vld [tilespmem:s7+$0x1C730];
	_ =	sdelay $0x4  }
0xbf: {  	[tilespmem:v0+s1+$0x0] =	vst.idx.add.f32.msk $0xffff, v1  }
0xc0: {  	v0 =	vld [tilespmem:s7+$0x40];
	_ =	sdelay $0x2  }
0xc1: {  	v1 =	vld [tilespmem:s7+$0x1C740];
	_ =	sdelay $0x4  }
0xc2: {  	[tilespmem:v0+s1+$0x0] =	vst.idx.add.f32.msk $0xffff, v1  }
0xc3: {  	v0 =	vld [tilespmem:s7+$0x50];
	_ =	sdelay $0x2  }
0xc4: {  	v1 =	vld [tilespmem:s7+$0x1C750];
	_ =	sdelay $0x4  }
0xc5: {  	[tilespmem:v0+s1+$0x0] =	vst.idx.add.f32.msk $0xffff, v1  }
0xc6: {  	v0 =	vld [tilespmem:s7+$0x60];
	_ =	sdelay $0x2  }
0xc7: {  	v1 =	vld [tilespmem:s7+$0x1C760];
	_ =	sdelay $0x4  }
0xc8: {  	[tilespmem:v0+s1+$0x0] =	vst.idx.add.f32.msk $0xffff, v1  }
0xc9: {  	v0 =	vld [tilespmem:s7+$0x70];
	_ =	sdelay $0x2  }
0xca: {  	p0 =	sne.s32 s6, $0x3E00;
	v1 =	vld [tilespmem:s7+$0x1C770]  }
.Ltmp4:
0xcb: {  	_ = 	snop;
	(pc) =	sbr.rel @p0 .LBB2_10-.Ltmp4, $2  }
0xcc: {  	_ =	sdelay $0x2  }
0xcd: {  	s6 =	sadd.s32 $0x200, s6;
	[tilespmem:v0+s1+$0x0] =	vst.idx.add.f32.msk $0xffff, v1  }
0xce: {  	_ =	swait.ge [sflag:s4], $0x1000  }
0xcf: {  	[sflag:s4] =	ssyncset.done $0x0  }
0xd0: {  	s6 =	simm.s32 $0x0;
	[sflag:s4] =	ssyncadd.s32 $0xFFFFF000  }
0xd1: {  	[tilespmem:s22], [sflag:$0x1] =	stream.strided.gather [hbm4b:s8+s30], $0x1000, s31, s30, $0x38;
	[tilespmem:$0x1E700] =	vst v63  }
.LBB2_12:
0xd2: {  	s7 =	sshra.s32 s6, $0x2  }
0xd3: {  	v0 =	vld [tilespmem:s7+$0x1000];
	_ =	sdelay $0x2  }
0xd4: {  	v1 =	vld [tilespmem:s7+$0x1D700];
	_ =	sdelay $0x4  }
0xd5: {  	[tilespmem:v0+s1+$0x0] =	vst.idx.add.f32.msk $0xffff, v1  }
0xd6: {  	v0 =	vld [tilespmem:s7+$0x1010];
	_ =	sdelay $0x2  }
0xd7: {  	v1 =	vld [tilespmem:s7+$0x1D710];
	_ =	sdelay $0x4  }
0xd8: {  	[tilespmem:v0+s1+$0x0] =	vst.idx.add.f32.msk $0xffff, v1  }
0xd9: {  	v0 =	vld [tilespmem:s7+$0x1020];
	_ =	sdelay $0x2  }
0xda: {  	v1 =	vld [tilespmem:s7+$0x1D720];
	_ =	sdelay $0x4  }
0xdb: {  	[tilespmem:v0+s1+$0x0] =	vst.idx.add.f32.msk $0xffff, v1  }
0xdc: {  	v0 =	vld [tilespmem:s7+$0x1030];
	_ =	sdelay $0x2  }
0xdd: {  	v1 =	vld [tilespmem:s7+$0x1D730];
	_ =	sdelay $0x4  }
0xde: {  	[tilespmem:v0+s1+$0x0] =	vst.idx.add.f32.msk $0xffff, v1  }
0xdf: {  	v0 =	vld [tilespmem:s7+$0x1040];
	_ =	sdelay $0x2  }
0xe0: {  	v1 =	vld [tilespmem:s7+$0x1D740];
	_ =	sdelay $0x4  }
0xe1: {  	[tilespmem:v0+s1+$0x0] =	vst.idx.add.f32.msk $0xffff, v1  }
0xe2: {  	v0 =	vld [tilespmem:s7+$0x1050];
	_ =	sdelay $0x2  }
0xe3: {  	v1 =	vld [tilespmem:s7+$0x1D750];
	_ =	sdelay $0x4  }
0xe4: {  	[tilespmem:v0+s1+$0x0] =	vst.idx.add.f32.msk $0xffff, v1  }
0xe5: {  	v0 =	vld [tilespmem:s7+$0x1060];
	_ =	sdelay $0x2  }
0xe6: {  	v1 =	vld [tilespmem:s7+$0x1D760];
	_ =	sdelay $0x4  }
0xe7: {  	[tilespmem:v0+s1+$0x0] =	vst.idx.add.f32.msk $0xffff, v1  }
0xe8: {  	v0 =	vld [tilespmem:s7+$0x1070];
	_ =	sdelay $0x2  }
0xe9: {  	p0 =	sne.s32 s6, $0x3E00;
	v1 =	vld [tilespmem:s7+$0x1D770]  }
.Ltmp5:
0xea: {  	_ = 	snop;
	(pc) =	sbr.rel @p0 .LBB2_12-.Ltmp5, $2  }
0xeb: {  	_ =	sdelay $0x2  }
0xec: {  	s6 =	sadd.s32 $0x200, s6;
	[tilespmem:v0+s1+$0x0] =	vst.idx.add.f32.msk $0xffff, v1  }
0xed: {  	_ =	swait.ge [sflag:s2], $0x1000  }
0xee: {  	[sflag:s2] =	ssyncset.done $0x0  }
0xef: {  	s6 =	simm.s32 $0x0;
	[sflag:s2] =	ssyncadd.s32 $0xFFFFF000  }
0xf0: {  	[tilespmem:s3], [sflag:$0x2] =	stream.strided.gather [hbm4b:s9+s30], $0x1000, s31, s30, $0x38;
	[tilespmem:$0x1E700] =	vst v63  }
.LBB2_14:
0xf1: {  	s7 =	sshra.s32 s6, $0x2  }
0xf2: {  	v0 =	vld [tilespmem:s7+$0x2000];
	_ =	sdelay $0x2  }
0xf3: {  	v1 =	vld [tilespmem:s7+$0x1C700];
	_ =	sdelay $0x4  }
0xf4: {  	[tilespmem:v0+s1+$0x0] =	vst.idx.add.f32.msk $0xffff, v1  }
0xf5: {  	v0 =	vld [tilespmem:s7+$0x2010];
	_ =	sdelay $0x2  }
0xf6: {  	v1 =	vld [tilespmem:s7+$0x1C710];
	_ =	sdelay $0x4  }
0xf7: {  	[tilespmem:v0+s1+$0x0] =	vst.idx.add.f32.msk $0xffff, v1  }
0xf8: {  	v0 =	vld [tilespmem:s7+$0x2020];
	_ =	sdelay $0x2  }
0xf9: {  	v1 =	vld [tilespmem:s7+$0x1C720];
	_ =	sdelay $0x4  }
0xfa: {  	[tilespmem:v0+s1+$0x0] =	vst.idx.add.f32.msk $0xffff, v1  }
0xfb: {  	v0 =	vld [tilespmem:s7+$0x2030];
	_ =	sdelay $0x2  }
0xfc: {  	v1 =	vld [tilespmem:s7+$0x1C730];
	_ =	sdelay $0x4  }
0xfd: {  	[tilespmem:v0+s1+$0x0] =	vst.idx.add.f32.msk $0xffff, v1  }
0xfe: {  	v0 =	vld [tilespmem:s7+$0x2040];
	_ =	sdelay $0x2  }
0xff: {  	v1 =	vld [tilespmem:s7+$0x1C740];
	_ =	sdelay $0x4  }
0x100: {  	[tilespmem:v0+s1+$0x0] =	vst.idx.add.f32.msk $0xffff, v1  }
0x101: {  	v0 =	vld [tilespmem:s7+$0x2050];
	_ =	sdelay $0x2  }
0x102: {  	v1 =	vld [tilespmem:s7+$0x1C750];
	_ =	sdelay $0x4  }
0x103: {  	[tilespmem:v0+s1+$0x0] =	vst.idx.add.f32.msk $0xffff, v1  }
0x104: {  	v0 =	vld [tilespmem:s7+$0x2060];
	_ =	sdelay $0x2  }
0x105: {  	v1 =	vld [tilespmem:s7+$0x1C760];
	_ =	sdelay $0x4  }
0x106: {  	[tilespmem:v0+s1+$0x0] =	vst.idx.add.f32.msk $0xffff, v1  }
0x107: {  	v0 =	vld [tilespmem:s7+$0x2070];
	_ =	sdelay $0x2  }
0x108: {  	p0 =	sne.s32 s6, $0x3E00;
	v1 =	vld [tilespmem:s7+$0x1C770]  }
.Ltmp6:
0x109: {  	_ = 	snop;
	(pc) =	sbr.rel @p0 .LBB2_14-.Ltmp6, $2  }
0x10a: {  	_ =	sdelay $0x2  }
0x10b: {  	s6 =	sadd.s32 $0x200, s6;
	[tilespmem:v0+s1+$0x0] =	vst.idx.add.f32.msk $0xffff, v1  }
0x10c: {  	_ =	swait.ge [sflag:s4], $0x1000  }
0x10d: {  	[sflag:s4] =	ssyncset.done $0x0  }
0x10e: {  	s6 =	simm.s32 $0x0;
	[sflag:s4] =	ssyncadd.s32 $0xFFFFF000  }
.LBB2_16:
0x10f: {  	s7 =	sshra.s32 s6, $0x2  }
0x110: {  	v0 =	vld [tilespmem:s7+$0x3000];
	_ =	sdelay $0x2  }
0x111: {  	v1 =	vld [tilespmem:s7+$0x1D700];
	_ =	sdelay $0x4  }
0x112: {  	[tilespmem:v0+s1+$0x0] =	vst.idx.add.f32.msk $0xffff, v1  }
0x113: {  	v0 =	vld [tilespmem:s7+$0x3010];
	_ =	sdelay $0x2  }
0x114: {  	v1 =	vld [tilespmem:s7+$0x1D710];
	_ =	sdelay $0x4  }
0x115: {  	[tilespmem:v0+s1+$0x0] =	vst.idx.add.f32.msk $0xffff, v1  }
0x116: {  	v0 =	vld [tilespmem:s7+$0x3020];
	_ =	sdelay $0x2  }
0x117: {  	v1 =	vld [tilespmem:s7+$0x1D720];
	_ =	sdelay $0x4  }
0x118: {  	[tilespmem:v0+s1+$0x0] =	vst.idx.add.f32.msk $0xffff, v1  }
0x119: {  	v0 =	vld [tilespmem:s7+$0x3030];
	_ =	sdelay $0x2  }
0x11a: {  	v1 =	vld [tilespmem:s7+$0x1D730];
	_ =	sdelay $0x4  }
0x11b: {  	[tilespmem:v0+s1+$0x0] =	vst.idx.add.f32.msk $0xffff, v1  }
0x11c: {  	v0 =	vld [tilespmem:s7+$0x3040];
	_ =	sdelay $0x2  }
0x11d: {  	v1 =	vld [tilespmem:s7+$0x1D740];
	_ =	sdelay $0x4  }
0x11e: {  	[tilespmem:v0+s1+$0x0] =	vst.idx.add.f32.msk $0xffff, v1  }
0x11f: {  	v0 =	vld [tilespmem:s7+$0x3050];
	_ =	sdelay $0x2  }
0x120: {  	v1 =	vld [tilespmem:s7+$0x1D750];
	_ =	sdelay $0x4  }
0x121: {  	[tilespmem:v0+s1+$0x0] =	vst.idx.add.f32.msk $0xffff, v1  }
0x122: {  	v0 =	vld [tilespmem:s7+$0x3060];
	_ =	sdelay $0x2  }
0x123: {  	v1 =	vld [tilespmem:s7+$0x1D760];
	_ =	sdelay $0x4  }
0x124: {  	[tilespmem:v0+s1+$0x0] =	vst.idx.add.f32.msk $0xffff, v1  }
0x125: {  	v0 =	vld [tilespmem:s7+$0x3070];
	_ =	sdelay $0x2  }
0x126: {  	p0 =	sne.s32 s6, $0x3E00;
	v1 =	vld [tilespmem:s7+$0x1D770]  }
.Ltmp7:
0x127: {  	_ = 	snop;
	(pc) =	sbr.rel @p0 .LBB2_16-.Ltmp7, $2  }
0x128: {  	_ =	sdelay $0x2  }
0x129: {  	s6 =	sadd.s32 $0x200, s6;
	[tilespmem:v0+s1+$0x0] =	vst.idx.add.f32.msk $0xffff, v1  }
0x12a: {  	[hbm4b:s21+s30] =	stream.strided.scatter [tilespmem:s1], [sflag:$0x4], $0x18700, s31, s30, $0x38;
	[tilespmem:$0x1E700] =	vst v63  }
0x12b: {  	_ =	swait.ge [sflag:s0], $0x18700  }
0x12c: {  	[sflag:s0] =	ssyncset.done $0x0  }
0x12d: {  	[sflag:s0] =	ssyncadd.s32 $0xFFFE7900  }
0x12e: {  	[tilespmem:s22], [sflag:$0x1] =	stream.strided.gather [hbm4b:s10+s30], $0x1000, s31, s30, $0x38;
	[tilespmem:$0x1E700] =	vst v63  }
0x12f: {  	_ = 	snop  }
0x130: {  	[tilespmem:s1], [sflag:$0x4] =	stream.strided.gather [hbm4b:s23+s30], $0x18700, s31, s30, $0x38;
	[tilespmem:$0x1E700] =	vst v63  }
0x131: {  	_ =	swait.ge [sflag:s0], $0x18700  }
0x132: {  	[sflag:s0] =	ssyncset.done $0x0  }
0x133: {  	[sflag:s0] =	ssyncadd.s32 $0xFFFE7900  }
0x134: {  	_ =	swait.ge [sflag:s2], $0x1000  }
0x135: {  	[sflag:s2] =	ssyncset.done $0x0  }
0x136: {  	s6 =	simm.s32 $0x0;
	[sflag:s2] =	ssyncadd.s32 $0xFFFFF000  }
0x137: {  	[tilespmem:s3], [sflag:$0x2] =	stream.strided.gather [hbm4b:s11+s30], $0x1000, s31, s30, $0x38;
	[tilespmem:$0x1E700] =	vst v63  }
.LBB2_18:
0x138: {  	s7 =	sshra.s32 s6, $0x2  }
0x139: {  	v0 =	vld [tilespmem:s7+$0x0];
	_ =	sdelay $0x2  }
0x13a: {  	v1 =	vld [tilespmem:s7+$0x1C700];
	_ =	sdelay $0x4  }
0x13b: {  	[tilespmem:v0+s1+$0x0] =	vst.idx.add.f32.msk $0xffff, v1  }
0x13c: {  	v0 =	vld [tilespmem:s7+$0x10];
	_ =	sdelay $0x2  }
0x13d: {  	v1 =	vld [tilespmem:s7+$0x1C710];
	_ =	sdelay $0x4  }
0x13e: {  	[tilespmem:v0+s1+$0x0] =	vst.idx.add.f32.msk $0xffff, v1  }
0x13f: {  	v0 =	vld [tilespmem:s7+$0x20];
	_ =	sdelay $0x2  }
0x140: {  	v1 =	vld [tilespmem:s7+$0x1C720];
	_ =	sdelay $0x4  }
0x141: {  	[tilespmem:v0+s1+$0x0] =	vst.idx.add.f32.msk $0xffff, v1  }
0x142: {  	v0 =	vld [tilespmem:s7+$0x30];
	_ =	sdelay $0x2  }
0x143: {  	v1 =	vld [tilespmem:s7+$0x1C730];
	_ =	sdelay $0x4  }
0x144: {  	[tilespmem:v0+s1+$0x0] =	vst.idx.add.f32.msk $0xffff, v1  }
0x145: {  	v0 =	vld [tilespmem:s7+$0x40];
	_ =	sdelay $0x2  }
0x146: {  	v1 =	vld [tilespmem:s7+$0x1C740];
	_ =	sdelay $0x4  }
0x147: {  	[tilespmem:v0+s1+$0x0] =	vst.idx.add.f32.msk $0xffff, v1  }
0x148: {  	v0 =	vld [tilespmem:s7+$0x50];
	_ =	sdelay $0x2  }
0x149: {  	v1 =	vld [tilespmem:s7+$0x1C750];
	_ =	sdelay $0x4  }
0x14a: {  	[tilespmem:v0+s1+$0x0] =	vst.idx.add.f32.msk $0xffff, v1  }
0x14b: {  	v0 =	vld [tilespmem:s7+$0x60];
	_ =	sdelay $0x2  }
0x14c: {  	v1 =	vld [tilespmem:s7+$0x1C760];
	_ =	sdelay $0x4  }
0x14d: {  	[tilespmem:v0+s1+$0x0] =	vst.idx.add.f32.msk $0xffff, v1  }
0x14e: {  	v0 =	vld [tilespmem:s7+$0x70];
	_ =	sdelay $0x2  }
0x14f: {  	p0 =	sne.s32 s6, $0x3E00;
	v1 =	vld [tilespmem:s7+$0x1C770]  }
.Ltmp8:
0x150: {  	_ = 	snop;
	(pc) =	sbr.rel @p0 .LBB2_18-.Ltmp8, $2  }
0x151: {  	_ =	sdelay $0x2  }
0x152: {  	s6 =	sadd.s32 $0x200, s6;
	[tilespmem:v0+s1+$0x0] =	vst.idx.add.f32.msk $0xffff, v1  }
0x153: {  	_ =	swait.ge [sflag:s4], $0x1000  }
0x154: {  	[sflag:s4] =	ssyncset.done $0x0  }
0x155: {  	s6 =	simm.s32 $0x0;
	[sflag:s4] =	ssyncadd.s32 $0xFFFFF000  }
0x156: {  	[tilespmem:s22], [sflag:$0x1] =	stream.strided.gather [hbm4b:s12+s30], $0x1000, s31, s30, $0x38;
	[tilespmem:$0x1E700] =	vst v63  }
.LBB2_20:
0x157: {  	s7 =	sshra.s32 s6, $0x2  }
0x158: {  	v0 =	vld [tilespmem:s7+$0x1000];
	_ =	sdelay $0x2  }
0x159: {  	v1 =	vld [tilespmem:s7+$0x1D700];
	_ =	sdelay $0x4  }
0x15a: {  	[tilespmem:v0+s1+$0x0] =	vst.idx.add.f32.msk $0xffff, v1  }
0x15b: {  	v0 =	vld [tilespmem:s7+$0x1010];
	_ =	sdelay $0x2  }
0x15c: {  	v1 =	vld [tilespmem:s7+$0x1D710];
	_ =	sdelay $0x4  }
0x15d: {  	[tilespmem:v0+s1+$0x0] =	vst.idx.add.f32.msk $0xffff, v1  }
0x15e: {  	v0 =	vld [tilespmem:s7+$0x1020];
	_ =	sdelay $0x2  }
0x15f: {  	v1 =	vld [tilespmem:s7+$0x1D720];
	_ =	sdelay $0x4  }
0x160: {  	[tilespmem:v0+s1+$0x0] =	vst.idx.add.f32.msk $0xffff, v1  }
0x161: {  	v0 =	vld [tilespmem:s7+$0x1030];
	_ =	sdelay $0x2  }
0x162: {  	v1 =	vld [tilespmem:s7+$0x1D730];
	_ =	sdelay $0x4  }
0x163: {  	[tilespmem:v0+s1+$0x0] =	vst.idx.add.f32.msk $0xffff, v1  }
0x164: {  	v0 =	vld [tilespmem:s7+$0x1040];
	_ =	sdelay $0x2  }
0x165: {  	v1 =	vld [tilespmem:s7+$0x1D740];
	_ =	sdelay $0x4  }
0x166: {  	[tilespmem:v0+s1+$0x0] =	vst.idx.add.f32.msk $0xffff, v1  }
0x167: {  	v0 =	vld [tilespmem:s7+$0x1050];
	_ =	sdelay $0x2  }
0x168: {  	v1 =	vld [tilespmem:s7+$0x1D750];
	_ =	sdelay $0x4  }
0x169: {  	[tilespmem:v0+s1+$0x0] =	vst.idx.add.f32.msk $0xffff, v1  }
0x16a: {  	v0 =	vld [tilespmem:s7+$0x1060];
	_ =	sdelay $0x2  }
0x16b: {  	v1 =	vld [tilespmem:s7+$0x1D760];
	_ =	sdelay $0x4  }
0x16c: {  	[tilespmem:v0+s1+$0x0] =	vst.idx.add.f32.msk $0xffff, v1  }
0x16d: {  	v0 =	vld [tilespmem:s7+$0x1070];
	_ =	sdelay $0x2  }
0x16e: {  	p0 =	sne.s32 s6, $0x3E00;
	v1 =	vld [tilespmem:s7+$0x1D770]  }
.Ltmp9:
0x16f: {  	_ = 	snop;
	(pc) =	sbr.rel @p0 .LBB2_20-.Ltmp9, $2  }
0x170: {  	_ =	sdelay $0x2  }
0x171: {  	s6 =	sadd.s32 $0x200, s6;
	[tilespmem:v0+s1+$0x0] =	vst.idx.add.f32.msk $0xffff, v1  }
0x172: {  	_ =	swait.ge [sflag:s2], $0x1000  }
0x173: {  	[sflag:s2] =	ssyncset.done $0x0  }
0x174: {  	s6 =	simm.s32 $0x0;
	[sflag:s2] =	ssyncadd.s32 $0xFFFFF000  }
0x175: {  	[tilespmem:s3], [sflag:$0x2] =	stream.strided.gather [hbm4b:s13+s30], $0x1000, s31, s30, $0x38;
	[tilespmem:$0x1E700] =	vst v63  }
.LBB2_22:
0x176: {  	s7 =	sshra.s32 s6, $0x2  }
0x177: {  	v0 =	vld [tilespmem:s7+$0x2000];
	_ =	sdelay $0x2  }
0x178: {  	v1 =	vld [tilespmem:s7+$0x1C700];
	_ =	sdelay $0x4  }
0x179: {  	[tilespmem:v0+s1+$0x0] =	vst.idx.add.f32.msk $0xffff, v1  }
0x17a: {  	v0 =	vld [tilespmem:s7+$0x2010];
	_ =	sdelay $0x2  }
0x17b: {  	v1 =	vld [tilespmem:s7+$0x1C710];
	_ =	sdelay $0x4  }
0x17c: {  	[tilespmem:v0+s1+$0x0] =	vst.idx.add.f32.msk $0xffff, v1  }
0x17d: {  	v0 =	vld [tilespmem:s7+$0x2020];
	_ =	sdelay $0x2  }
0x17e: {  	v1 =	vld [tilespmem:s7+$0x1C720];
	_ =	sdelay $0x4  }
0x17f: {  	[tilespmem:v0+s1+$0x0] =	vst.idx.add.f32.msk $0xffff, v1  }
0x180: {  	v0 =	vld [tilespmem:s7+$0x2030];
	_ =	sdelay $0x2  }
0x181: {  	v1 =	vld [tilespmem:s7+$0x1C730];
	_ =	sdelay $0x4  }
0x182: {  	[tilespmem:v0+s1+$0x0] =	vst.idx.add.f32.msk $0xffff, v1  }
0x183: {  	v0 =	vld [tilespmem:s7+$0x2040];
	_ =	sdelay $0x2  }
0x184: {  	v1 =	vld [tilespmem:s7+$0x1C740];
	_ =	sdelay $0x4  }
0x185: {  	[tilespmem:v0+s1+$0x0] =	vst.idx.add.f32.msk $0xffff, v1  }
0x186: {  	v0 =	vld [tilespmem:s7+$0x2050];
	_ =	sdelay $0x2  }
0x187: {  	v1 =	vld [tilespmem:s7+$0x1C750];
	_ =	sdelay $0x4  }
0x188: {  	[tilespmem:v0+s1+$0x0] =	vst.idx.add.f32.msk $0xffff, v1  }
0x189: {  	v0 =	vld [tilespmem:s7+$0x2060];
	_ =	sdelay $0x2  }
0x18a: {  	v1 =	vld [tilespmem:s7+$0x1C760];
	_ =	sdelay $0x4  }
0x18b: {  	[tilespmem:v0+s1+$0x0] =	vst.idx.add.f32.msk $0xffff, v1  }
0x18c: {  	v0 =	vld [tilespmem:s7+$0x2070];
	_ =	sdelay $0x2  }
0x18d: {  	p0 =	sne.s32 s6, $0x3E00;
	v1 =	vld [tilespmem:s7+$0x1C770]  }
.Ltmp10:
0x18e: {  	_ = 	snop;
	(pc) =	sbr.rel @p0 .LBB2_22-.Ltmp10, $2  }
0x18f: {  	_ =	sdelay $0x2  }
0x190: {  	s6 =	sadd.s32 $0x200, s6;
	[tilespmem:v0+s1+$0x0] =	vst.idx.add.f32.msk $0xffff, v1  }
0x191: {  	_ =	swait.ge [sflag:s4], $0x1000  }
0x192: {  	[sflag:s4] =	ssyncset.done $0x0  }
0x193: {  	s6 =	simm.s32 $0x0;
	[sflag:s4] =	ssyncadd.s32 $0xFFFFF000  }
.LBB2_24:
0x194: {  	s7 =	sshra.s32 s6, $0x2  }
0x195: {  	v0 =	vld [tilespmem:s7+$0x3000];
	_ =	sdelay $0x2  }
0x196: {  	v1 =	vld [tilespmem:s7+$0x1D700];
	_ =	sdelay $0x4  }
0x197: {  	[tilespmem:v0+s1+$0x0] =	vst.idx.add.f32.msk $0xffff, v1  }
0x198: {  	v0 =	vld [tilespmem:s7+$0x3010];
	_ =	sdelay $0x2  }
0x199: {  	v1 =	vld [tilespmem:s7+$0x1D710];
	_ =	sdelay $0x4  }
0x19a: {  	[tilespmem:v0+s1+$0x0] =	vst.idx.add.f32.msk $0xffff, v1  }
0x19b: {  	v0 =	vld [tilespmem:s7+$0x3020];
	_ =	sdelay $0x2  }
0x19c: {  	v1 =	vld [tilespmem:s7+$0x1D720];
	_ =	sdelay $0x4  }
0x19d: {  	[tilespmem:v0+s1+$0x0] =	vst.idx.add.f32.msk $0xffff, v1  }
0x19e: {  	v0 =	vld [tilespmem:s7+$0x3030];
	_ =	sdelay $0x2  }
0x19f: {  	v1 =	vld [tilespmem:s7+$0x1D730];
	_ =	sdelay $0x4  }
0x1a0: {  	[tilespmem:v0+s1+$0x0] =	vst.idx.add.f32.msk $0xffff, v1  }
0x1a1: {  	v0 =	vld [tilespmem:s7+$0x3040];
	_ =	sdelay $0x2  }
0x1a2: {  	v1 =	vld [tilespmem:s7+$0x1D740];
	_ =	sdelay $0x4  }
0x1a3: {  	[tilespmem:v0+s1+$0x0] =	vst.idx.add.f32.msk $0xffff, v1  }
0x1a4: {  	v0 =	vld [tilespmem:s7+$0x3050];
	_ =	sdelay $0x2  }
0x1a5: {  	v1 =	vld [tilespmem:s7+$0x1D750];
	_ =	sdelay $0x4  }
0x1a6: {  	[tilespmem:v0+s1+$0x0] =	vst.idx.add.f32.msk $0xffff, v1  }
0x1a7: {  	v0 =	vld [tilespmem:s7+$0x3060];
	_ =	sdelay $0x2  }
0x1a8: {  	v1 =	vld [tilespmem:s7+$0x1D760];
	_ =	sdelay $0x4  }
0x1a9: {  	[tilespmem:v0+s1+$0x0] =	vst.idx.add.f32.msk $0xffff, v1  }
0x1aa: {  	v0 =	vld [tilespmem:s7+$0x3070];
	_ =	sdelay $0x2  }
0x1ab: {  	p0 =	sne.s32 s6, $0x3E00;
	v1 =	vld [tilespmem:s7+$0x1D770]  }
.Ltmp11:
0x1ac: {  	_ = 	snop;
	(pc) =	sbr.rel @p0 .LBB2_24-.Ltmp11, $2  }
0x1ad: {  	_ =	sdelay $0x2  }
0x1ae: {  	s6 =	sadd.s32 $0x200, s6;
	[tilespmem:v0+s1+$0x0] =	vst.idx.add.f32.msk $0xffff, v1  }
0x1af: {  	[hbm4b:s24+s30] =	stream.strided.scatter [tilespmem:s1], [sflag:$0x4], $0x18700, s31, s30, $0x38;
	[tilespmem:$0x1E700] =	vst v63  }
0x1b0: {  	_ =	swait.ge [sflag:s0], $0x18700  }
0x1b1: {  	[sflag:s0] =	ssyncset.done $0x0  }
0x1b2: {  	[sflag:s0] =	ssyncadd.s32 $0xFFFE7900  }
0x1b3: {  	[tilespmem:s22], [sflag:$0x1] =	stream.strided.gather [hbm4b:s14+s30], $0x1000, s31, s30, $0x38;
	[tilespmem:$0x1E700] =	vst v63  }
0x1b4: {  	_ = 	snop  }
0x1b5: {  	[tilespmem:s1], [sflag:$0x4] =	stream.strided.gather [hbm4b:s26+s30], $0x18700, s31, s30, $0x38;
	[tilespmem:$0x1E700] =	vst v63  }
0x1b6: {  	_ =	swait.ge [sflag:s0], $0x18700  }
0x1b7: {  	[sflag:s0] =	ssyncset.done $0x0  }
0x1b8: {  	[sflag:s0] =	ssyncadd.s32 $0xFFFE7900  }
0x1b9: {  	_ =	swait.ge [sflag:s2], $0x1000  }
0x1ba: {  	[sflag:s2] =	ssyncset.done $0x0  }
0x1bb: {  	s6 =	simm.s32 $0x0;
	[sflag:s2] =	ssyncadd.s32 $0xFFFFF000  }
0x1bc: {  	[tilespmem:s3], [sflag:$0x2] =	stream.strided.gather [hbm4b:s15+s30], $0x1000, s31, s30, $0x38;
	[tilespmem:$0x1E700] =	vst v63  }
.LBB2_26:
0x1bd: {  	s7 =	sshra.s32 s6, $0x2  }
0x1be: {  	v0 =	vld [tilespmem:s7+$0x0];
	_ =	sdelay $0x2  }
0x1bf: {  	v1 =	vld [tilespmem:s7+$0x1C700];
	_ =	sdelay $0x4  }
0x1c0: {  	[tilespmem:v0+s1+$0x0] =	vst.idx.add.f32.msk $0xffff, v1  }
0x1c1: {  	v0 =	vld [tilespmem:s7+$0x10];
	_ =	sdelay $0x2  }
0x1c2: {  	v1 =	vld [tilespmem:s7+$0x1C710];
	_ =	sdelay $0x4  }
0x1c3: {  	[tilespmem:v0+s1+$0x0] =	vst.idx.add.f32.msk $0xffff, v1  }
0x1c4: {  	v0 =	vld [tilespmem:s7+$0x20];
	_ =	sdelay $0x2  }
0x1c5: {  	v1 =	vld [tilespmem:s7+$0x1C720];
	_ =	sdelay $0x4  }
0x1c6: {  	[tilespmem:v0+s1+$0x0] =	vst.idx.add.f32.msk $0xffff, v1  }
0x1c7: {  	v0 =	vld [tilespmem:s7+$0x30];
	_ =	sdelay $0x2  }
0x1c8: {  	v1 =	vld [tilespmem:s7+$0x1C730];
	_ =	sdelay $0x4  }
0x1c9: {  	[tilespmem:v0+s1+$0x0] =	vst.idx.add.f32.msk $0xffff, v1  }
0x1ca: {  	v0 =	vld [tilespmem:s7+$0x40];
	_ =	sdelay $0x2  }
0x1cb: {  	v1 =	vld [tilespmem:s7+$0x1C740];
	_ =	sdelay $0x4  }
0x1cc: {  	[tilespmem:v0+s1+$0x0] =	vst.idx.add.f32.msk $0xffff, v1  }
0x1cd: {  	v0 =	vld [tilespmem:s7+$0x50];
	_ =	sdelay $0x2  }
0x1ce: {  	v1 =	vld [tilespmem:s7+$0x1C750];
	_ =	sdelay $0x4  }
0x1cf: {  	[tilespmem:v0+s1+$0x0] =	vst.idx.add.f32.msk $0xffff, v1  }
0x1d0: {  	v0 =	vld [tilespmem:s7+$0x60];
	_ =	sdelay $0x2  }
0x1d1: {  	v1 =	vld [tilespmem:s7+$0x1C760];
	_ =	sdelay $0x4  }
0x1d2: {  	[tilespmem:v0+s1+$0x0] =	vst.idx.add.f32.msk $0xffff, v1  }
0x1d3: {  	v0 =	vld [tilespmem:s7+$0x70];
	_ =	sdelay $0x2  }
0x1d4: {  	p0 =	sne.s32 s6, $0x3E00;
	v1 =	vld [tilespmem:s7+$0x1C770]  }
.Ltmp12:
0x1d5: {  	_ = 	snop;
	(pc) =	sbr.rel @p0 .LBB2_26-.Ltmp12, $2  }
0x1d6: {  	_ =	sdelay $0x2  }
0x1d7: {  	s6 =	sadd.s32 $0x200, s6;
	[tilespmem:v0+s1+$0x0] =	vst.idx.add.f32.msk $0xffff, v1  }
0x1d8: {  	_ =	swait.ge [sflag:s4], $0x1000  }
0x1d9: {  	[sflag:s4] =	ssyncset.done $0x0  }
0x1da: {  	s6 =	simm.s32 $0x0;
	[sflag:s4] =	ssyncadd.s32 $0xFFFFF000  }
0x1db: {  	[tilespmem:s22], [sflag:$0x1] =	stream.strided.gather [hbm4b:s16+s30], $0x1000, s31, s30, $0x38;
	[tilespmem:$0x1E700] =	vst v63  }
.LBB2_28:
0x1dc: {  	s7 =	sshra.s32 s6, $0x2  }
0x1dd: {  	v0 =	vld [tilespmem:s7+$0x1000];
	_ =	sdelay $0x2  }
0x1de: {  	v1 =	vld [tilespmem:s7+$0x1D700];
	_ =	sdelay $0x4  }
0x1df: {  	[tilespmem:v0+s1+$0x0] =	vst.idx.add.f32.msk $0xffff, v1  }
0x1e0: {  	v0 =	vld [tilespmem:s7+$0x1010];
	_ =	sdelay $0x2  }
0x1e1: {  	v1 =	vld [tilespmem:s7+$0x1D710];
	_ =	sdelay $0x4  }
0x1e2: {  	[tilespmem:v0+s1+$0x0] =	vst.idx.add.f32.msk $0xffff, v1  }
0x1e3: {  	v0 =	vld [tilespmem:s7+$0x1020];
	_ =	sdelay $0x2  }
0x1e4: {  	v1 =	vld [tilespmem:s7+$0x1D720];
	_ =	sdelay $0x4  }
0x1e5: {  	[tilespmem:v0+s1+$0x0] =	vst.idx.add.f32.msk $0xffff, v1  }
0x1e6: {  	v0 =	vld [tilespmem:s7+$0x1030];
	_ =	sdelay $0x2  }
0x1e7: {  	v1 =	vld [tilespmem:s7+$0x1D730];
	_ =	sdelay $0x4  }
0x1e8: {  	[tilespmem:v0+s1+$0x0] =	vst.idx.add.f32.msk $0xffff, v1  }
0x1e9: {  	v0 =	vld [tilespmem:s7+$0x1040];
	_ =	sdelay $0x2  }
0x1ea: {  	v1 =	vld [tilespmem:s7+$0x1D740];
	_ =	sdelay $0x4  }
0x1eb: {  	[tilespmem:v0+s1+$0x0] =	vst.idx.add.f32.msk $0xffff, v1  }
0x1ec: {  	v0 =	vld [tilespmem:s7+$0x1050];
	_ =	sdelay $0x2  }
0x1ed: {  	v1 =	vld [tilespmem:s7+$0x1D750];
	_ =	sdelay $0x4  }
0x1ee: {  	[tilespmem:v0+s1+$0x0] =	vst.idx.add.f32.msk $0xffff, v1  }
0x1ef: {  	v0 =	vld [tilespmem:s7+$0x1060];
	_ =	sdelay $0x2  }
0x1f0: {  	v1 =	vld [tilespmem:s7+$0x1D760];
	_ =	sdelay $0x4  }
0x1f1: {  	[tilespmem:v0+s1+$0x0] =	vst.idx.add.f32.msk $0xffff, v1  }
0x1f2: {  	v0 =	vld [tilespmem:s7+$0x1070];
	_ =	sdelay $0x2  }
0x1f3: {  	p0 =	sne.s32 s6, $0x3E00;
	v1 =	vld [tilespmem:s7+$0x1D770]  }
.Ltmp13:
0x1f4: {  	_ = 	snop;
	(pc) =	sbr.rel @p0 .LBB2_28-.Ltmp13, $2  }
0x1f5: {  	_ =	sdelay $0x2  }
0x1f6: {  	s6 =	sadd.s32 $0x200, s6;
	[tilespmem:v0+s1+$0x0] =	vst.idx.add.f32.msk $0xffff, v1  }
0x1f7: {  	_ =	swait.ge [sflag:s2], $0x1000  }
0x1f8: {  	[sflag:s2] =	ssyncset.done $0x0  }
0x1f9: {  	s6 =	simm.s32 $0x0;
	[sflag:s2] =	ssyncadd.s32 $0xFFFFF000  }
0x1fa: {  	[tilespmem:s3], [sflag:$0x2] =	stream.strided.gather [hbm4b:s17+s30], $0x1000, s31, s30, $0x38;
	[tilespmem:$0x1E700] =	vst v63  }
.LBB2_30:
0x1fb: {  	s7 =	sshra.s32 s6, $0x2  }
0x1fc: {  	v0 =	vld [tilespmem:s7+$0x2000];
	_ =	sdelay $0x2  }
0x1fd: {  	v1 =	vld [tilespmem:s7+$0x1C700];
	_ =	sdelay $0x4  }
0x1fe: {  	[tilespmem:v0+s1+$0x0] =	vst.idx.add.f32.msk $0xffff, v1  }
0x1ff: {  	v0 =	vld [tilespmem:s7+$0x2010];
	_ =	sdelay $0x2  }
0x200: {  	v1 =	vld [tilespmem:s7+$0x1C710];
	_ =	sdelay $0x4  }
0x201: {  	[tilespmem:v0+s1+$0x0] =	vst.idx.add.f32.msk $0xffff, v1  }
0x202: {  	v0 =	vld [tilespmem:s7+$0x2020];
	_ =	sdelay $0x2  }
0x203: {  	v1 =	vld [tilespmem:s7+$0x1C720];
	_ =	sdelay $0x4  }
0x204: {  	[tilespmem:v0+s1+$0x0] =	vst.idx.add.f32.msk $0xffff, v1  }
0x205: {  	v0 =	vld [tilespmem:s7+$0x2030];
	_ =	sdelay $0x2  }
0x206: {  	v1 =	vld [tilespmem:s7+$0x1C730];
	_ =	sdelay $0x4  }
0x207: {  	[tilespmem:v0+s1+$0x0] =	vst.idx.add.f32.msk $0xffff, v1  }
0x208: {  	v0 =	vld [tilespmem:s7+$0x2040];
	_ =	sdelay $0x2  }
0x209: {  	v1 =	vld [tilespmem:s7+$0x1C740];
	_ =	sdelay $0x4  }
0x20a: {  	[tilespmem:v0+s1+$0x0] =	vst.idx.add.f32.msk $0xffff, v1  }
0x20b: {  	v0 =	vld [tilespmem:s7+$0x2050];
	_ =	sdelay $0x2  }
0x20c: {  	v1 =	vld [tilespmem:s7+$0x1C750];
	_ =	sdelay $0x4  }
0x20d: {  	[tilespmem:v0+s1+$0x0] =	vst.idx.add.f32.msk $0xffff, v1  }
0x20e: {  	v0 =	vld [tilespmem:s7+$0x2060];
	_ =	sdelay $0x2  }
0x20f: {  	v1 =	vld [tilespmem:s7+$0x1C760];
	_ =	sdelay $0x4  }
0x210: {  	[tilespmem:v0+s1+$0x0] =	vst.idx.add.f32.msk $0xffff, v1  }
0x211: {  	v0 =	vld [tilespmem:s7+$0x2070];
	_ =	sdelay $0x2  }
0x212: {  	p0 =	sne.s32 s6, $0x3E00;
	v1 =	vld [tilespmem:s7+$0x1C770]  }
.Ltmp14:
0x213: {  	_ = 	snop;
	(pc) =	sbr.rel @p0 .LBB2_30-.Ltmp14, $2  }
0x214: {  	_ =	sdelay $0x2  }
0x215: {  	s6 =	sadd.s32 $0x200, s6;
	[tilespmem:v0+s1+$0x0] =	vst.idx.add.f32.msk $0xffff, v1  }
0x216: {  	_ =	swait.ge [sflag:s4], $0x1000  }
0x217: {  	[sflag:s4] =	ssyncset.done $0x0  }
0x218: {  	s6 =	simm.s32 $0x0;
	[sflag:s4] =	ssyncadd.s32 $0xFFFFF000  }
.LBB2_32:
0x219: {  	s7 =	sshra.s32 s6, $0x2  }
0x21a: {  	v0 =	vld [tilespmem:s7+$0x3000];
	_ =	sdelay $0x2  }
0x21b: {  	v1 =	vld [tilespmem:s7+$0x1D700];
	_ =	sdelay $0x4  }
0x21c: {  	[tilespmem:v0+s1+$0x0] =	vst.idx.add.f32.msk $0xffff, v1  }
0x21d: {  	v0 =	vld [tilespmem:s7+$0x3010];
	_ =	sdelay $0x2  }
0x21e: {  	v1 =	vld [tilespmem:s7+$0x1D710];
	_ =	sdelay $0x4  }
0x21f: {  	[tilespmem:v0+s1+$0x0] =	vst.idx.add.f32.msk $0xffff, v1  }
0x220: {  	v0 =	vld [tilespmem:s7+$0x3020];
	_ =	sdelay $0x2  }
0x221: {  	v1 =	vld [tilespmem:s7+$0x1D720];
	_ =	sdelay $0x4  }
0x222: {  	[tilespmem:v0+s1+$0x0] =	vst.idx.add.f32.msk $0xffff, v1  }
0x223: {  	v0 =	vld [tilespmem:s7+$0x3030];
	_ =	sdelay $0x2  }
0x224: {  	v1 =	vld [tilespmem:s7+$0x1D730];
	_ =	sdelay $0x4  }
0x225: {  	[tilespmem:v0+s1+$0x0] =	vst.idx.add.f32.msk $0xffff, v1  }
0x226: {  	v0 =	vld [tilespmem:s7+$0x3040];
	_ =	sdelay $0x2  }
0x227: {  	v1 =	vld [tilespmem:s7+$0x1D740];
	_ =	sdelay $0x4  }
0x228: {  	[tilespmem:v0+s1+$0x0] =	vst.idx.add.f32.msk $0xffff, v1  }
0x229: {  	v0 =	vld [tilespmem:s7+$0x3050];
	_ =	sdelay $0x2  }
0x22a: {  	v1 =	vld [tilespmem:s7+$0x1D750];
	_ =	sdelay $0x4  }
0x22b: {  	[tilespmem:v0+s1+$0x0] =	vst.idx.add.f32.msk $0xffff, v1  }
0x22c: {  	v0 =	vld [tilespmem:s7+$0x3060];
	_ =	sdelay $0x2  }
0x22d: {  	v1 =	vld [tilespmem:s7+$0x1D760];
	_ =	sdelay $0x4  }
0x22e: {  	[tilespmem:v0+s1+$0x0] =	vst.idx.add.f32.msk $0xffff, v1  }
0x22f: {  	v0 =	vld [tilespmem:s7+$0x3070];
	_ =	sdelay $0x2  }
0x230: {  	p0 =	sne.s32 s6, $0x3E00;
	v1 =	vld [tilespmem:s7+$0x1D770]  }
.Ltmp15:
0x231: {  	_ = 	snop;
	(pc) =	sbr.rel @p0 .LBB2_32-.Ltmp15, $2  }
0x232: {  	_ =	sdelay $0x2  }
0x233: {  	s6 =	sadd.s32 $0x200, s6;
	[tilespmem:v0+s1+$0x0] =	vst.idx.add.f32.msk $0xffff, v1  }
0x234: {  	s5 =	sadd.s32 $0x1, s5  }
0x235: {  	p0 =	sne.s32 s5, s29  }
.Ltmp16:
0x236: {  	_ = 	snop;
	(pc) =	sbr.rel @p0 .LBB2_1-.Ltmp16, $4  }
0x237: {  	[hbm4b:s28+s30] =	stream.strided.scatter [tilespmem:s1], [sflag:$0x4], $0x18700, s31, s30, $0x38;
	[tilespmem:$0x1E700] =	vst v63  }
0x238: {  	_ =	swait.ge [sflag:s0], $0x18700  }
0x239: {  	[sflag:s0] =	ssyncset.done $0x0  }
0x23a: {  	[sflag:s0] =	ssyncadd.s32 $0xFFFE7900  }
0x23b: {  	_ =	sfence.sel $0x180000  }
0x23c: {  	[bflag:$0x0] =	sbarrier.arrive $0xFFFF  }
0x23d: {  	_ =	strace $0x90000047  }
0x23e: {  	s0 =	stileid.u32;
	[bflag:$0x2] =	sbarrier.arrive $0xFFFF  }
0x23f: {  	p0 =	sne.s32 s0, $0x0;
	s0 =	rddreg [dreg:$0x3]  }
0x240: {  	s0 =	sadd.s32 @!p0 $0x100000, s0  }
0x241: {  	[sflag:s0] =	ssyncadd.tile.s32 @!p0 $0x1;
	_ =	shalt  }
.Lfunc_end2:
_tile_overlayer_lowered:
.L_overlay_start_2:
0x242: {  	(tag) =	ssettag $0x2  }
0x243: {  	s0 =	rddreg [dreg:$0x0];
	s2 =	stileid.u32  }
0x244: {  	s1 =	rddreg [dreg:$0x1];
	p0 =	sne.s32 s2, $0x0  }
0x245: {  	s3 =	rddreg [dreg:$0x2];
	[bflag:$0x3] =	sbarrier.arrive $0xFFFF;
	s2 =	simm.s32 @!p0 $0x1C04  }
0x246: {  	[timem:s3], [sflag:s2] =	dma.local @!p0 [hbm:s0], s1  }
0x247: {  	s0 =	simm.s32 @!p0 $0x4  }
0x248: {  	_ =	swait.ge @!p0 [sflag:s0], s1  }
0x249: {  	s1 =	ssub.s32 @!p0 $0x0, s1;
	[sflag:s0] =	ssyncset.done @!p0 $0x0  }
0x24a: {  	[sflag:s0] =	ssyncadd.s32 @!p0 s1  }
0x24b: {  	[bflag:$0x3] =	sbarrier.arrive $0xFFFF  }
0x24c: {  	_ =	shalt  }

</sc_bundles>
